<compile_context>
chip_gen: v7x
topology: tpu7x:2x2x1
jax: 0.10.2.dev20260603
libtpu: 0.0.44.dev20260713+nightly
codegen_flags: <defaults>
</compile_context>

<pallas_src>
import jax
import jax.numpy as jnp
from jax import lax
from jax.experimental import pallas as pl
from jax.experimental.pallas import tpu as pltpu
from jax.experimental.pallas import tpu_sc as plsc

VOCAB = 1000000
EMBED_DIM = 64
BATCH = 16384
HIST = 50

NC, NS, L = 2, 16, 16
NW = NC * NS
B_TOTAL = BATCH * HIST
PER_W = B_TOTAL // NW

BBLK = 128
CB_PER_W = BATCH // BBLK // NW
HP = HIST // 2
UNITS = CB_PER_W * HP


def _body(table_h, idx_h, out_h, idx_v, gl0, gl1, g0, g1, tv, sem0, sem1):
    wid = lax.axis_index("s") * NC + lax.axis_index("c")
    pltpu.sync_copy(idx_h.at[pl.ds(wid * PER_W, PER_W)], idx_v)

    lane = lax.iota(jnp.int32, L)
    lane50 = lane * HIST

    def fire(u, gl, gb, sem):
        cbi = u // HP
        hp = u - cbi * HP
        qbase = cbi * (BBLK * HIST) + 2 * hp
        for m in range(BBLK // L):
            qv = qbase + m * (L * HIST) + lane50
            gl[pl.ds(m * L, L)] = plsc.load_gather(idx_v, [qv])
            gl[pl.ds(BBLK + m * L, L)] = plsc.load_gather(idx_v, [qv + 1])
        pltpu.async_copy(table_h.at[gl.at[pl.ds(0, BBLK)]],
                         gb.at[pl.ds(0, BBLK)], sem)
        pltpu.async_copy(table_h.at[gl.at[pl.ds(BBLK, BBLK)]],
                         gb.at[pl.ds(BBLK, BBLK)], sem)

    def drain(gb, sem):
        pltpu.make_async_copy(table_h.at[pl.ds(0, 2 * BBLK)], gb, sem).wait()

    kvec = lane & 7
    rvec = [q * 2 + (lane >> 3) for q in range(EMBED_DIM // L)]
    zero = lane * 0

    def transpose_write(u, gb):
        cbi = u // HP
        hp = u - cbi * HP

        for hh in range(2):
            hv = zero + hh

            @pl.loop(0, BBLK // 4)
            def _(jg):
                for dj in range(4):
                    j = jg * 4 + dj
                    jv = zero + j
                    for q in range(EMBED_DIM // L):
                        vals = gb[hh * BBLK + j, pl.ds(q * L, L)]
                        plsc.store_scatter(tv, [hv, rvec[q], kvec, jv], vals)

        cb = wid * CB_PER_W + cbi
        pltpu.sync_copy(tv.at[0, :, :, pl.ds(0, BBLK)],
                        out_h.at[2 * hp, :, cb])
        pltpu.sync_copy(tv.at[1, :, :, pl.ds(0, BBLK)],
                        out_h.at[2 * hp + 1, :, cb])

    fire(0, gl0, g0, sem0)

    @pl.loop(0, UNITS // 2)
    def _(i):
        u = 2 * i
        fire(u + 1, gl1, g1, sem1)
        drain(g0, sem0)
        transpose_write(u, g0)

        @pl.when(u + 2 < UNITS)
        def _():
            fire(u + 2, gl0, g0, sem0)

        drain(g1, sem1)
        transpose_write(u + 1, g1)


_gather = pl.kernel(
    _body,
    out_type=jax.ShapeDtypeStruct((HIST, 8, BATCH // BBLK, 8, BBLK),
                                  jnp.float32),
    mesh=plsc.VectorSubcoreMesh(core_axis_name="c", subcore_axis_name="s"),
    scratch_types=[
        pltpu.VMEM((PER_W,), jnp.int32),
        pltpu.VMEM((2 * BBLK,), jnp.int32),
        pltpu.VMEM((2 * BBLK,), jnp.int32),
        pltpu.VMEM((2 * BBLK, EMBED_DIM), jnp.float32),
        pltpu.VMEM((2 * BBLK, EMBED_DIM), jnp.float32),
        pltpu.VMEM((2, 8, 8, BBLK + 1), jnp.float32),
        pltpu.SemaphoreType.DMA,
        pltpu.SemaphoreType.DMA,
    ],
    compiler_params=pltpu.CompilerParams(use_tc_tiling_on_sc=False, needs_layout_passes=False),
)


def kernel(input_ids, table):
    idx1 = input_ids.reshape(-1)
    out5 = _gather(table, idx1)
    return out5.transpose(2, 4, 0, 1, 3).reshape(BATCH, HIST, EMBED_DIM)

# --- scband reference (transcript-rebuilt; emitter-appended) ---
"""Pipeline reference for scband-ig-lstmembedding-module-53669911331240 (READ-ONLY COPY).

The authoritative reference and input builder live on the scoring server;
editing this copy changes nothing except your own understanding.
"""

import jax, jax.numpy as jnp
import numpy as np

VOCAB = 1000000
EMBED_DIM = 64
BATCH = 16384
HIST = 50

def setup_inputs(seed: int = 0) -> dict:
    key = jax.random.key(seed)
    k_idx, k_tab = jax.random.split(key)
    input_ids = jax.random.randint(k_idx, (BATCH, HIST), 0, VOCAB, dtype=jnp.int64 if jax.config.read('jax_enable_x64') else jnp.int32)
    table = jax.random.normal(k_tab, (VOCAB, EMBED_DIM), dtype=jnp.float32) * 0.02
    return {"input_ids": input_ids, "table": table}

def reference(input_ids, table):
    # nn.Embedding forward: gather rows of the table by index
    return jnp.take(table, input_ids, axis=0)

if __name__ == "__main__":
    import jax
    _d = setup_inputs()
    print(jax.jit(kernel)(*tuple(_d.values())))

</pallas_src>

<mosaic_0001>
#map = affine_map<(d0, d1) -> (0, 0)>
#map1 = affine_map<(d0, d1) -> (0)>
#map2 = affine_map<(d0, d1) -> (0, 0, 0, 0, 0)>
module attributes {stable_mosaic.version = 14 : i64} {
  func.func @_body(%arg0: i32, %arg1: i32, %arg2: memref<1000000x64xf32, #tpu.memory_space<hbm>>, %arg3: memref<819200xi32, #tpu.memory_space<hbm>>, %arg4: memref<50x8x128x8x128xf32, #tpu.memory_space<hbm>>, %arg5: memref<25600xi32, #tpu.memory_space<vmem>>, %arg6: memref<256xi32, #tpu.memory_space<vmem>>, %arg7: memref<256xi32, #tpu.memory_space<vmem>>, %arg8: memref<256x64xf32, #tpu.memory_space<vmem>>, %arg9: memref<256x64xf32, #tpu.memory_space<vmem>>, %arg10: memref<2x8x8x129xf32, #tpu.memory_space<vmem>>, %arg11: memref<!tpu.dma_semaphore, #tpu.memory_space<semaphore_mem>>, %arg12: memref<!tpu.dma_semaphore, #tpu.memory_space<semaphore_mem>>) attributes {dimension_semantics = [#tpu.dimension_semantics<core_parallel>, #tpu.dimension_semantics<subcore_parallel>], iteration_bounds = array<i64: 2, 16>, scalar_prefetch = 0 : i64, scratch_operands = 8 : i64, tpu.core_type = #tpu.core_type<sc_vector_subcore>, window_params = [{transform_indices = #map}, {transform_indices = #map1}, {transform_indices = #map2}]} {
    %mul3A = arith.constant 2 : i32
    %mul3A_0 = arith.muli %arg1, %mul3A : i32
    %add3A = arith.addi %mul3A_0, %arg0 : i32
    %mul3A_1 = arith.constant 25600 : i32
    %mul3A_2 = arith.muli %add3A, %mul3A_1 : i32
    "tpu.region"() ({
      %run_scoped3A = tpu.sem_alloc : memref<!tpu.dma_semaphore, #tpu.memory_space<semaphore_mem>>
      %dma_start3A_147 = tpu.memref_slice %arg3[%mul3A_2] : memref<819200xi32, #tpu.memory_space<hbm>> -> memref<25600xi32, #tpu.memory_space<hbm>>
      %dma_start3A_148 = tpu.memref_slice %arg3[%mul3A_2] : memref<819200xi32, #tpu.memory_space<hbm>> -> memref<25600xi32, #tpu.memory_space<hbm>>
      tpu.enqueue_dma source(%dma_start3A_148 : memref<25600xi32, #tpu.memory_space<hbm>>) target(%arg5 : memref<25600xi32, #tpu.memory_space<vmem>>) target_semaphore(%run_scoped3A : memref<!tpu.dma_semaphore, #tpu.memory_space<semaphore_mem>>)
      %dma_wait3A = tpu.memref_slice %arg3[%mul3A_2] : memref<819200xi32, #tpu.memory_space<hbm>> -> memref<25600xi32, #tpu.memory_space<hbm>>
      %dma_wait3A_149 = tpu.memref_slice %arg3[%mul3A_2] : memref<819200xi32, #tpu.memory_space<hbm>> -> memref<25600xi32, #tpu.memory_space<hbm>>
      tpu.wait_dma2 semaphore(%run_scoped3A : memref<!tpu.dma_semaphore, #tpu.memory_space<semaphore_mem>>) src(%dma_wait3A_149 : memref<25600xi32, #tpu.memory_space<hbm>>) dst(%arg5 : memref<25600xi32, #tpu.memory_space<vmem>>)
      tpu.yield
    }) : () -> ()
    %iota3A = tpu.iota {dimensions = array<i32: 0>} : vector<16xi32>
    %mul3A_3 = arith.constant 50 : i32
    %mul3A_4 = vector.broadcast %mul3A_3 : i32 to vector<16xi32>
    %mul3A_5 = arith.muli %iota3A, %mul3A_4 : vector<16xi32>
    %and3A = arith.constant 7 : i32
    %and3A_6 = vector.broadcast %and3A : i32 to vector<16xi32>
    %and3A_7 = arith.andi %iota3A, %and3A_6 : vector<16xi32>
    %shift_right_arithmetic3A = arith.constant 3 : i32
    %shift_right_arithmetic3A_8 = vector.broadcast %shift_right_arithmetic3A : i32 to vector<16xi32>
    %shift_right_arithmetic3A_9 = arith.shrsi %iota3A, %shift_right_arithmetic3A_8 : vector<16xi32>
    %add3A_10 = arith.constant 0 : i32
    %add3A_11 = vector.broadcast %add3A_10 : i32 to vector<16xi32>
    %add3A_12 = arith.addi %add3A_11, %shift_right_arithmetic3A_9 : vector<16xi32>
    %shift_right_arithmetic3A_13 = arith.constant 3 : i32
    %shift_right_arithmetic3A_14 = vector.broadcast %shift_right_arithmetic3A_13 : i32 to vector<16xi32>
    %shift_right_arithmetic3A_15 = arith.shrsi %iota3A, %shift_right_arithmetic3A_14 : vector<16xi32>
    %add3A_16 = arith.constant 2 : i32
    %add3A_17 = vector.broadcast %add3A_16 : i32 to vector<16xi32>
    %add3A_18 = arith.addi %add3A_17, %shift_right_arithmetic3A_15 : vector<16xi32>
    %shift_right_arithmetic3A_19 = arith.constant 3 : i32
    %shift_right_arithmetic3A_20 = vector.broadcast %shift_right_arithmetic3A_19 : i32 to vector<16xi32>
    %shift_right_arithmetic3A_21 = arith.shrsi %iota3A, %shift_right_arithmetic3A_20 : vector<16xi32>
    %add3A_22 = arith.constant 4 : i32
    %add3A_23 = vector.broadcast %add3A_22 : i32 to vector<16xi32>
    %add3A_24 = arith.addi %add3A_23, %shift_right_arithmetic3A_21 : vector<16xi32>
    %shift_right_arithmetic3A_25 = arith.constant 3 : i32
    %shift_right_arithmetic3A_26 = vector.broadcast %shift_right_arithmetic3A_25 : i32 to vector<16xi32>
    %shift_right_arithmetic3A_27 = arith.shrsi %iota3A, %shift_right_arithmetic3A_26 : vector<16xi32>
    %add3A_28 = arith.constant 6 : i32
    %add3A_29 = vector.broadcast %add3A_28 : i32 to vector<16xi32>
    %add3A_30 = arith.addi %add3A_29, %shift_right_arithmetic3A_27 : vector<16xi32>
    %mul3A_31 = arith.constant 0 : i32
    %mul3A_32 = vector.broadcast %mul3A_31 : i32 to vector<16xi32>
    %mul3A_33 = arith.muli %iota3A, %mul3A_32 : vector<16xi32>
    %add3A_34 = arith.constant 0 : i32
    %add3A_35 = vector.broadcast %add3A_34 : i32 to vector<16xi32>
    %add3A_36 = arith.addi %add3A_35, %mul3A_5 : vector<16xi32>
    %gather3A = tpu.vector_load_idx %arg5[%add3A_36] : memref<25600xi32, #tpu.memory_space<vmem>>[vector<16xi32>], vector<16xi32>,
    %swap3A = arith.constant 0 : index
    %swap3A_37 = tpu.vector_load %arg6[%swap3A] {strides = array<i32>} : memref<256xi32, #tpu.memory_space<vmem>>, vector<16xi32>,
    tpu.vector_store %arg6[%swap3A], %gather3A {strides = array<i32>} : memref<256xi32, #tpu.memory_space<vmem>>, vector<16xi32>,
    %add3A_38 = arith.constant 1 : i32
    %add3A_39 = vector.broadcast %add3A_38 : i32 to vector<16xi32>
    %add3A_40 = arith.addi %add3A_36, %add3A_39 : vector<16xi32>
    %gather3A_41 = tpu.vector_load_idx %arg5[%add3A_40] : memref<25600xi32, #tpu.memory_space<vmem>>[vector<16xi32>], vector<16xi32>,
    %swap3A_42 = arith.constant 128 : index
    %swap3A_43 = tpu.vector_load %arg6[%swap3A_42] {strides = array<i32>} : memref<256xi32, #tpu.memory_space<vmem>>, vector<16xi32>,
    tpu.vector_store %arg6[%swap3A_42], %gather3A_41 {strides = array<i32>} : memref<256xi32, #tpu.memory_space<vmem>>, vector<16xi32>,
    %add3A_44 = arith.constant 800 : i32
    %add3A_45 = vector.broadcast %add3A_44 : i32 to vector<16xi32>
    %add3A_46 = arith.addi %add3A_45, %mul3A_5 : vector<16xi32>
    %gather3A_47 = tpu.vector_load_idx %arg5[%add3A_46] : memref<25600xi32, #tpu.memory_space<vmem>>[vector<16xi32>], vector<16xi32>,
    %swap3A_48 = arith.constant 16 : index
    %swap3A_49 = tpu.vector_load %arg6[%swap3A_48] {strides = array<i32>} : memref<256xi32, #tpu.memory_space<vmem>>, vector<16xi32>,
    tpu.vector_store %arg6[%swap3A_48], %gather3A_47 {strides = array<i32>} : memref<256xi32, #tpu.memory_space<vmem>>, vector<16xi32>,
    %add3A_50 = arith.constant 1 : i32
    %add3A_51 = vector.broadcast %add3A_50 : i32 to vector<16xi32>
    %add3A_52 = arith.addi %add3A_46, %add3A_51 : vector<16xi32>
    %gather3A_53 = tpu.vector_load_idx %arg5[%add3A_52] : memref<25600xi32, #tpu.memory_space<vmem>>[vector<16xi32>], vector<16xi32>,
    %swap3A_54 = arith.constant 144 : index
    %swap3A_55 = tpu.vector_load %arg6[%swap3A_54] {strides = array<i32>} : memref<256xi32, #tpu.memory_space<vmem>>, vector<16xi32>,
    tpu.vector_store %arg6[%swap3A_54], %gather3A_53 {strides = array<i32>} : memref<256xi32, #tpu.memory_space<vmem>>, vector<16xi32>,
    %add3A_56 = arith.constant 1600 : i32
    %add3A_57 = vector.broadcast %add3A_56 : i32 to vector<16xi32>
    %add3A_58 = arith.addi %add3A_57, %mul3A_5 : vector<16xi32>
    %gather3A_59 = tpu.vector_load_idx %arg5[%add3A_58] : memref<25600xi32, #tpu.memory_space<vmem>>[vector<16xi32>], vector<16xi32>,
    %swap3A_60 = arith.constant 32 : index
    %swap3A_61 = tpu.vector_load %arg6[%swap3A_60] {strides = array<i32>} : memref<256xi32, #tpu.memory_space<vmem>>, vector<16xi32>,
    tpu.vector_store %arg6[%swap3A_60], %gather3A_59 {strides = array<i32>} : memref<256xi32, #tpu.memory_space<vmem>>, vector<16xi32>,
    %add3A_62 = arith.constant 1 : i32
    %add3A_63 = vector.broadcast %add3A_62 : i32 to vector<16xi32>
    %add3A_64 = arith.addi %add3A_58, %add3A_63 : vector<16xi32>
    %gather3A_65 = tpu.vector_load_idx %arg5[%add3A_64] : memref<25600xi32, #tpu.memory_space<vmem>>[vector<16xi32>], vector<16xi32>,
    %swap3A_66 = arith.constant 160 : index
    %swap3A_67 = tpu.vector_load %arg6[%swap3A_66] {strides = array<i32>} : memref<256xi32, #tpu.memory_space<vmem>>, vector<16xi32>,
    tpu.vector_store %arg6[%swap3A_66], %gather3A_65 {strides = array<i32>} : memref<256xi32, #tpu.memory_space<vmem>>, vector<16xi32>,
    %add3A_68 = arith.constant 2400 : i32
    %add3A_69 = vector.broadcast %add3A_68 : i32 to vector<16xi32>
    %add3A_70 = arith.addi %add3A_69, %mul3A_5 : vector<16xi32>
    %gather3A_71 = tpu.vector_load_idx %arg5[%add3A_70] : memref<25600xi32, #tpu.memory_space<vmem>>[vector<16xi32>], vector<16xi32>,
    %swap3A_72 = arith.constant 48 : index
    %swap3A_73 = tpu.vector_load %arg6[%swap3A_72] {strides = array<i32>} : memref<256xi32, #tpu.memory_space<vmem>>, vector<16xi32>,
    tpu.vector_store %arg6[%swap3A_72], %gather3A_71 {strides = array<i32>} : memref<256xi32, #tpu.memory_space<vmem>>, vector<16xi32>,
    %add3A_74 = arith.constant 1 : i32
    %add3A_75 = vector.broadcast %add3A_74 : i32 to vector<16xi32>
    %add3A_76 = arith.addi %add3A_70, %add3A_75 : vector<16xi32>
    %gather3A_77 = tpu.vector_load_idx %arg5[%add3A_76] : memref<25600xi32, #tpu.memory_space<vmem>>[vector<16xi32>], vector<16xi32>,
    %swap3A_78 = arith.constant 176 : index
    %swap3A_79 = tpu.vector_load %arg6[%swap3A_78] {strides = array<i32>} : memref<256xi32, #tpu.memory_space<vmem>>, vector<16xi32>,
    tpu.vector_store %arg6[%swap3A_78], %gather3A_77 {strides = array<i32>} : memref<256xi32, #tpu.memory_space<vmem>>, vector<16xi32>,
    %add3A_80 = arith.constant 3200 : i32
    %add3A_81 = vector.broadcast %add3A_80 : i32 to vector<16xi32>
    %add3A_82 = arith.addi %add3A_81, %mul3A_5 : vector<16xi32>
    %gather3A_83 = tpu.vector_load_idx %arg5[%add3A_82] : memref<25600xi32, #tpu.memory_space<vmem>>[vector<16xi32>], vector<16xi32>,
    %swap3A_84 = arith.constant 64 : index
    %swap3A_85 = tpu.vector_load %arg6[%swap3A_84] {strides = array<i32>} : memref<256xi32, #tpu.memory_space<vmem>>, vector<16xi32>,
    tpu.vector_store %arg6[%swap3A_84], %gather3A_83 {strides = array<i32>} : memref<256xi32, #tpu.memory_space<vmem>>, vector<16xi32>,
    %add3A_86 = arith.constant 1 : i32
    %add3A_87 = vector.broadcast %add3A_86 : i32 to vector<16xi32>
    %add3A_88 = arith.addi %add3A_82, %add3A_87 : vector<16xi32>
    %gather3A_89 = tpu.vector_load_idx %arg5[%add3A_88] : memref<25600xi32, #tpu.memory_space<vmem>>[vector<16xi32>], vector<16xi32>,
    %swap3A_90 = arith.constant 192 : index
    %swap3A_91 = tpu.vector_load %arg6[%swap3A_90] {strides = array<i32>} : memref<256xi32, #tpu.memory_space<vmem>>, vector<16xi32>,
    tpu.vector_store %arg6[%swap3A_90], %gather3A_89 {strides = array<i32>} : memref<256xi32, #tpu.memory_space<vmem>>, vector<16xi32>,
    %add3A_92 = arith.constant 4000 : i32
    %add3A_93 = vector.broadcast %add3A_92 : i32 to vector<16xi32>
    %add3A_94 = arith.addi %add3A_93, %mul3A_5 : vector<16xi32>
    %gather3A_95 = tpu.vector_load_idx %arg5[%add3A_94] : memref<25600xi32, #tpu.memory_space<vmem>>[vector<16xi32>], vector<16xi32>,
    %swap3A_96 = arith.constant 80 : index
    %swap3A_97 = tpu.vector_load %arg6[%swap3A_96] {strides = array<i32>} : memref<256xi32, #tpu.memory_space<vmem>>, vector<16xi32>,
    tpu.vector_store %arg6[%swap3A_96], %gather3A_95 {strides = array<i32>} : memref<256xi32, #tpu.memory_space<vmem>>, vector<16xi32>,
    %add3A_98 = arith.constant 1 : i32
    %add3A_99 = vector.broadcast %add3A_98 : i32 to vector<16xi32>
    %add3A_100 = arith.addi %add3A_94, %add3A_99 : vector<16xi32>
    %gather3A_101 = tpu.vector_load_idx %arg5[%add3A_100] : memref<25600xi32, #tpu.memory_space<vmem>>[vector<16xi32>], vector<16xi32>,
    %swap3A_102 = arith.constant 208 : index
    %swap3A_103 = tpu.vector_load %arg6[%swap3A_102] {strides = array<i32>} : memref<256xi32, #tpu.memory_space<vmem>>, vector<16xi32>,
    tpu.vector_store %arg6[%swap3A_102], %gather3A_101 {strides = array<i32>} : memref<256xi32, #tpu.memory_space<vmem>>, vector<16xi32>,
    %add3A_104 = arith.constant 4800 : i32
    %add3A_105 = vector.broadcast %add3A_104 : i32 to vector<16xi32>
    %add3A_106 = arith.addi %add3A_105, %mul3A_5 : vector<16xi32>
    %gather3A_107 = tpu.vector_load_idx %arg5[%add3A_106] : memref<25600xi32, #tpu.memory_space<vmem>>[vector<16xi32>], vector<16xi32>,
    %swap3A_108 = arith.constant 96 : index
    %swap3A_109 = tpu.vector_load %arg6[%swap3A_108] {strides = array<i32>} : memref<256xi32, #tpu.memory_space<vmem>>, vector<16xi32>,
    tpu.vector_store %arg6[%swap3A_108], %gather3A_107 {strides = array<i32>} : memref<256xi32, #tpu.memory_space<vmem>>, vector<16xi32>,
    %add3A_110 = arith.constant 1 : i32
    %add3A_111 = vector.broadcast %add3A_110 : i32 to vector<16xi32>
    %add3A_112 = arith.addi %add3A_106, %add3A_111 : vector<16xi32>
    %gather3A_113 = tpu.vector_load_idx %arg5[%add3A_112] : memref<25600xi32, #tpu.memory_space<vmem>>[vector<16xi32>], vector<16xi32>,
    %swap3A_114 = arith.constant 224 : index
    %swap3A_115 = tpu.vector_load %arg6[%swap3A_114] {strides = array<i32>} : memref<256xi32, #tpu.memory_space<vmem>>, vector<16xi32>,
    tpu.vector_store %arg6[%swap3A_114], %gather3A_113 {strides = array<i32>} : memref<256xi32, #tpu.memory_space<vmem>>, vector<16xi32>,
    %add3A_116 = arith.constant 5600 : i32
    %add3A_117 = vector.broadcast %add3A_116 : i32 to vector<16xi32>
    %add3A_118 = arith.addi %add3A_117, %mul3A_5 : vector<16xi32>
    %gather3A_119 = tpu.vector_load_idx %arg5[%add3A_118] : memref<25600xi32, #tpu.memory_space<vmem>>[vector<16xi32>], vector<16xi32>,
    %swap3A_120 = arith.constant 112 : index
    %swap3A_121 = tpu.vector_load %arg6[%swap3A_120] {strides = array<i32>} : memref<256xi32, #tpu.memory_space<vmem>>, vector<16xi32>,
    tpu.vector_store %arg6[%swap3A_120], %gather3A_119 {strides = array<i32>} : memref<256xi32, #tpu.memory_space<vmem>>, vector<16xi32>,
    %add3A_122 = arith.constant 1 : i32
    %add3A_123 = vector.broadcast %add3A_122 : i32 to vector<16xi32>
    %add3A_124 = arith.addi %add3A_118, %add3A_123 : vector<16xi32>
    %gather3A_125 = tpu.vector_load_idx %arg5[%add3A_124] : memref<25600xi32, #tpu.memory_space<vmem>>[vector<16xi32>], vector<16xi32>,
    %swap3A_126 = arith.constant 240 : index
    %swap3A_127 = tpu.vector_load %arg6[%swap3A_126] {strides = array<i32>} : memref<256xi32, #tpu.memory_space<vmem>>, vector<16xi32>,
    tpu.vector_store %arg6[%swap3A_126], %gather3A_125 {strides = array<i32>} : memref<256xi32, #tpu.memory_space<vmem>>, vector<16xi32>,
    %dma_start3A = arith.constant 0 : i32
    %dma_start3A_128 = arith.constant 0 : i32
    %dma_start3A_129 = tpu.memref_slice %arg8[%dma_start3A, %dma_start3A_128] : memref<256x64xf32, #tpu.memory_space<vmem>> -> memref<128x64xf32, #tpu.memory_space<vmem>>
    %dma_start3A_130 = arith.constant 0 : i32
    %dma_start3A_131 = tpu.memref_slice %arg6[%dma_start3A_130] : memref<256xi32, #tpu.memory_space<vmem>> -> memref<128xi32, #tpu.memory_space<vmem>>
    %dma_start3A_132 = arith.constant 0 : i32
    %dma_start3A_133 = arith.constant 0 : i32
    %dma_start3A_134 = tpu.memref_slice %arg2[%dma_start3A_132, %dma_start3A_133] : memref<1000000x64xf32, #tpu.memory_space<hbm>> -> memref<1000000x64xf32, #tpu.memory_space<hbm>>
    tpu.enqueue_indirect_dma source(%dma_start3A_134 : memref<1000000x64xf32, #tpu.memory_space<hbm>>) target(%dma_start3A_129 : memref<128x64xf32, #tpu.memory_space<vmem>>) offsets(%dma_start3A_131 : memref<128xi32, #tpu.memory_space<vmem>>) semaphore(%arg11 : memref<!tpu.dma_semaphore, #tpu.memory_space<semaphore_mem>>)
    %dma_start3A_135 = arith.constant 128 : i32
    %dma_start3A_136 = arith.constant 0 : i32
    %dma_start3A_137 = tpu.memref_slice %arg8[%dma_start3A_135, %dma_start3A_136] : memref<256x64xf32, #tpu.memory_space<vmem>> -> memref<128x64xf32, #tpu.memory_space<vmem>>
    %dma_start3A_138 = arith.constant 128 : i32
    %dma_start3A_139 = tpu.memref_slice %arg6[%dma_start3A_138] : memref<256xi32, #tpu.memory_space<vmem>> -> memref<128xi32, #tpu.memory_space<vmem>>
    %dma_start3A_140 = arith.constant 0 : i32
    %dma_start3A_141 = arith.constant 0 : i32
    %dma_start3A_142 = tpu.memref_slice %arg2[%dma_start3A_140, %dma_start3A_141] : memref<1000000x64xf32, #tpu.memory_space<hbm>> -> memref<1000000x64xf32, #tpu.memory_space<hbm>>
    tpu.enqueue_indirect_dma source(%dma_start3A_142 : memref<1000000x64xf32, #tpu.memory_space<hbm>>) target(%dma_start3A_137 : memref<128x64xf32, #tpu.memory_space<vmem>>) offsets(%dma_start3A_139 : memref<128xi32, #tpu.memory_space<vmem>>) semaphore(%arg11 : memref<!tpu.dma_semaphore, #tpu.memory_space<semaphore_mem>>)
    %scan3A = arith.constant 0 : i32
    %scan3A_143 = arith.constant 50 : i32
    %scan3A_144 = arith.addi %scan3A, %scan3A_143 : i32
    %scan3A_145 = arith.constant 1 : i32
    scf.for %scan3A_147 = %scan3A to %scan3A_144 step %scan3A_145  : i32 {
      %mul3A_148 = arith.constant 1 : i32
      %mul3A_149 = arith.muli %scan3A_147, %mul3A_148 : i32
      %add3A_150 = arith.constant 0 : i32
      %add3A_151 = arith.addi %add3A_150, %mul3A_149 : i32
      %mul3A_152 = arith.constant 2 : i32
      %mul3A_153 = arith.muli %mul3A_152, %add3A_151 : i32
      %add3A_154 = arith.constant 1 : i32
      %add3A_155 = arith.addi %mul3A_153, %add3A_154 : i32
      %jit3A = arith.constant 25 : i32
      %div3A = arith.divsi %add3A_155, %jit3A : i32
      %sign3A = arith.constant 0 : i32
      %sign3A_156 = arith.cmpi sgt, %add3A_155, %sign3A : i32
      %sign3A_157 = arith.extui %sign3A_156 : i1 to i32
      %sign3A_158 = arith.constant 0 : i32
      %sign3A_159 = arith.cmpi slt, %add3A_155, %sign3A_158 : i32
      %sign3A_160 = arith.extui %sign3A_159 : i1 to i32
      %sign3A_161 = arith.subi %sign3A_157, %sign3A_160 : i32
      %sign3A_162 = arith.constant 0 : i32
      %sign3A_163 = arith.cmpi sgt, %jit3A, %sign3A_162 : i32
      %sign3A_164 = arith.extui %sign3A_163 : i1 to i32
      %sign3A_165 = arith.constant 0 : i32
      %sign3A_166 = arith.cmpi slt, %jit3A, %sign3A_165 : i32
      %sign3A_167 = arith.extui %sign3A_166 : i1 to i32
      %sign3A_168 = arith.subi %sign3A_164, %sign3A_167 : i32
      %ne3A = arith.cmpi ne, %sign3A_161, %sign3A_168 : i32
      %rem3A = arith.remsi %add3A_155, %jit3A : i32
      %ne3A_169 = arith.constant 0 : i32
      %ne3A_170 = arith.cmpi ne, %rem3A, %ne3A_169 : i32
      %and3A_171 = arith.andi %ne3A, %ne3A_170 : i1
      %sub3A = arith.constant 1 : i32
      %sub3A_172 = arith.subi %div3A, %sub3A : i32
      %select_n3A = arith.select %and3A_171, %sub3A_172, %div3A : i32
      %mul3A_173 = arith.constant 25 : i32
      %mul3A_174 = arith.muli %select_n3A, %mul3A_173 : i32
      %sub3A_175 = arith.subi %add3A_155, %mul3A_174 : i32
      %mul3A_176 = arith.constant 6400 : i32
      %mul3A_177 = arith.muli %select_n3A, %mul3A_176 : i32
      %mul3A_178 = arith.constant 2 : i32
      %mul3A_179 = arith.muli %mul3A_178, %sub3A_175 : i32
      %add3A_180 = arith.addi %mul3A_177, %mul3A_179 : i32
      %add3A_181 = arith.constant 0 : i32
      %add3A_182 = arith.addi %add3A_180, %add3A_181 : i32
      %add3A_183 = vector.broadcast %add3A_182 : i32 to vector<16xi32>
      %add3A_184 = arith.addi %add3A_183, %mul3A_5 : vector<16xi32>
      %gather3A_185 = tpu.vector_load_idx %arg5[%add3A_184] : memref<25600xi32, #tpu.memory_space<vmem>>[vector<16xi32>], vector<16xi32>,
      %swap3A_186 = arith.constant 0 : index
      %swap3A_187 = tpu.vector_load %arg7[%swap3A_186] {strides = array<i32>} : memref<256xi32, #tpu.memory_space<vmem>>, vector<16xi32>,
      tpu.vector_store %arg7[%swap3A_186], %gather3A_185 {strides = array<i32>} : memref<256xi32, #tpu.memory_space<vmem>>, vector<16xi32>,
      %add3A_188 = arith.constant 1 : i32
      %add3A_189 = vector.broadcast %add3A_188 : i32 to vector<16xi32>
      %add3A_190 = arith.addi %add3A_184, %add3A_189 : vector<16xi32>
      %gather3A_191 = tpu.vector_load_idx %arg5[%add3A_190] : memref<25600xi32, #tpu.memory_space<vmem>>[vector<16xi32>], vector<16xi32>,
      %swap3A_192 = arith.constant 128 : index
      %swap3A_193 = tpu.vector_load %arg7[%swap3A_192] {strides = array<i32>} : memref<256xi32, #tpu.memory_space<vmem>>, vector<16xi32>,
      tpu.vector_store %arg7[%swap3A_192], %gather3A_191 {strides = array<i32>} : memref<256xi32, #tpu.memory_space<vmem>>, vector<16xi32>,
      %add3A_194 = arith.constant 800 : i32
      %add3A_195 = arith.addi %add3A_180, %add3A_194 : i32
      %add3A_196 = vector.broadcast %add3A_195 : i32 to vector<16xi32>
      %add3A_197 = arith.addi %add3A_196, %mul3A_5 : vector<16xi32>
      %gather3A_198 = tpu.vector_load_idx %arg5[%add3A_197] : memref<25600xi32, #tpu.memory_space<vmem>>[vector<16xi32>], vector<16xi32>,
      %swap3A_199 = arith.constant 16 : index
      %swap3A_200 = tpu.vector_load %arg7[%swap3A_199] {strides = array<i32>} : memref<256xi32, #tpu.memory_space<vmem>>, vector<16xi32>,
      tpu.vector_store %arg7[%swap3A_199], %gather3A_198 {strides = array<i32>} : memref<256xi32, #tpu.memory_space<vmem>>, vector<16xi32>,
      %add3A_201 = arith.constant 1 : i32
      %add3A_202 = vector.broadcast %add3A_201 : i32 to vector<16xi32>
      %add3A_203 = arith.addi %add3A_197, %add3A_202 : vector<16xi32>
      %gather3A_204 = tpu.vector_load_idx %arg5[%add3A_203] : memref<25600xi32, #tpu.memory_space<vmem>>[vector<16xi32>], vector<16xi32>,
      %swap3A_205 = arith.constant 144 : index
      %swap3A_206 = tpu.vector_load %arg7[%swap3A_205] {strides = array<i32>} : memref<256xi32, #tpu.memory_space<vmem>>, vector<16xi32>,
      tpu.vector_store %arg7[%swap3A_205], %gather3A_204 {strides = array<i32>} : memref<256xi32, #tpu.memory_space<vmem>>, vector<16xi32>,
      %add3A_207 = arith.constant 1600 : i32
      %add3A_208 = arith.addi %add3A_180, %add3A_207 : i32
      %add3A_209 = vector.broadcast %add3A_208 : i32 to vector<16xi32>
      %add3A_210 = arith.addi %add3A_209, %mul3A_5 : vector<16xi32>
      %gather3A_211 = tpu.vector_load_idx %arg5[%add3A_210] : memref<25600xi32, #tpu.memory_space<vmem>>[vector<16xi32>], vector<16xi32>,
      %swap3A_212 = arith.constant 32 : index
      %swap3A_213 = tpu.vector_load %arg7[%swap3A_212] {strides = array<i32>} : memref<256xi32, #tpu.memory_space<vmem>>, vector<16xi32>,
      tpu.vector_store %arg7[%swap3A_212], %gather3A_211 {strides = array<i32>} : memref<256xi32, #tpu.memory_space<vmem>>, vector<16xi32>,
      %add3A_214 = arith.constant 1 : i32
      %add3A_215 = vector.broadcast %add3A_214 : i32 to vector<16xi32>
      %add3A_216 = arith.addi %add3A_210, %add3A_215 : vector<16xi32>
      %gather3A_217 = tpu.vector_load_idx %arg5[%add3A_216] : memref<25600xi32, #tpu.memory_space<vmem>>[vector<16xi32>], vector<16xi32>,
      %swap3A_218 = arith.constant 160 : index
      %swap3A_219 = tpu.vector_load %arg7[%swap3A_218] {strides = array<i32>} : memref<256xi32, #tpu.memory_space<vmem>>, vector<16xi32>,
      tpu.vector_store %arg7[%swap3A_218], %gather3A_217 {strides = array<i32>} : memref<256xi32, #tpu.memory_space<vmem>>, vector<16xi32>,
      %add3A_220 = arith.constant 2400 : i32
      %add3A_221 = arith.addi %add3A_180, %add3A_220 : i32
      %add3A_222 = vector.broadcast %add3A_221 : i32 to vector<16xi32>
      %add3A_223 = arith.addi %add3A_222, %mul3A_5 : vector<16xi32>
      %gather3A_224 = tpu.vector_load_idx %arg5[%add3A_223] : memref<25600xi32, #tpu.memory_space<vmem>>[vector<16xi32>], vector<16xi32>,
      %swap3A_225 = arith.constant 48 : index
      %swap3A_226 = tpu.vector_load %arg7[%swap3A_225] {strides = array<i32>} : memref<256xi32, #tpu.memory_space<vmem>>, vector<16xi32>,
      tpu.vector_store %arg7[%swap3A_225], %gather3A_224 {strides = array<i32>} : memref<256xi32, #tpu.memory_space<vmem>>, vector<16xi32>,
      %add3A_227 = arith.constant 1 : i32
      %add3A_228 = vector.broadcast %add3A_227 : i32 to vector<16xi32>
      %add3A_229 = arith.addi %add3A_223, %add3A_228 : vector<16xi32>
      %gather3A_230 = tpu.vector_load_idx %arg5[%add3A_229] : memref<25600xi32, #tpu.memory_space<vmem>>[vector<16xi32>], vector<16xi32>,
      %swap3A_231 = arith.constant 176 : index
      %swap3A_232 = tpu.vector_load %arg7[%swap3A_231] {strides = array<i32>} : memref<256xi32, #tpu.memory_space<vmem>>, vector<16xi32>,
      tpu.vector_store %arg7[%swap3A_231], %gather3A_230 {strides = array<i32>} : memref<256xi32, #tpu.memory_space<vmem>>, vector<16xi32>,
      %add3A_233 = arith.constant 3200 : i32
      %add3A_234 = arith.addi %add3A_180, %add3A_233 : i32
      %add3A_235 = vector.broadcast %add3A_234 : i32 to vector<16xi32>
      %add3A_236 = arith.addi %add3A_235, %mul3A_5 : vector<16xi32>
      %gather3A_237 = tpu.vector_load_idx %arg5[%add3A_236] : memref<25600xi32, #tpu.memory_space<vmem>>[vector<16xi32>], vector<16xi32>,
      %swap3A_238 = arith.constant 64 : index
      %swap3A_239 = tpu.vector_load %arg7[%swap3A_238] {strides = array<i32>} : memref<256xi32, #tpu.memory_space<vmem>>, vector<16xi32>,
      tpu.vector_store %arg7[%swap3A_238], %gather3A_237 {strides = array<i32>} : memref<256xi32, #tpu.memory_space<vmem>>, vector<16xi32>,
      %add3A_240 = arith.constant 1 : i32
      %add3A_241 = vector.broadcast %add3A_240 : i32 to vector<16xi32>
      %add3A_242 = arith.addi %add3A_236, %add3A_241 : vector<16xi32>
      %gather3A_243 = tpu.vector_load_idx %arg5[%add3A_242] : memref<25600xi32, #tpu.memory_space<vmem>>[vector<16xi32>], vector<16xi32>,
      %swap3A_244 = arith.constant 192 : index
      %swap3A_245 = tpu.vector_load %arg7[%swap3A_244] {strides = array<i32>} : memref<256xi32, #tpu.memory_space<vmem>>, vector<16xi32>,
      tpu.vector_store %arg7[%swap3A_244], %gather3A_243 {strides = array<i32>} : memref<256xi32, #tpu.memory_space<vmem>>, vector<16xi32>,
      %add3A_246 = arith.constant 4000 : i32
      %add3A_247 = arith.addi %add3A_180, %add3A_246 : i32
      %add3A_248 = vector.broadcast %add3A_247 : i32 to vector<16xi32>
      %add3A_249 = arith.addi %add3A_248, %mul3A_5 : vector<16xi32>
      %gather3A_250 = tpu.vector_load_idx %arg5[%add3A_249] : memref<25600xi32, #tpu.memory_space<vmem>>[vector<16xi32>], vector<16xi32>,
      %swap3A_251 = arith.constant 80 : index
      %swap3A_252 = tpu.vector_load %arg7[%swap3A_251] {strides = array<i32>} : memref<256xi32, #tpu.memory_space<vmem>>, vector<16xi32>,
      tpu.vector_store %arg7[%swap3A_251], %gather3A_250 {strides = array<i32>} : memref<256xi32, #tpu.memory_space<vmem>>, vector<16xi32>,
      %add3A_253 = arith.constant 1 : i32
      %add3A_254 = vector.broadcast %add3A_253 : i32 to vector<16xi32>
      %add3A_255 = arith.addi %add3A_249, %add3A_254 : vector<16xi32>
      %gather3A_256 = tpu.vector_load_idx %arg5[%add3A_255] : memref<25600xi32, #tpu.memory_space<vmem>>[vector<16xi32>], vector<16xi32>,
      %swap3A_257 = arith.constant 208 : index
      %swap3A_258 = tpu.vector_load %arg7[%swap3A_257] {strides = array<i32>} : memref<256xi32, #tpu.memory_space<vmem>>, vector<16xi32>,
      tpu.vector_store %arg7[%swap3A_257], %gather3A_256 {strides = array<i32>} : memref<256xi32, #tpu.memory_space<vmem>>, vector<16xi32>,
      %add3A_259 = arith.constant 4800 : i32
      %add3A_260 = arith.addi %add3A_180, %add3A_259 : i32
      %add3A_261 = vector.broadcast %add3A_260 : i32 to vector<16xi32>
      %add3A_262 = arith.addi %add3A_261, %mul3A_5 : vector<16xi32>
      %gather3A_263 = tpu.vector_load_idx %arg5[%add3A_262] : memref<25600xi32, #tpu.memory_space<vmem>>[vector<16xi32>], vector<16xi32>,
      %swap3A_264 = arith.constant 96 : index
      %swap3A_265 = tpu.vector_load %arg7[%swap3A_264] {strides = array<i32>} : memref<256xi32, #tpu.memory_space<vmem>>, vector<16xi32>,
      tpu.vector_store %arg7[%swap3A_264], %gather3A_263 {strides = array<i32>} : memref<256xi32, #tpu.memory_space<vmem>>, vector<16xi32>,
      %add3A_266 = arith.constant 1 : i32
      %add3A_267 = vector.broadcast %add3A_266 : i32 to vector<16xi32>
      %add3A_268 = arith.addi %add3A_262, %add3A_267 : vector<16xi32>
      %gather3A_269 = tpu.vector_load_idx %arg5[%add3A_268] : memref<25600xi32, #tpu.memory_space<vmem>>[vector<16xi32>], vector<16xi32>,
      %swap3A_270 = arith.constant 224 : index
      %swap3A_271 = tpu.vector_load %arg7[%swap3A_270] {strides = array<i32>} : memref<256xi32, #tpu.memory_space<vmem>>, vector<16xi32>,
      tpu.vector_store %arg7[%swap3A_270], %gather3A_269 {strides = array<i32>} : memref<256xi32, #tpu.memory_space<vmem>>, vector<16xi32>,
      %add3A_272 = arith.constant 5600 : i32
      %add3A_273 = arith.addi %add3A_180, %add3A_272 : i32
      %add3A_274 = vector.broadcast %add3A_273 : i32 to vector<16xi32>
      %add3A_275 = arith.addi %add3A_274, %mul3A_5 : vector<16xi32>
      %gather3A_276 = tpu.vector_load_idx %arg5[%add3A_275] : memref<25600xi32, #tpu.memory_space<vmem>>[vector<16xi32>], vector<16xi32>,
      %swap3A_277 = arith.constant 112 : index
      %swap3A_278 = tpu.vector_load %arg7[%swap3A_277] {strides = array<i32>} : memref<256xi32, #tpu.memory_space<vmem>>, vector<16xi32>,
      tpu.vector_store %arg7[%swap3A_277], %gather3A_276 {strides = array<i32>} : memref<256xi32, #tpu.memory_space<vmem>>, vector<16xi32>,
      %add3A_279 = arith.constant 1 : i32
      %add3A_280 = vector.broadcast %add3A_279 : i32 to vector<16xi32>
      %add3A_281 = arith.addi %add3A_275, %add3A_280 : vector<16xi32>
      %gather3A_282 = tpu.vector_load_idx %arg5[%add3A_281] : memref<25600xi32, #tpu.memory_space<vmem>>[vector<16xi32>], vector<16xi32>,
      %swap3A_283 = arith.constant 240 : index
      %swap3A_284 = tpu.vector_load %arg7[%swap3A_283] {strides = array<i32>} : memref<256xi32, #tpu.memory_space<vmem>>, vector<16xi32>,
      tpu.vector_store %arg7[%swap3A_283], %gather3A_282 {strides = array<i32>} : memref<256xi32, #tpu.memory_space<vmem>>, vector<16xi32>,
      %dma_start3A_285 = arith.constant 0 : i32
      %dma_start3A_286 = arith.constant 0 : i32
      %dma_start3A_287 = tpu.memref_slice %arg9[%dma_start3A_285, %dma_start3A_286] : memref<256x64xf32, #tpu.memory_space<vmem>> -> memref<128x64xf32, #tpu.memory_space<vmem>>
      %dma_start3A_288 = arith.constant 0 : i32
      %dma_start3A_289 = tpu.memref_slice %arg7[%dma_start3A_288] : memref<256xi32, #tpu.memory_space<vmem>> -> memref<128xi32, #tpu.memory_space<vmem>>
      %dma_start3A_290 = arith.constant 0 : i32
      %dma_start3A_291 = arith.constant 0 : i32
      %dma_start3A_292 = tpu.memref_slice %arg2[%dma_start3A_290, %dma_start3A_291] : memref<1000000x64xf32, #tpu.memory_space<hbm>> -> memref<1000000x64xf32, #tpu.memory_space<hbm>>
      tpu.enqueue_indirect_dma source(%dma_start3A_292 : memref<1000000x64xf32, #tpu.memory_space<hbm>>) target(%dma_start3A_287 : memref<128x64xf32, #tpu.memory_space<vmem>>) offsets(%dma_start3A_289 : memref<128xi32, #tpu.memory_space<vmem>>) semaphore(%arg12 : memref<!tpu.dma_semaphore, #tpu.memory_space<semaphore_mem>>)
      %dma_start3A_293 = arith.constant 128 : i32
      %dma_start3A_294 = arith.constant 0 : i32
      %dma_start3A_295 = tpu.memref_slice %arg9[%dma_start3A_293, %dma_start3A_294] : memref<256x64xf32, #tpu.memory_space<vmem>> -> memref<128x64xf32, #tpu.memory_space<vmem>>
      %dma_start3A_296 = arith.constant 128 : i32
      %dma_start3A_297 = tpu.memref_slice %arg7[%dma_start3A_296] : memref<256xi32, #tpu.memory_space<vmem>> -> memref<128xi32, #tpu.memory_space<vmem>>
      %dma_start3A_298 = arith.constant 0 : i32
      %dma_start3A_299 = arith.constant 0 : i32
      %dma_start3A_300 = tpu.memref_slice %arg2[%dma_start3A_298, %dma_start3A_299] : memref<1000000x64xf32, #tpu.memory_space<hbm>> -> memref<1000000x64xf32, #tpu.memory_space<hbm>>
      tpu.enqueue_indirect_dma source(%dma_start3A_300 : memref<1000000x64xf32, #tpu.memory_space<hbm>>) target(%dma_start3A_295 : memref<128x64xf32, #tpu.memory_space<vmem>>) offsets(%dma_start3A_297 : memref<128xi32, #tpu.memory_space<vmem>>) semaphore(%arg12 : memref<!tpu.dma_semaphore, #tpu.memory_space<semaphore_mem>>)
      %dma_wait3A = arith.constant 0 : i32
      %dma_wait3A_301 = arith.constant 0 : i32
      %dma_wait3A_302 = tpu.memref_slice %arg2[%dma_wait3A, %dma_wait3A_301] : memref<1000000x64xf32, #tpu.memory_space<hbm>> -> memref<256x64xf32, #tpu.memory_space<hbm>>
      %dma_wait3A_303 = arith.constant 0 : i32
      %dma_wait3A_304 = arith.constant 0 : i32
      %dma_wait3A_305 = tpu.memref_slice %arg2[%dma_wait3A_303, %dma_wait3A_304] : memref<1000000x64xf32, #tpu.memory_space<hbm>> -> memref<256x64xf32, #tpu.memory_space<hbm>>
      tpu.wait_dma2 semaphore(%arg11 : memref<!tpu.dma_semaphore, #tpu.memory_space<semaphore_mem>>) src(%dma_wait3A_305 : memref<256x64xf32, #tpu.memory_space<hbm>>) dst(%arg8 : memref<256x64xf32, #tpu.memory_space<vmem>>)
      %jit3A_306 = arith.constant 25 : i32
      %div3A_307 = arith.divsi %mul3A_153, %jit3A_306 : i32
      %sign3A_308 = arith.constant 0 : i32
      %sign3A_309 = arith.cmpi sgt, %mul3A_153, %sign3A_308 : i32
      %sign3A_310 = arith.extui %sign3A_309 : i1 to i32
      %sign3A_311 = arith.constant 0 : i32
      %sign3A_312 = arith.cmpi slt, %mul3A_153, %sign3A_311 : i32
      %sign3A_313 = arith.extui %sign3A_312 : i1 to i32
      %sign3A_314 = arith.subi %sign3A_310, %sign3A_313 : i32
      %sign3A_315 = arith.constant 0 : i32
      %sign3A_316 = arith.cmpi sgt, %jit3A_306, %sign3A_315 : i32
      %sign3A_317 = arith.extui %sign3A_316 : i1 to i32
      %sign3A_318 = arith.constant 0 : i32
      %sign3A_319 = arith.cmpi slt, %jit3A_306, %sign3A_318 : i32
      %sign3A_320 = arith.extui %sign3A_319 : i1 to i32
      %sign3A_321 = arith.subi %sign3A_317, %sign3A_320 : i32
      %ne3A_322 = arith.cmpi ne, %sign3A_314, %sign3A_321 : i32
      %rem3A_323 = arith.remsi %mul3A_153, %jit3A_306 : i32
      %ne3A_324 = arith.constant 0 : i32
      %ne3A_325 = arith.cmpi ne, %rem3A_323, %ne3A_324 : i32
      %and3A_326 = arith.andi %ne3A_322, %ne3A_325 : i1
      %sub3A_327 = arith.constant 1 : i32
      %sub3A_328 = arith.subi %div3A_307, %sub3A_327 : i32
      %select_n3A_329 = arith.select %and3A_326, %sub3A_328, %div3A_307 : i32
      %mul3A_330 = arith.constant 25 : i32
      %mul3A_331 = arith.muli %select_n3A_329, %mul3A_330 : i32
      %sub3A_332 = arith.subi %mul3A_153, %mul3A_331 : i32
      %add3A_333 = arith.constant 0 : i32
      %add3A_334 = vector.broadcast %add3A_333 : i32 to vector<16xi32>
      %add3A_335 = arith.addi %mul3A_33, %add3A_334 : vector<16xi32>
      %scan3A_336 = arith.constant 0 : i32
      %scan3A_337 = arith.constant 32 : i32
      %scan3A_338 = arith.addi %scan3A_336, %scan3A_337 : i32
      %scan3A_339 = arith.constant 1 : i32
      scf.for %scan3A_425 = %scan3A_336 to %scan3A_338 step %scan3A_339  : i32 {
        %mul3A_426 = arith.constant 1 : i32
        %mul3A_427 = arith.muli %scan3A_425, %mul3A_426 : i32
        %add3A_428 = arith.constant 0 : i32
        %add3A_429 = arith.addi %add3A_428, %mul3A_427 : i32
        %mul3A_430 = arith.constant 4 : i32
        %mul3A_431 = arith.muli %add3A_429, %mul3A_430 : i32
        %add3A_432 = arith.constant 0 : i32
        %add3A_433 = arith.addi %mul3A_431, %add3A_432 : i32
        %add3A_434 = vector.broadcast %add3A_433 : i32 to vector<16xi32>
        %add3A_435 = arith.addi %mul3A_33, %add3A_434 : vector<16xi32>
        %add3A_436 = arith.constant 0 : i32
        %add3A_437 = arith.addi %add3A_436, %add3A_433 : i32
        %get3A = arith.index_cast %add3A_437 : i32 to index
        %get3A_438 = arith.constant 0 : index
        %get3A_439 = tpu.vector_load %arg8[%get3A, %get3A_438] {strides = array<i32>} : memref<256x64xf32, #tpu.memory_space<vmem>>, vector<16xf32>,
        tpu.vector_store_idx %arg10[%add3A_335, %add3A_12, %and3A_7, %add3A_435], %get3A_439 : memref<2x8x8x129xf32, #tpu.memory_space<vmem>>[vector<16xi32>, vector<16xi32>, vector<16xi32>, vector<16xi32>], vector<16xf32>,
        %add3A_440 = arith.constant 0 : i32
        %add3A_441 = arith.addi %add3A_440, %add3A_433 : i32
        %get3A_442 = arith.index_cast %add3A_441 : i32 to index
        %get3A_443 = arith.constant 16 : index
        %get3A_444 = tpu.vector_load %arg8[%get3A_442, %get3A_443] {strides = array<i32>} : memref<256x64xf32, #tpu.memory_space<vmem>>, vector<16xf32>,
        tpu.vector_store_idx %arg10[%add3A_335, %add3A_18, %and3A_7, %add3A_435], %get3A_444 : memref<2x8x8x129xf32, #tpu.memory_space<vmem>>[vector<16xi32>, vector<16xi32>, vector<16xi32>, vector<16xi32>], vector<16xf32>,
        %add3A_445 = arith.constant 0 : i32
        %add3A_446 = arith.addi %add3A_445, %add3A_433 : i32
        %get3A_447 = arith.index_cast %add3A_446 : i32 to index
        %get3A_448 = arith.constant 32 : index
        %get3A_449 = tpu.vector_load %arg8[%get3A_447, %get3A_448] {strides = array<i32>} : memref<256x64xf32, #tpu.memory_space<vmem>>, vector<16xf32>,
        tpu.vector_store_idx %arg10[%add3A_335, %add3A_24, %and3A_7, %add3A_435], %get3A_449 : memref<2x8x8x129xf32, #tpu.memory_space<vmem>>[vector<16xi32>, vector<16xi32>, vector<16xi32>, vector<16xi32>], vector<16xf32>,
        %add3A_450 = arith.constant 0 : i32
        %add3A_451 = arith.addi %add3A_450, %add3A_433 : i32
        %get3A_452 = arith.index_cast %add3A_451 : i32 to index
        %get3A_453 = arith.constant 48 : index
        %get3A_454 = tpu.vector_load %arg8[%get3A_452, %get3A_453] {strides = array<i32>} : memref<256x64xf32, #tpu.memory_space<vmem>>, vector<16xf32>,
        tpu.vector_store_idx %arg10[%add3A_335, %add3A_30, %and3A_7, %add3A_435], %get3A_454 : memref<2x8x8x129xf32, #tpu.memory_space<vmem>>[vector<16xi32>, vector<16xi32>, vector<16xi32>, vector<16xi32>], vector<16xf32>,
        %mul3A_455 = arith.constant 4 : i32
        %mul3A_456 = arith.muli %add3A_429, %mul3A_455 : i32
        %add3A_457 = arith.constant 1 : i32
        %add3A_458 = arith.addi %mul3A_456, %add3A_457 : i32
        %add3A_459 = vector.broadcast %add3A_458 : i32 to vector<16xi32>
        %add3A_460 = arith.addi %mul3A_33, %add3A_459 : vector<16xi32>
        %add3A_461 = arith.constant 0 : i32
        %add3A_462 = arith.addi %add3A_461, %add3A_458 : i32
        %get3A_463 = arith.index_cast %add3A_462 : i32 to index
        %get3A_464 = arith.constant 0 : index
        %get3A_465 = tpu.vector_load %arg8[%get3A_463, %get3A_464] {strides = array<i32>} : memref<256x64xf32, #tpu.memory_space<vmem>>, vector<16xf32>,
        tpu.vector_store_idx %arg10[%add3A_335, %add3A_12, %and3A_7, %add3A_460], %get3A_465 : memref<2x8x8x129xf32, #tpu.memory_space<vmem>>[vector<16xi32>, vector<16xi32>, vector<16xi32>, vector<16xi32>], vector<16xf32>,
        %add3A_466 = arith.constant 0 : i32
        %add3A_467 = arith.addi %add3A_466, %add3A_458 : i32
        %get3A_468 = arith.index_cast %add3A_467 : i32 to index
        %get3A_469 = arith.constant 16 : index
        %get3A_470 = tpu.vector_load %arg8[%get3A_468, %get3A_469] {strides = array<i32>} : memref<256x64xf32, #tpu.memory_space<vmem>>, vector<16xf32>,
        tpu.vector_store_idx %arg10[%add3A_335, %add3A_18, %and3A_7, %add3A_460], %get3A_470 : memref<2x8x8x129xf32, #tpu.memory_space<vmem>>[vector<16xi32>, vector<16xi32>, vector<16xi32>, vector<16xi32>], vector<16xf32>,
        %add3A_471 = arith.constant 0 : i32
        %add3A_472 = arith.addi %add3A_471, %add3A_458 : i32
        %get3A_473 = arith.index_cast %add3A_472 : i32 to index
        %get3A_474 = arith.constant 32 : index
        %get3A_475 = tpu.vector_load %arg8[%get3A_473, %get3A_474] {strides = array<i32>} : memref<256x64xf32, #tpu.memory_space<vmem>>, vector<16xf32>,
        tpu.vector_store_idx %arg10[%add3A_335, %add3A_24, %and3A_7, %add3A_460], %get3A_475 : memref<2x8x8x129xf32, #tpu.memory_space<vmem>>[vector<16xi32>, vector<16xi32>, vector<16xi32>, vector<16xi32>], vector<16xf32>,
        %add3A_476 = arith.constant 0 : i32
        %add3A_477 = arith.addi %add3A_476, %add3A_458 : i32
        %get3A_478 = arith.index_cast %add3A_477 : i32 to index
        %get3A_479 = arith.constant 48 : index
        %get3A_480 = tpu.vector_load %arg8[%get3A_478, %get3A_479] {strides = array<i32>} : memref<256x64xf32, #tpu.memory_space<vmem>>, vector<16xf32>,
        tpu.vector_store_idx %arg10[%add3A_335, %add3A_30, %and3A_7, %add3A_460], %get3A_480 : memref<2x8x8x129xf32, #tpu.memory_space<vmem>>[vector<16xi32>, vector<16xi32>, vector<16xi32>, vector<16xi32>], vector<16xf32>,
        %mul3A_481 = arith.constant 4 : i32
        %mul3A_482 = arith.muli %add3A_429, %mul3A_481 : i32
        %add3A_483 = arith.constant 2 : i32
        %add3A_484 = arith.addi %mul3A_482, %add3A_483 : i32
        %add3A_485 = vector.broadcast %add3A_484 : i32 to vector<16xi32>
        %add3A_486 = arith.addi %mul3A_33, %add3A_485 : vector<16xi32>
        %add3A_487 = arith.constant 0 : i32
        %add3A_488 = arith.addi %add3A_487, %add3A_484 : i32
        %get3A_489 = arith.index_cast %add3A_488 : i32 to index
        %get3A_490 = arith.constant 0 : index
        %get3A_491 = tpu.vector_load %arg8[%get3A_489, %get3A_490] {strides = array<i32>} : memref<256x64xf32, #tpu.memory_space<vmem>>, vector<16xf32>,
        tpu.vector_store_idx %arg10[%add3A_335, %add3A_12, %and3A_7, %add3A_486], %get3A_491 : memref<2x8x8x129xf32, #tpu.memory_space<vmem>>[vector<16xi32>, vector<16xi32>, vector<16xi32>, vector<16xi32>], vector<16xf32>,
        %add3A_492 = arith.constant 0 : i32
        %add3A_493 = arith.addi %add3A_492, %add3A_484 : i32
        %get3A_494 = arith.index_cast %add3A_493 : i32 to index
        %get3A_495 = arith.constant 16 : index
        %get3A_496 = tpu.vector_load %arg8[%get3A_494, %get3A_495] {strides = array<i32>} : memref<256x64xf32, #tpu.memory_space<vmem>>, vector<16xf32>,
        tpu.vector_store_idx %arg10[%add3A_335, %add3A_18, %and3A_7, %add3A_486], %get3A_496 : memref<2x8x8x129xf32, #tpu.memory_space<vmem>>[vector<16xi32>, vector<16xi32>, vector<16xi32>, vector<16xi32>], vector<16xf32>,
        %add3A_497 = arith.constant 0 : i32
        %add3A_498 = arith.addi %add3A_497, %add3A_484 : i32
        %get3A_499 = arith.index_cast %add3A_498 : i32 to index
        %get3A_500 = arith.constant 32 : index
        %get3A_501 = tpu.vector_load %arg8[%get3A_499, %get3A_500] {strides = array<i32>} : memref<256x64xf32, #tpu.memory_space<vmem>>, vector<16xf32>,
        tpu.vector_store_idx %arg10[%add3A_335, %add3A_24, %and3A_7, %add3A_486], %get3A_501 : memref<2x8x8x129xf32, #tpu.memory_space<vmem>>[vector<16xi32>, vector<16xi32>, vector<16xi32>, vector<16xi32>], vector<16xf32>,
        %add3A_502 = arith.constant 0 : i32
        %add3A_503 = arith.addi %add3A_502, %add3A_484 : i32
        %get3A_504 = arith.index_cast %add3A_503 : i32 to index
        %get3A_505 = arith.constant 48 : index
        %get3A_506 = tpu.vector_load %arg8[%get3A_504, %get3A_505] {strides = array<i32>} : memref<256x64xf32, #tpu.memory_space<vmem>>, vector<16xf32>,
        tpu.vector_store_idx %arg10[%add3A_335, %add3A_30, %and3A_7, %add3A_486], %get3A_506 : memref<2x8x8x129xf32, #tpu.memory_space<vmem>>[vector<16xi32>, vector<16xi32>, vector<16xi32>, vector<16xi32>], vector<16xf32>,
        %mul3A_507 = arith.constant 4 : i32
        %mul3A_508 = arith.muli %add3A_429, %mul3A_507 : i32
        %add3A_509 = arith.constant 3 : i32
        %add3A_510 = arith.addi %mul3A_508, %add3A_509 : i32
        %add3A_511 = vector.broadcast %add3A_510 : i32 to vector<16xi32>
        %add3A_512 = arith.addi %mul3A_33, %add3A_511 : vector<16xi32>
        %add3A_513 = arith.constant 0 : i32
        %add3A_514 = arith.addi %add3A_513, %add3A_510 : i32
        %get3A_515 = arith.index_cast %add3A_514 : i32 to index
        %get3A_516 = arith.constant 0 : index
        %get3A_517 = tpu.vector_load %arg8[%get3A_515, %get3A_516] {strides = array<i32>} : memref<256x64xf32, #tpu.memory_space<vmem>>, vector<16xf32>,
        tpu.vector_store_idx %arg10[%add3A_335, %add3A_12, %and3A_7, %add3A_512], %get3A_517 : memref<2x8x8x129xf32, #tpu.memory_space<vmem>>[vector<16xi32>, vector<16xi32>, vector<16xi32>, vector<16xi32>], vector<16xf32>,
        %add3A_518 = arith.constant 0 : i32
        %add3A_519 = arith.addi %add3A_518, %add3A_510 : i32
        %get3A_520 = arith.index_cast %add3A_519 : i32 to index
        %get3A_521 = arith.constant 16 : index
        %get3A_522 = tpu.vector_load %arg8[%get3A_520, %get3A_521] {strides = array<i32>} : memref<256x64xf32, #tpu.memory_space<vmem>>, vector<16xf32>,
        tpu.vector_store_idx %arg10[%add3A_335, %add3A_18, %and3A_7, %add3A_512], %get3A_522 : memref<2x8x8x129xf32, #tpu.memory_space<vmem>>[vector<16xi32>, vector<16xi32>, vector<16xi32>, vector<16xi32>], vector<16xf32>,
        %add3A_523 = arith.constant 0 : i32
        %add3A_524 = arith.addi %add3A_523, %add3A_510 : i32
        %get3A_525 = arith.index_cast %add3A_524 : i32 to index
        %get3A_526 = arith.constant 32 : index
        %get3A_527 = tpu.vector_load %arg8[%get3A_525, %get3A_526] {strides = array<i32>} : memref<256x64xf32, #tpu.memory_space<vmem>>, vector<16xf32>,
        tpu.vector_store_idx %arg10[%add3A_335, %add3A_24, %and3A_7, %add3A_512], %get3A_527 : memref<2x8x8x129xf32, #tpu.memory_space<vmem>>[vector<16xi32>, vector<16xi32>, vector<16xi32>, vector<16xi32>], vector<16xf32>,
        %add3A_528 = arith.constant 0 : i32
        %add3A_529 = arith.addi %add3A_528, %add3A_510 : i32
        %get3A_530 = arith.index_cast %add3A_529 : i32 to index
        %get3A_531 = arith.constant 48 : index
        %get3A_532 = tpu.vector_load %arg8[%get3A_530, %get3A_531] {strides = array<i32>} : memref<256x64xf32, #tpu.memory_space<vmem>>, vector<16xf32>,
        tpu.vector_store_idx %arg10[%add3A_335, %add3A_30, %and3A_7, %add3A_512], %get3A_532 : memref<2x8x8x129xf32, #tpu.memory_space<vmem>>[vector<16xi32>, vector<16xi32>, vector<16xi32>, vector<16xi32>], vector<16xf32>,
      }
      %scan3A_340 = arith.constant 32 : i32
      %add3A_341 = arith.constant 1 : i32
      %add3A_342 = vector.broadcast %add3A_341 : i32 to vector<16xi32>
      %add3A_343 = arith.addi %mul3A_33, %add3A_342 : vector<16xi32>
      %scan3A_344 = arith.constant 0 : i32
      %scan3A_345 = arith.constant 32 : i32
      %scan3A_346 = arith.addi %scan3A_344, %scan3A_345 : i32
      %scan3A_347 = arith.constant 1 : i32
      scf.for %scan3A_425 = %scan3A_344 to %scan3A_346 step %scan3A_347  : i32 {
        %mul3A_426 = arith.constant 1 : i32
        %mul3A_427 = arith.muli %scan3A_425, %mul3A_426 : i32
        %add3A_428 = arith.constant 0 : i32
        %add3A_429 = arith.addi %add3A_428, %mul3A_427 : i32
        %mul3A_430 = arith.constant 4 : i32
        %mul3A_431 = arith.muli %add3A_429, %mul3A_430 : i32
        %add3A_432 = arith.constant 0 : i32
        %add3A_433 = arith.addi %mul3A_431, %add3A_432 : i32
        %add3A_434 = vector.broadcast %add3A_433 : i32 to vector<16xi32>
        %add3A_435 = arith.addi %mul3A_33, %add3A_434 : vector<16xi32>
        %add3A_436 = arith.constant 128 : i32
        %add3A_437 = arith.addi %add3A_436, %add3A_433 : i32
        %get3A = arith.index_cast %add3A_437 : i32 to index
        %get3A_438 = arith.constant 0 : index
        %get3A_439 = tpu.vector_load %arg8[%get3A, %get3A_438] {strides = array<i32>} : memref<256x64xf32, #tpu.memory_space<vmem>>, vector<16xf32>,
        tpu.vector_store_idx %arg10[%add3A_343, %add3A_12, %and3A_7, %add3A_435], %get3A_439 : memref<2x8x8x129xf32, #tpu.memory_space<vmem>>[vector<16xi32>, vector<16xi32>, vector<16xi32>, vector<16xi32>], vector<16xf32>,
        %add3A_440 = arith.constant 128 : i32
        %add3A_441 = arith.addi %add3A_440, %add3A_433 : i32
        %get3A_442 = arith.index_cast %add3A_441 : i32 to index
        %get3A_443 = arith.constant 16 : index
        %get3A_444 = tpu.vector_load %arg8[%get3A_442, %get3A_443] {strides = array<i32>} : memref<256x64xf32, #tpu.memory_space<vmem>>, vector<16xf32>,
        tpu.vector_store_idx %arg10[%add3A_343, %add3A_18, %and3A_7, %add3A_435], %get3A_444 : memref<2x8x8x129xf32, #tpu.memory_space<vmem>>[vector<16xi32>, vector<16xi32>, vector<16xi32>, vector<16xi32>], vector<16xf32>,
        %add3A_445 = arith.constant 128 : i32
        %add3A_446 = arith.addi %add3A_445, %add3A_433 : i32
        %get3A_447 = arith.index_cast %add3A_446 : i32 to index
        %get3A_448 = arith.constant 32 : index
        %get3A_449 = tpu.vector_load %arg8[%get3A_447, %get3A_448] {strides = array<i32>} : memref<256x64xf32, #tpu.memory_space<vmem>>, vector<16xf32>,
        tpu.vector_store_idx %arg10[%add3A_343, %add3A_24, %and3A_7, %add3A_435], %get3A_449 : memref<2x8x8x129xf32, #tpu.memory_space<vmem>>[vector<16xi32>, vector<16xi32>, vector<16xi32>, vector<16xi32>], vector<16xf32>,
        %add3A_450 = arith.constant 128 : i32
        %add3A_451 = arith.addi %add3A_450, %add3A_433 : i32
        %get3A_452 = arith.index_cast %add3A_451 : i32 to index
        %get3A_453 = arith.constant 48 : index
        %get3A_454 = tpu.vector_load %arg8[%get3A_452, %get3A_453] {strides = array<i32>} : memref<256x64xf32, #tpu.memory_space<vmem>>, vector<16xf32>,
        tpu.vector_store_idx %arg10[%add3A_343, %add3A_30, %and3A_7, %add3A_435], %get3A_454 : memref<2x8x8x129xf32, #tpu.memory_space<vmem>>[vector<16xi32>, vector<16xi32>, vector<16xi32>, vector<16xi32>], vector<16xf32>,
        %mul3A_455 = arith.constant 4 : i32
        %mul3A_456 = arith.muli %add3A_429, %mul3A_455 : i32
        %add3A_457 = arith.constant 1 : i32
        %add3A_458 = arith.addi %mul3A_456, %add3A_457 : i32
        %add3A_459 = vector.broadcast %add3A_458 : i32 to vector<16xi32>
        %add3A_460 = arith.addi %mul3A_33, %add3A_459 : vector<16xi32>
        %add3A_461 = arith.constant 128 : i32
        %add3A_462 = arith.addi %add3A_461, %add3A_458 : i32
        %get3A_463 = arith.index_cast %add3A_462 : i32 to index
        %get3A_464 = arith.constant 0 : index
        %get3A_465 = tpu.vector_load %arg8[%get3A_463, %get3A_464] {strides = array<i32>} : memref<256x64xf32, #tpu.memory_space<vmem>>, vector<16xf32>,
        tpu.vector_store_idx %arg10[%add3A_343, %add3A_12, %and3A_7, %add3A_460], %get3A_465 : memref<2x8x8x129xf32, #tpu.memory_space<vmem>>[vector<16xi32>, vector<16xi32>, vector<16xi32>, vector<16xi32>], vector<16xf32>,
        %add3A_466 = arith.constant 128 : i32
        %add3A_467 = arith.addi %add3A_466, %add3A_458 : i32
        %get3A_468 = arith.index_cast %add3A_467 : i32 to index
        %get3A_469 = arith.constant 16 : index
        %get3A_470 = tpu.vector_load %arg8[%get3A_468, %get3A_469] {strides = array<i32>} : memref<256x64xf32, #tpu.memory_space<vmem>>, vector<16xf32>,
        tpu.vector_store_idx %arg10[%add3A_343, %add3A_18, %and3A_7, %add3A_460], %get3A_470 : memref<2x8x8x129xf32, #tpu.memory_space<vmem>>[vector<16xi32>, vector<16xi32>, vector<16xi32>, vector<16xi32>], vector<16xf32>,
        %add3A_471 = arith.constant 128 : i32
        %add3A_472 = arith.addi %add3A_471, %add3A_458 : i32
        %get3A_473 = arith.index_cast %add3A_472 : i32 to index
        %get3A_474 = arith.constant 32 : index
        %get3A_475 = tpu.vector_load %arg8[%get3A_473, %get3A_474] {strides = array<i32>} : memref<256x64xf32, #tpu.memory_space<vmem>>, vector<16xf32>,
        tpu.vector_store_idx %arg10[%add3A_343, %add3A_24, %and3A_7, %add3A_460], %get3A_475 : memref<2x8x8x129xf32, #tpu.memory_space<vmem>>[vector<16xi32>, vector<16xi32>, vector<16xi32>, vector<16xi32>], vector<16xf32>,
        %add3A_476 = arith.constant 128 : i32
        %add3A_477 = arith.addi %add3A_476, %add3A_458 : i32
        %get3A_478 = arith.index_cast %add3A_477 : i32 to index
        %get3A_479 = arith.constant 48 : index
        %get3A_480 = tpu.vector_load %arg8[%get3A_478, %get3A_479] {strides = array<i32>} : memref<256x64xf32, #tpu.memory_space<vmem>>, vector<16xf32>,
        tpu.vector_store_idx %arg10[%add3A_343, %add3A_30, %and3A_7, %add3A_460], %get3A_480 : memref<2x8x8x129xf32, #tpu.memory_space<vmem>>[vector<16xi32>, vector<16xi32>, vector<16xi32>, vector<16xi32>], vector<16xf32>,
        %mul3A_481 = arith.constant 4 : i32
        %mul3A_482 = arith.muli %add3A_429, %mul3A_481 : i32
        %add3A_483 = arith.constant 2 : i32
        %add3A_484 = arith.addi %mul3A_482, %add3A_483 : i32
        %add3A_485 = vector.broadcast %add3A_484 : i32 to vector<16xi32>
        %add3A_486 = arith.addi %mul3A_33, %add3A_485 : vector<16xi32>
        %add3A_487 = arith.constant 128 : i32
        %add3A_488 = arith.addi %add3A_487, %add3A_484 : i32
        %get3A_489 = arith.index_cast %add3A_488 : i32 to index
        %get3A_490 = arith.constant 0 : index
        %get3A_491 = tpu.vector_load %arg8[%get3A_489, %get3A_490] {strides = array<i32>} : memref<256x64xf32, #tpu.memory_space<vmem>>, vector<16xf32>,
        tpu.vector_store_idx %arg10[%add3A_343, %add3A_12, %and3A_7, %add3A_486], %get3A_491 : memref<2x8x8x129xf32, #tpu.memory_space<vmem>>[vector<16xi32>, vector<16xi32>, vector<16xi32>, vector<16xi32>], vector<16xf32>,
        %add3A_492 = arith.constant 128 : i32
        %add3A_493 = arith.addi %add3A_492, %add3A_484 : i32
        %get3A_494 = arith.index_cast %add3A_493 : i32 to index
        %get3A_495 = arith.constant 16 : index
        %get3A_496 = tpu.vector_load %arg8[%get3A_494, %get3A_495] {strides = array<i32>} : memref<256x64xf32, #tpu.memory_space<vmem>>, vector<16xf32>,
        tpu.vector_store_idx %arg10[%add3A_343, %add3A_18, %and3A_7, %add3A_486], %get3A_496 : memref<2x8x8x129xf32, #tpu.memory_space<vmem>>[vector<16xi32>, vector<16xi32>, vector<16xi32>, vector<16xi32>], vector<16xf32>,
        %add3A_497 = arith.constant 128 : i32
        %add3A_498 = arith.addi %add3A_497, %add3A_484 : i32
        %get3A_499 = arith.index_cast %add3A_498 : i32 to index
        %get3A_500 = arith.constant 32 : index
        %get3A_501 = tpu.vector_load %arg8[%get3A_499, %get3A_500] {strides = array<i32>} : memref<256x64xf32, #tpu.memory_space<vmem>>, vector<16xf32>,
        tpu.vector_store_idx %arg10[%add3A_343, %add3A_24, %and3A_7, %add3A_486], %get3A_501 : memref<2x8x8x129xf32, #tpu.memory_space<vmem>>[vector<16xi32>, vector<16xi32>, vector<16xi32>, vector<16xi32>], vector<16xf32>,
        %add3A_502 = arith.constant 128 : i32
        %add3A_503 = arith.addi %add3A_502, %add3A_484 : i32
        %get3A_504 = arith.index_cast %add3A_503 : i32 to index
        %get3A_505 = arith.constant 48 : index
        %get3A_506 = tpu.vector_load %arg8[%get3A_504, %get3A_505] {strides = array<i32>} : memref<256x64xf32, #tpu.memory_space<vmem>>, vector<16xf32>,
        tpu.vector_store_idx %arg10[%add3A_343, %add3A_30, %and3A_7, %add3A_486], %get3A_506 : memref<2x8x8x129xf32, #tpu.memory_space<vmem>>[vector<16xi32>, vector<16xi32>, vector<16xi32>, vector<16xi32>], vector<16xf32>,
        %mul3A_507 = arith.constant 4 : i32
        %mul3A_508 = arith.muli %add3A_429, %mul3A_507 : i32
        %add3A_509 = arith.constant 3 : i32
        %add3A_510 = arith.addi %mul3A_508, %add3A_509 : i32
        %add3A_511 = vector.broadcast %add3A_510 : i32 to vector<16xi32>
        %add3A_512 = arith.addi %mul3A_33, %add3A_511 : vector<16xi32>
        %add3A_513 = arith.constant 128 : i32
        %add3A_514 = arith.addi %add3A_513, %add3A_510 : i32
        %get3A_515 = arith.index_cast %add3A_514 : i32 to index
        %get3A_516 = arith.constant 0 : index
        %get3A_517 = tpu.vector_load %arg8[%get3A_515, %get3A_516] {strides = array<i32>} : memref<256x64xf32, #tpu.memory_space<vmem>>, vector<16xf32>,
        tpu.vector_store_idx %arg10[%add3A_343, %add3A_12, %and3A_7, %add3A_512], %get3A_517 : memref<2x8x8x129xf32, #tpu.memory_space<vmem>>[vector<16xi32>, vector<16xi32>, vector<16xi32>, vector<16xi32>], vector<16xf32>,
        %add3A_518 = arith.constant 128 : i32
        %add3A_519 = arith.addi %add3A_518, %add3A_510 : i32
        %get3A_520 = arith.index_cast %add3A_519 : i32 to index
        %get3A_521 = arith.constant 16 : index
        %get3A_522 = tpu.vector_load %arg8[%get3A_520, %get3A_521] {strides = array<i32>} : memref<256x64xf32, #tpu.memory_space<vmem>>, vector<16xf32>,
        tpu.vector_store_idx %arg10[%add3A_343, %add3A_18, %and3A_7, %add3A_512], %get3A_522 : memref<2x8x8x129xf32, #tpu.memory_space<vmem>>[vector<16xi32>, vector<16xi32>, vector<16xi32>, vector<16xi32>], vector<16xf32>,
        %add3A_523 = arith.constant 128 : i32
        %add3A_524 = arith.addi %add3A_523, %add3A_510 : i32
        %get3A_525 = arith.index_cast %add3A_524 : i32 to index
        %get3A_526 = arith.constant 32 : index
        %get3A_527 = tpu.vector_load %arg8[%get3A_525, %get3A_526] {strides = array<i32>} : memref<256x64xf32, #tpu.memory_space<vmem>>, vector<16xf32>,
        tpu.vector_store_idx %arg10[%add3A_343, %add3A_24, %and3A_7, %add3A_512], %get3A_527 : memref<2x8x8x129xf32, #tpu.memory_space<vmem>>[vector<16xi32>, vector<16xi32>, vector<16xi32>, vector<16xi32>], vector<16xf32>,
        %add3A_528 = arith.constant 128 : i32
        %add3A_529 = arith.addi %add3A_528, %add3A_510 : i32
        %get3A_530 = arith.index_cast %add3A_529 : i32 to index
        %get3A_531 = arith.constant 48 : index
        %get3A_532 = tpu.vector_load %arg8[%get3A_530, %get3A_531] {strides = array<i32>} : memref<256x64xf32, #tpu.memory_space<vmem>>, vector<16xf32>,
        tpu.vector_store_idx %arg10[%add3A_343, %add3A_30, %and3A_7, %add3A_512], %get3A_532 : memref<2x8x8x129xf32, #tpu.memory_space<vmem>>[vector<16xi32>, vector<16xi32>, vector<16xi32>, vector<16xi32>], vector<16xf32>,
      }
      %scan3A_348 = arith.constant 32 : i32
      %mul3A_349 = arith.constant 4 : i32
      %mul3A_350 = arith.muli %add3A, %mul3A_349 : i32
      %add3A_351 = arith.addi %mul3A_350, %select_n3A_329 : i32
      %mul3A_352 = arith.constant 2 : i32
      %mul3A_353 = arith.muli %mul3A_352, %sub3A_332 : i32
      %run_scoped3A = arith.constant 0 : i32
      "tpu.region"() ({
        %run_scoped3A_425 = tpu.sem_alloc : memref<!tpu.dma_semaphore, #tpu.memory_space<semaphore_mem>>
        %dma_start3A_426 = arith.constant 0 : i32
        %dma_start3A_427 = arith.constant 0 : i32
        %dma_start3A_428 = arith.constant 0 : i32
        %dma_start3A_429 = tpu.memref_slice %arg10[%run_scoped3A, %dma_start3A_426, %dma_start3A_427, %dma_start3A_428] : memref<2x8x8x129xf32, #tpu.memory_space<vmem>> -> memref<1x8x8x128xf32, #tpu.memory_space<vmem>>
        %dma_start3A_430 = tpu.memref_squeeze %dma_start3A_429 : memref<1x8x8x128xf32, #tpu.memory_space<vmem>> -> memref<8x8x128xf32, #tpu.memory_space<vmem>>
        %dma_start3A_431 = arith.constant 0 : i32
        %dma_start3A_432 = arith.constant 0 : i32
        %dma_start3A_433 = arith.constant 0 : i32
        %dma_start3A_434 = tpu.memref_slice %arg4[%mul3A_353, %dma_start3A_431, %add3A_351, %dma_start3A_432, %dma_start3A_433] : memref<50x8x128x8x128xf32, #tpu.memory_space<hbm>> -> memref<1x8x1x8x128xf32, #tpu.memory_space<hbm>>
        %dma_start3A_435 = tpu.memref_squeeze %dma_start3A_434 : memref<1x8x1x8x128xf32, #tpu.memory_space<hbm>> -> memref<8x8x128xf32, #tpu.memory_space<hbm>>
        %dma_start3A_436 = arith.constant 0 : i32
        %dma_start3A_437 = arith.constant 0 : i32
        %dma_start3A_438 = arith.constant 0 : i32
        %dma_start3A_439 = tpu.memref_slice %arg4[%mul3A_353, %dma_start3A_436, %add3A_351, %dma_start3A_437, %dma_start3A_438] : memref<50x8x128x8x128xf32, #tpu.memory_space<hbm>> -> memref<1x8x1x8x128xf32, #tpu.memory_space<hbm>>
        %dma_start3A_440 = tpu.memref_squeeze %dma_start3A_439 : memref<1x8x1x8x128xf32, #tpu.memory_space<hbm>> -> memref<8x8x128xf32, #tpu.memory_space<hbm>>
        %dma_start3A_441 = arith.constant 0 : i32
        %dma_start3A_442 = arith.constant 0 : i32
        %dma_start3A_443 = arith.constant 0 : i32
        %dma_start3A_444 = tpu.memref_slice %arg10[%run_scoped3A, %dma_start3A_441, %dma_start3A_442, %dma_start3A_443] : memref<2x8x8x129xf32, #tpu.memory_space<vmem>> -> memref<1x8x8x128xf32, #tpu.memory_space<vmem>>
        %dma_start3A_445 = tpu.memref_squeeze %dma_start3A_444 : memref<1x8x8x128xf32, #tpu.memory_space<vmem>> -> memref<8x8x128xf32, #tpu.memory_space<vmem>>
        tpu.enqueue_dma source(%dma_start3A_445 : memref<8x8x128xf32, #tpu.memory_space<vmem>>) target(%dma_start3A_440 : memref<8x8x128xf32, #tpu.memory_space<hbm>>) target_semaphore(%run_scoped3A_425 : memref<!tpu.dma_semaphore, #tpu.memory_space<semaphore_mem>>)
        %dma_wait3A_446 = arith.constant 0 : i32
        %dma_wait3A_447 = arith.constant 0 : i32
        %dma_wait3A_448 = arith.constant 0 : i32
        %dma_wait3A_449 = tpu.memref_slice %arg10[%run_scoped3A, %dma_wait3A_446, %dma_wait3A_447, %dma_wait3A_448] : memref<2x8x8x129xf32, #tpu.memory_space<vmem>> -> memref<1x8x8x128xf32, #tpu.memory_space<vmem>>
        %dma_wait3A_450 = tpu.memref_squeeze %dma_wait3A_449 : memref<1x8x8x128xf32, #tpu.memory_space<vmem>> -> memref<8x8x128xf32, #tpu.memory_space<vmem>>
        %dma_wait3A_451 = arith.constant 0 : i32
        %dma_wait3A_452 = arith.constant 0 : i32
        %dma_wait3A_453 = arith.constant 0 : i32
        %dma_wait3A_454 = tpu.memref_slice %arg4[%mul3A_353, %dma_wait3A_451, %add3A_351, %dma_wait3A_452, %dma_wait3A_453] : memref<50x8x128x8x128xf32, #tpu.memory_space<hbm>> -> memref<1x8x1x8x128xf32, #tpu.memory_space<hbm>>
        %dma_wait3A_455 = tpu.memref_squeeze %dma_wait3A_454 : memref<1x8x1x8x128xf32, #tpu.memory_space<hbm>> -> memref<8x8x128xf32, #tpu.memory_space<hbm>>
        %dma_wait3A_456 = arith.constant 0 : i32
        %dma_wait3A_457 = arith.constant 0 : i32
        %dma_wait3A_458 = arith.constant 0 : i32
        %dma_wait3A_459 = tpu.memref_slice %arg4[%mul3A_353, %dma_wait3A_456, %add3A_351, %dma_wait3A_457, %dma_wait3A_458] : memref<50x8x128x8x128xf32, #tpu.memory_space<hbm>> -> memref<1x8x1x8x128xf32, #tpu.memory_space<hbm>>
        %dma_wait3A_460 = tpu.memref_squeeze %dma_wait3A_459 : memref<1x8x1x8x128xf32, #tpu.memory_space<hbm>> -> memref<8x8x128xf32, #tpu.memory_space<hbm>>
        %dma_wait3A_461 = arith.constant 0 : i32
        %dma_wait3A_462 = arith.constant 0 : i32
        %dma_wait3A_463 = arith.constant 0 : i32
        %dma_wait3A_464 = tpu.memref_slice %arg10[%run_scoped3A, %dma_wait3A_461, %dma_wait3A_462, %dma_wait3A_463] : memref<2x8x8x129xf32, #tpu.memory_space<vmem>> -> memref<1x8x8x128xf32, #tpu.memory_space<vmem>>
        %dma_wait3A_465 = tpu.memref_squeeze %dma_wait3A_464 : memref<1x8x8x128xf32, #tpu.memory_space<vmem>> -> memref<8x8x128xf32, #tpu.memory_space<vmem>>
        tpu.wait_dma2 semaphore(%run_scoped3A_425 : memref<!tpu.dma_semaphore, #tpu.memory_space<semaphore_mem>>) src(%dma_wait3A_465 : memref<8x8x128xf32, #tpu.memory_space<vmem>>) dst(%dma_wait3A_460 : memref<8x8x128xf32, #tpu.memory_space<hbm>>)
        tpu.yield
      }) : () -> ()
      %mul3A_354 = arith.constant 2 : i32
      %mul3A_355 = arith.muli %mul3A_354, %sub3A_332 : i32
      %add3A_356 = arith.constant 1 : i32
      %add3A_357 = arith.addi %mul3A_355, %add3A_356 : i32
      %run_scoped3A_358 = arith.constant 1 : i32
      "tpu.region"() ({
        %run_scoped3A_425 = tpu.sem_alloc : memref<!tpu.dma_semaphore, #tpu.memory_space<semaphore_mem>>
        %dma_start3A_426 = arith.constant 0 : i32
        %dma_start3A_427 = arith.constant 0 : i32
        %dma_start3A_428 = arith.constant 0 : i32
        %dma_start3A_429 = tpu.memref_slice %arg10[%run_scoped3A_358, %dma_start3A_426, %dma_start3A_427, %dma_start3A_428] : memref<2x8x8x129xf32, #tpu.memory_space<vmem>> -> memref<1x8x8x128xf32, #tpu.memory_space<vmem>>
        %dma_start3A_430 = tpu.memref_squeeze %dma_start3A_429 : memref<1x8x8x128xf32, #tpu.memory_space<vmem>> -> memref<8x8x128xf32, #tpu.memory_space<vmem>>
        %dma_start3A_431 = arith.constant 0 : i32
        %dma_start3A_432 = arith.constant 0 : i32
        %dma_start3A_433 = arith.constant 0 : i32
        %dma_start3A_434 = tpu.memref_slice %arg4[%add3A_357, %dma_start3A_431, %add3A_351, %dma_start3A_432, %dma_start3A_433] : memref<50x8x128x8x128xf32, #tpu.memory_space<hbm>> -> memref<1x8x1x8x128xf32, #tpu.memory_space<hbm>>
        %dma_start3A_435 = tpu.memref_squeeze %dma_start3A_434 : memref<1x8x1x8x128xf32, #tpu.memory_space<hbm>> -> memref<8x8x128xf32, #tpu.memory_space<hbm>>
        %dma_start3A_436 = arith.constant 0 : i32
        %dma_start3A_437 = arith.constant 0 : i32
        %dma_start3A_438 = arith.constant 0 : i32
        %dma_start3A_439 = tpu.memref_slice %arg4[%add3A_357, %dma_start3A_436, %add3A_351, %dma_start3A_437, %dma_start3A_438] : memref<50x8x128x8x128xf32, #tpu.memory_space<hbm>> -> memref<1x8x1x8x128xf32, #tpu.memory_space<hbm>>
        %dma_start3A_440 = tpu.memref_squeeze %dma_start3A_439 : memref<1x8x1x8x128xf32, #tpu.memory_space<hbm>> -> memref<8x8x128xf32, #tpu.memory_space<hbm>>
        %dma_start3A_441 = arith.constant 0 : i32
        %dma_start3A_442 = arith.constant 0 : i32
        %dma_start3A_443 = arith.constant 0 : i32
        %dma_start3A_444 = tpu.memref_slice %arg10[%run_scoped3A_358, %dma_start3A_441, %dma_start3A_442, %dma_start3A_443] : memref<2x8x8x129xf32, #tpu.memory_space<vmem>> -> memref<1x8x8x128xf32, #tpu.memory_space<vmem>>
        %dma_start3A_445 = tpu.memref_squeeze %dma_start3A_444 : memref<1x8x8x128xf32, #tpu.memory_space<vmem>> -> memref<8x8x128xf32, #tpu.memory_space<vmem>>
        tpu.enqueue_dma source(%dma_start3A_445 : memref<8x8x128xf32, #tpu.memory_space<vmem>>) target(%dma_start3A_440 : memref<8x8x128xf32, #tpu.memory_space<hbm>>) target_semaphore(%run_scoped3A_425 : memref<!tpu.dma_semaphore, #tpu.memory_space<semaphore_mem>>)
        %dma_wait3A_446 = arith.constant 0 : i32
        %dma_wait3A_447 = arith.constant 0 : i32
        %dma_wait3A_448 = arith.constant 0 : i32
        %dma_wait3A_449 = tpu.memref_slice %arg10[%run_scoped3A_358, %dma_wait3A_446, %dma_wait3A_447, %dma_wait3A_448] : memref<2x8x8x129xf32, #tpu.memory_space<vmem>> -> memref<1x8x8x128xf32, #tpu.memory_space<vmem>>
        %dma_wait3A_450 = tpu.memref_squeeze %dma_wait3A_449 : memref<1x8x8x128xf32, #tpu.memory_space<vmem>> -> memref<8x8x128xf32, #tpu.memory_space<vmem>>
        %dma_wait3A_451 = arith.constant 0 : i32
        %dma_wait3A_452 = arith.constant 0 : i32
        %dma_wait3A_453 = arith.constant 0 : i32
        %dma_wait3A_454 = tpu.memref_slice %arg4[%add3A_357, %dma_wait3A_451, %add3A_351, %dma_wait3A_452, %dma_wait3A_453] : memref<50x8x128x8x128xf32, #tpu.memory_space<hbm>> -> memref<1x8x1x8x128xf32, #tpu.memory_space<hbm>>
        %dma_wait3A_455 = tpu.memref_squeeze %dma_wait3A_454 : memref<1x8x1x8x128xf32, #tpu.memory_space<hbm>> -> memref<8x8x128xf32, #tpu.memory_space<hbm>>
        %dma_wait3A_456 = arith.constant 0 : i32
        %dma_wait3A_457 = arith.constant 0 : i32
        %dma_wait3A_458 = arith.constant 0 : i32
        %dma_wait3A_459 = tpu.memref_slice %arg4[%add3A_357, %dma_wait3A_456, %add3A_351, %dma_wait3A_457, %dma_wait3A_458] : memref<50x8x128x8x128xf32, #tpu.memory_space<hbm>> -> memref<1x8x1x8x128xf32, #tpu.memory_space<hbm>>
        %dma_wait3A_460 = tpu.memref_squeeze %dma_wait3A_459 : memref<1x8x1x8x128xf32, #tpu.memory_space<hbm>> -> memref<8x8x128xf32, #tpu.memory_space<hbm>>
        %dma_wait3A_461 = arith.constant 0 : i32
        %dma_wait3A_462 = arith.constant 0 : i32
        %dma_wait3A_463 = arith.constant 0 : i32
        %dma_wait3A_464 = tpu.memref_slice %arg10[%run_scoped3A_358, %dma_wait3A_461, %dma_wait3A_462, %dma_wait3A_463] : memref<2x8x8x129xf32, #tpu.memory_space<vmem>> -> memref<1x8x8x128xf32, #tpu.memory_space<vmem>>
        %dma_wait3A_465 = tpu.memref_squeeze %dma_wait3A_464 : memref<1x8x8x128xf32, #tpu.memory_space<vmem>> -> memref<8x8x128xf32, #tpu.memory_space<vmem>>
        tpu.wait_dma2 semaphore(%run_scoped3A_425 : memref<!tpu.dma_semaphore, #tpu.memory_space<semaphore_mem>>) src(%dma_wait3A_465 : memref<8x8x128xf32, #tpu.memory_space<vmem>>) dst(%dma_wait3A_460 : memref<8x8x128xf32, #tpu.memory_space<hbm>>)
        tpu.yield
      }) : () -> ()
      %add3A_359 = arith.constant 2 : i32
      %add3A_360 = arith.addi %mul3A_153, %add3A_359 : i32
      %lt3A = arith.constant 100 : i32
      %lt3A_361 = arith.cmpi slt, %add3A_360, %lt3A : i32
      %convert_element_type3A = arith.extui %lt3A_361 : i1 to i32
      %cond3A = arith.constant 0 : i32
      %cond3A_362 = arith.cmpi ne, %convert_element_type3A, %cond3A : i32
      scf.if %cond3A_362 {
        %add3A_425 = arith.constant 2 : i32
        %add3A_426 = arith.addi %mul3A_153, %add3A_425 : i32
        %jit3A_427 = arith.constant 25 : i32
        %div3A_428 = arith.divsi %add3A_426, %jit3A_427 : i32
        %sign3A_429 = arith.constant 0 : i32
        %sign3A_430 = arith.cmpi sgt, %add3A_426, %sign3A_429 : i32
        %sign3A_431 = arith.extui %sign3A_430 : i1 to i32
        %sign3A_432 = arith.constant 0 : i32
        %sign3A_433 = arith.cmpi slt, %add3A_426, %sign3A_432 : i32
        %sign3A_434 = arith.extui %sign3A_433 : i1 to i32
        %sign3A_435 = arith.subi %sign3A_431, %sign3A_434 : i32
        %sign3A_436 = arith.constant 0 : i32
        %sign3A_437 = arith.cmpi sgt, %jit3A_427, %sign3A_436 : i32
        %sign3A_438 = arith.extui %sign3A_437 : i1 to i32
        %sign3A_439 = arith.constant 0 : i32
        %sign3A_440 = arith.cmpi slt, %jit3A_427, %sign3A_439 : i32
        %sign3A_441 = arith.extui %sign3A_440 : i1 to i32
        %sign3A_442 = arith.subi %sign3A_438, %sign3A_441 : i32
        %ne3A_443 = arith.cmpi ne, %sign3A_435, %sign3A_442 : i32
        %rem3A_444 = arith.remsi %add3A_426, %jit3A_427 : i32
        %ne3A_445 = arith.constant 0 : i32
        %ne3A_446 = arith.cmpi ne, %rem3A_444, %ne3A_445 : i32
        %and3A_447 = arith.andi %ne3A_443, %ne3A_446 : i1
        %sub3A_448 = arith.constant 1 : i32
        %sub3A_449 = arith.subi %div3A_428, %sub3A_448 : i32
        %select_n3A_450 = arith.select %and3A_447, %sub3A_449, %div3A_428 : i32
        %mul3A_451 = arith.constant 25 : i32
        %mul3A_452 = arith.muli %select_n3A_450, %mul3A_451 : i32
        %sub3A_453 = arith.subi %add3A_426, %mul3A_452 : i32
        %mul3A_454 = arith.constant 6400 : i32
        %mul3A_455 = arith.muli %select_n3A_450, %mul3A_454 : i32
        %mul3A_456 = arith.constant 2 : i32
        %mul3A_457 = arith.muli %mul3A_456, %sub3A_453 : i32
        %add3A_458 = arith.addi %mul3A_455, %mul3A_457 : i32
        %add3A_459 = arith.constant 0 : i32
        %add3A_460 = arith.addi %add3A_458, %add3A_459 : i32
        %add3A_461 = vector.broadcast %add3A_460 : i32 to vector<16xi32>
        %add3A_462 = arith.addi %add3A_461, %mul3A_5 : vector<16xi32>
        %gather3A_463 = tpu.vector_load_idx %arg5[%add3A_462] : memref<25600xi32, #tpu.memory_space<vmem>>[vector<16xi32>], vector<16xi32>,
        %swap3A_464 = arith.constant 0 : index
        %swap3A_465 = tpu.vector_load %arg6[%swap3A_464] {strides = array<i32>} : memref<256xi32, #tpu.memory_space<vmem>>, vector<16xi32>,
        tpu.vector_store %arg6[%swap3A_464], %gather3A_463 {strides = array<i32>} : memref<256xi32, #tpu.memory_space<vmem>>, vector<16xi32>,
        %add3A_466 = arith.constant 1 : i32
        %add3A_467 = vector.broadcast %add3A_466 : i32 to vector<16xi32>
        %add3A_468 = arith.addi %add3A_462, %add3A_467 : vector<16xi32>
        %gather3A_469 = tpu.vector_load_idx %arg5[%add3A_468] : memref<25600xi32, #tpu.memory_space<vmem>>[vector<16xi32>], vector<16xi32>,
        %swap3A_470 = arith.constant 128 : index
        %swap3A_471 = tpu.vector_load %arg6[%swap3A_470] {strides = array<i32>} : memref<256xi32, #tpu.memory_space<vmem>>, vector<16xi32>,
        tpu.vector_store %arg6[%swap3A_470], %gather3A_469 {strides = array<i32>} : memref<256xi32, #tpu.memory_space<vmem>>, vector<16xi32>,
        %add3A_472 = arith.constant 800 : i32
        %add3A_473 = arith.addi %add3A_458, %add3A_472 : i32
        %add3A_474 = vector.broadcast %add3A_473 : i32 to vector<16xi32>
        %add3A_475 = arith.addi %add3A_474, %mul3A_5 : vector<16xi32>
        %gather3A_476 = tpu.vector_load_idx %arg5[%add3A_475] : memref<25600xi32, #tpu.memory_space<vmem>>[vector<16xi32>], vector<16xi32>,
        %swap3A_477 = arith.constant 16 : index
        %swap3A_478 = tpu.vector_load %arg6[%swap3A_477] {strides = array<i32>} : memref<256xi32, #tpu.memory_space<vmem>>, vector<16xi32>,
        tpu.vector_store %arg6[%swap3A_477], %gather3A_476 {strides = array<i32>} : memref<256xi32, #tpu.memory_space<vmem>>, vector<16xi32>,
        %add3A_479 = arith.constant 1 : i32
        %add3A_480 = vector.broadcast %add3A_479 : i32 to vector<16xi32>
        %add3A_481 = arith.addi %add3A_475, %add3A_480 : vector<16xi32>
        %gather3A_482 = tpu.vector_load_idx %arg5[%add3A_481] : memref<25600xi32, #tpu.memory_space<vmem>>[vector<16xi32>], vector<16xi32>,
        %swap3A_483 = arith.constant 144 : index
        %swap3A_484 = tpu.vector_load %arg6[%swap3A_483] {strides = array<i32>} : memref<256xi32, #tpu.memory_space<vmem>>, vector<16xi32>,
        tpu.vector_store %arg6[%swap3A_483], %gather3A_482 {strides = array<i32>} : memref<256xi32, #tpu.memory_space<vmem>>, vector<16xi32>,
        %add3A_485 = arith.constant 1600 : i32
        %add3A_486 = arith.addi %add3A_458, %add3A_485 : i32
        %add3A_487 = vector.broadcast %add3A_486 : i32 to vector<16xi32>
        %add3A_488 = arith.addi %add3A_487, %mul3A_5 : vector<16xi32>
        %gather3A_489 = tpu.vector_load_idx %arg5[%add3A_488] : memref<25600xi32, #tpu.memory_space<vmem>>[vector<16xi32>], vector<16xi32>,
        %swap3A_490 = arith.constant 32 : index
        %swap3A_491 = tpu.vector_load %arg6[%swap3A_490] {strides = array<i32>} : memref<256xi32, #tpu.memory_space<vmem>>, vector<16xi32>,
        tpu.vector_store %arg6[%swap3A_490], %gather3A_489 {strides = array<i32>} : memref<256xi32, #tpu.memory_space<vmem>>, vector<16xi32>,
        %add3A_492 = arith.constant 1 : i32
        %add3A_493 = vector.broadcast %add3A_492 : i32 to vector<16xi32>
        %add3A_494 = arith.addi %add3A_488, %add3A_493 : vector<16xi32>
        %gather3A_495 = tpu.vector_load_idx %arg5[%add3A_494] : memref<25600xi32, #tpu.memory_space<vmem>>[vector<16xi32>], vector<16xi32>,
        %swap3A_496 = arith.constant 160 : index
        %swap3A_497 = tpu.vector_load %arg6[%swap3A_496] {strides = array<i32>} : memref<256xi32, #tpu.memory_space<vmem>>, vector<16xi32>,
        tpu.vector_store %arg6[%swap3A_496], %gather3A_495 {strides = array<i32>} : memref<256xi32, #tpu.memory_space<vmem>>, vector<16xi32>,
        %add3A_498 = arith.constant 2400 : i32
        %add3A_499 = arith.addi %add3A_458, %add3A_498 : i32
        %add3A_500 = vector.broadcast %add3A_499 : i32 to vector<16xi32>
        %add3A_501 = arith.addi %add3A_500, %mul3A_5 : vector<16xi32>
        %gather3A_502 = tpu.vector_load_idx %arg5[%add3A_501] : memref<25600xi32, #tpu.memory_space<vmem>>[vector<16xi32>], vector<16xi32>,
        %swap3A_503 = arith.constant 48 : index
        %swap3A_504 = tpu.vector_load %arg6[%swap3A_503] {strides = array<i32>} : memref<256xi32, #tpu.memory_space<vmem>>, vector<16xi32>,
        tpu.vector_store %arg6[%swap3A_503], %gather3A_502 {strides = array<i32>} : memref<256xi32, #tpu.memory_space<vmem>>, vector<16xi32>,
        %add3A_505 = arith.constant 1 : i32
        %add3A_506 = vector.broadcast %add3A_505 : i32 to vector<16xi32>
        %add3A_507 = arith.addi %add3A_501, %add3A_506 : vector<16xi32>
        %gather3A_508 = tpu.vector_load_idx %arg5[%add3A_507] : memref<25600xi32, #tpu.memory_space<vmem>>[vector<16xi32>], vector<16xi32>,
        %swap3A_509 = arith.constant 176 : index
        %swap3A_510 = tpu.vector_load %arg6[%swap3A_509] {strides = array<i32>} : memref<256xi32, #tpu.memory_space<vmem>>, vector<16xi32>,
        tpu.vector_store %arg6[%swap3A_509], %gather3A_508 {strides = array<i32>} : memref<256xi32, #tpu.memory_space<vmem>>, vector<16xi32>,
        %add3A_511 = arith.constant 3200 : i32
        %add3A_512 = arith.addi %add3A_458, %add3A_511 : i32
        %add3A_513 = vector.broadcast %add3A_512 : i32 to vector<16xi32>
        %add3A_514 = arith.addi %add3A_513, %mul3A_5 : vector<16xi32>
        %gather3A_515 = tpu.vector_load_idx %arg5[%add3A_514] : memref<25600xi32, #tpu.memory_space<vmem>>[vector<16xi32>], vector<16xi32>,
        %swap3A_516 = arith.constant 64 : index
        %swap3A_517 = tpu.vector_load %arg6[%swap3A_516] {strides = array<i32>} : memref<256xi32, #tpu.memory_space<vmem>>, vector<16xi32>,
        tpu.vector_store %arg6[%swap3A_516], %gather3A_515 {strides = array<i32>} : memref<256xi32, #tpu.memory_space<vmem>>, vector<16xi32>,
        %add3A_518 = arith.constant 1 : i32
        %add3A_519 = vector.broadcast %add3A_518 : i32 to vector<16xi32>
        %add3A_520 = arith.addi %add3A_514, %add3A_519 : vector<16xi32>
        %gather3A_521 = tpu.vector_load_idx %arg5[%add3A_520] : memref<25600xi32, #tpu.memory_space<vmem>>[vector<16xi32>], vector<16xi32>,
        %swap3A_522 = arith.constant 192 : index
        %swap3A_523 = tpu.vector_load %arg6[%swap3A_522] {strides = array<i32>} : memref<256xi32, #tpu.memory_space<vmem>>, vector<16xi32>,
        tpu.vector_store %arg6[%swap3A_522], %gather3A_521 {strides = array<i32>} : memref<256xi32, #tpu.memory_space<vmem>>, vector<16xi32>,
        %add3A_524 = arith.constant 4000 : i32
        %add3A_525 = arith.addi %add3A_458, %add3A_524 : i32
        %add3A_526 = vector.broadcast %add3A_525 : i32 to vector<16xi32>
        %add3A_527 = arith.addi %add3A_526, %mul3A_5 : vector<16xi32>
        %gather3A_528 = tpu.vector_load_idx %arg5[%add3A_527] : memref<25600xi32, #tpu.memory_space<vmem>>[vector<16xi32>], vector<16xi32>,
        %swap3A_529 = arith.constant 80 : index
        %swap3A_530 = tpu.vector_load %arg6[%swap3A_529] {strides = array<i32>} : memref<256xi32, #tpu.memory_space<vmem>>, vector<16xi32>,
        tpu.vector_store %arg6[%swap3A_529], %gather3A_528 {strides = array<i32>} : memref<256xi32, #tpu.memory_space<vmem>>, vector<16xi32>,
        %add3A_531 = arith.constant 1 : i32
        %add3A_532 = vector.broadcast %add3A_531 : i32 to vector<16xi32>
        %add3A_533 = arith.addi %add3A_527, %add3A_532 : vector<16xi32>
        %gather3A_534 = tpu.vector_load_idx %arg5[%add3A_533] : memref<25600xi32, #tpu.memory_space<vmem>>[vector<16xi32>], vector<16xi32>,
        %swap3A_535 = arith.constant 208 : index
        %swap3A_536 = tpu.vector_load %arg6[%swap3A_535] {strides = array<i32>} : memref<256xi32, #tpu.memory_space<vmem>>, vector<16xi32>,
        tpu.vector_store %arg6[%swap3A_535], %gather3A_534 {strides = array<i32>} : memref<256xi32, #tpu.memory_space<vmem>>, vector<16xi32>,
        %add3A_537 = arith.constant 4800 : i32
        %add3A_538 = arith.addi %add3A_458, %add3A_537 : i32
        %add3A_539 = vector.broadcast %add3A_538 : i32 to vector<16xi32>
        %add3A_540 = arith.addi %add3A_539, %mul3A_5 : vector<16xi32>
        %gather3A_541 = tpu.vector_load_idx %arg5[%add3A_540] : memref<25600xi32, #tpu.memory_space<vmem>>[vector<16xi32>], vector<16xi32>,
        %swap3A_542 = arith.constant 96 : index
        %swap3A_543 = tpu.vector_load %arg6[%swap3A_542] {strides = array<i32>} : memref<256xi32, #tpu.memory_space<vmem>>, vector<16xi32>,
        tpu.vector_store %arg6[%swap3A_542], %gather3A_541 {strides = array<i32>} : memref<256xi32, #tpu.memory_space<vmem>>, vector<16xi32>,
        %add3A_544 = arith.constant 1 : i32
        %add3A_545 = vector.broadcast %add3A_544 : i32 to vector<16xi32>
        %add3A_546 = arith.addi %add3A_540, %add3A_545 : vector<16xi32>
        %gather3A_547 = tpu.vector_load_idx %arg5[%add3A_546] : memref<25600xi32, #tpu.memory_space<vmem>>[vector<16xi32>], vector<16xi32>,
        %swap3A_548 = arith.constant 224 : index
        %swap3A_549 = tpu.vector_load %arg6[%swap3A_548] {strides = array<i32>} : memref<256xi32, #tpu.memory_space<vmem>>, vector<16xi32>,
        tpu.vector_store %arg6[%swap3A_548], %gather3A_547 {strides = array<i32>} : memref<256xi32, #tpu.memory_space<vmem>>, vector<16xi32>,
        %add3A_550 = arith.constant 5600 : i32
        %add3A_551 = arith.addi %add3A_458, %add3A_550 : i32
        %add3A_552 = vector.broadcast %add3A_551 : i32 to vector<16xi32>
        %add3A_553 = arith.addi %add3A_552, %mul3A_5 : vector<16xi32>
        %gather3A_554 = tpu.vector_load_idx %arg5[%add3A_553] : memref<25600xi32, #tpu.memory_space<vmem>>[vector<16xi32>], vector<16xi32>,
        %swap3A_555 = arith.constant 112 : index
        %swap3A_556 = tpu.vector_load %arg6[%swap3A_555] {strides = array<i32>} : memref<256xi32, #tpu.memory_space<vmem>>, vector<16xi32>,
        tpu.vector_store %arg6[%swap3A_555], %gather3A_554 {strides = array<i32>} : memref<256xi32, #tpu.memory_space<vmem>>, vector<16xi32>,
        %add3A_557 = arith.constant 1 : i32
        %add3A_558 = vector.broadcast %add3A_557 : i32 to vector<16xi32>
        %add3A_559 = arith.addi %add3A_553, %add3A_558 : vector<16xi32>
        %gather3A_560 = tpu.vector_load_idx %arg5[%add3A_559] : memref<25600xi32, #tpu.memory_space<vmem>>[vector<16xi32>], vector<16xi32>,
        %swap3A_561 = arith.constant 240 : index
        %swap3A_562 = tpu.vector_load %arg6[%swap3A_561] {strides = array<i32>} : memref<256xi32, #tpu.memory_space<vmem>>, vector<16xi32>,
        tpu.vector_store %arg6[%swap3A_561], %gather3A_560 {strides = array<i32>} : memref<256xi32, #tpu.memory_space<vmem>>, vector<16xi32>,
        %dma_start3A_563 = arith.constant 0 : i32
        %dma_start3A_564 = arith.constant 0 : i32
        %dma_start3A_565 = tpu.memref_slice %arg8[%dma_start3A_563, %dma_start3A_564] : memref<256x64xf32, #tpu.memory_space<vmem>> -> memref<128x64xf32, #tpu.memory_space<vmem>>
        %dma_start3A_566 = arith.constant 0 : i32
        %dma_start3A_567 = tpu.memref_slice %arg6[%dma_start3A_566] : memref<256xi32, #tpu.memory_space<vmem>> -> memref<128xi32, #tpu.memory_space<vmem>>
        %dma_start3A_568 = arith.constant 0 : i32
        %dma_start3A_569 = arith.constant 0 : i32
        %dma_start3A_570 = tpu.memref_slice %arg2[%dma_start3A_568, %dma_start3A_569] : memref<1000000x64xf32, #tpu.memory_space<hbm>> -> memref<1000000x64xf32, #tpu.memory_space<hbm>>
        tpu.enqueue_indirect_dma source(%dma_start3A_570 : memref<1000000x64xf32, #tpu.memory_space<hbm>>) target(%dma_start3A_565 : memref<128x64xf32, #tpu.memory_space<vmem>>) offsets(%dma_start3A_567 : memref<128xi32, #tpu.memory_space<vmem>>) semaphore(%arg11 : memref<!tpu.dma_semaphore, #tpu.memory_space<semaphore_mem>>)
        %dma_start3A_571 = arith.constant 128 : i32
        %dma_start3A_572 = arith.constant 0 : i32
        %dma_start3A_573 = tpu.memref_slice %arg8[%dma_start3A_571, %dma_start3A_572] : memref<256x64xf32, #tpu.memory_space<vmem>> -> memref<128x64xf32, #tpu.memory_space<vmem>>
        %dma_start3A_574 = arith.constant 128 : i32
        %dma_start3A_575 = tpu.memref_slice %arg6[%dma_start3A_574] : memref<256xi32, #tpu.memory_space<vmem>> -> memref<128xi32, #tpu.memory_space<vmem>>
        %dma_start3A_576 = arith.constant 0 : i32
        %dma_start3A_577 = arith.constant 0 : i32
        %dma_start3A_578 = tpu.memref_slice %arg2[%dma_start3A_576, %dma_start3A_577] : memref<1000000x64xf32, #tpu.memory_space<hbm>> -> memref<1000000x64xf32, #tpu.memory_space<hbm>>
        tpu.enqueue_indirect_dma source(%dma_start3A_578 : memref<1000000x64xf32, #tpu.memory_space<hbm>>) target(%dma_start3A_573 : memref<128x64xf32, #tpu.memory_space<vmem>>) offsets(%dma_start3A_575 : memref<128xi32, #tpu.memory_space<vmem>>) semaphore(%arg11 : memref<!tpu.dma_semaphore, #tpu.memory_space<semaphore_mem>>)
      } else {
      }
      %dma_wait3A_363 = arith.constant 0 : i32
      %dma_wait3A_364 = arith.constant 0 : i32
      %dma_wait3A_365 = tpu.memref_slice %arg2[%dma_wait3A_363, %dma_wait3A_364] : memref<1000000x64xf32, #tpu.memory_space<hbm>> -> memref<256x64xf32, #tpu.memory_space<hbm>>
      %dma_wait3A_366 = arith.constant 0 : i32
      %dma_wait3A_367 = arith.constant 0 : i32
      %dma_wait3A_368 = tpu.memref_slice %arg2[%dma_wait3A_366, %dma_wait3A_367] : memref<1000000x64xf32, #tpu.memory_space<hbm>> -> memref<256x64xf32, #tpu.memory_space<hbm>>
      tpu.wait_dma2 semaphore(%arg12 : memref<!tpu.dma_semaphore, #tpu.memory_space<semaphore_mem>>) src(%dma_wait3A_368 : memref<256x64xf32, #tpu.memory_space<hbm>>) dst(%arg9 : memref<256x64xf32, #tpu.memory_space<vmem>>)
      %add3A_369 = arith.constant 1 : i32
      %add3A_370 = arith.addi %mul3A_153, %add3A_369 : i32
      %jit3A_371 = arith.constant 25 : i32
      %div3A_372 = arith.divsi %add3A_370, %jit3A_371 : i32
      %sign3A_373 = arith.constant 0 : i32
      %sign3A_374 = arith.cmpi sgt, %add3A_370, %sign3A_373 : i32
      %sign3A_375 = arith.extui %sign3A_374 : i1 to i32
      %sign3A_376 = arith.constant 0 : i32
      %sign3A_377 = arith.cmpi slt, %add3A_370, %sign3A_376 : i32
      %sign3A_378 = arith.extui %sign3A_377 : i1 to i32
      %sign3A_379 = arith.subi %sign3A_375, %sign3A_378 : i32
      %sign3A_380 = arith.constant 0 : i32
      %sign3A_381 = arith.cmpi sgt, %jit3A_371, %sign3A_380 : i32
      %sign3A_382 = arith.extui %sign3A_381 : i1 to i32
      %sign3A_383 = arith.constant 0 : i32
      %sign3A_384 = arith.cmpi slt, %jit3A_371, %sign3A_383 : i32
      %sign3A_385 = arith.extui %sign3A_384 : i1 to i32
      %sign3A_386 = arith.subi %sign3A_382, %sign3A_385 : i32
      %ne3A_387 = arith.cmpi ne, %sign3A_379, %sign3A_386 : i32
      %rem3A_388 = arith.remsi %add3A_370, %jit3A_371 : i32
      %ne3A_389 = arith.constant 0 : i32
      %ne3A_390 = arith.cmpi ne, %rem3A_388, %ne3A_389 : i32
      %and3A_391 = arith.andi %ne3A_387, %ne3A_390 : i1
      %sub3A_392 = arith.constant 1 : i32
      %sub3A_393 = arith.subi %div3A_372, %sub3A_392 : i32
      %select_n3A_394 = arith.select %and3A_391, %sub3A_393, %div3A_372 : i32
      %mul3A_395 = arith.constant 25 : i32
      %mul3A_396 = arith.muli %select_n3A_394, %mul3A_395 : i32
      %sub3A_397 = arith.subi %add3A_370, %mul3A_396 : i32
      %add3A_398 = arith.constant 0 : i32
      %add3A_399 = vector.broadcast %add3A_398 : i32 to vector<16xi32>
      %add3A_400 = arith.addi %mul3A_33, %add3A_399 : vector<16xi32>
      %scan3A_401 = arith.constant 0 : i32
      %scan3A_402 = arith.constant 32 : i32
      %scan3A_403 = arith.addi %scan3A_401, %scan3A_402 : i32
      %scan3A_404 = arith.constant 1 : i32
      scf.for %scan3A_425 = %scan3A_401 to %scan3A_403 step %scan3A_404  : i32 {
        %mul3A_426 = arith.constant 1 : i32
        %mul3A_427 = arith.muli %scan3A_425, %mul3A_426 : i32
        %add3A_428 = arith.constant 0 : i32
        %add3A_429 = arith.addi %add3A_428, %mul3A_427 : i32
        %mul3A_430 = arith.constant 4 : i32
        %mul3A_431 = arith.muli %add3A_429, %mul3A_430 : i32
        %add3A_432 = arith.constant 0 : i32
        %add3A_433 = arith.addi %mul3A_431, %add3A_432 : i32
        %add3A_434 = vector.broadcast %add3A_433 : i32 to vector<16xi32>
        %add3A_435 = arith.addi %mul3A_33, %add3A_434 : vector<16xi32>
        %add3A_436 = arith.constant 0 : i32
        %add3A_437 = arith.addi %add3A_436, %add3A_433 : i32
        %get3A = arith.index_cast %add3A_437 : i32 to index
        %get3A_438 = arith.constant 0 : index
        %get3A_439 = tpu.vector_load %arg9[%get3A, %get3A_438] {strides = array<i32>} : memref<256x64xf32, #tpu.memory_space<vmem>>, vector<16xf32>,
        tpu.vector_store_idx %arg10[%add3A_400, %add3A_12, %and3A_7, %add3A_435], %get3A_439 : memref<2x8x8x129xf32, #tpu.memory_space<vmem>>[vector<16xi32>, vector<16xi32>, vector<16xi32>, vector<16xi32>], vector<16xf32>,
        %add3A_440 = arith.constant 0 : i32
        %add3A_441 = arith.addi %add3A_440, %add3A_433 : i32
        %get3A_442 = arith.index_cast %add3A_441 : i32 to index
        %get3A_443 = arith.constant 16 : index
        %get3A_444 = tpu.vector_load %arg9[%get3A_442, %get3A_443] {strides = array<i32>} : memref<256x64xf32, #tpu.memory_space<vmem>>, vector<16xf32>,
        tpu.vector_store_idx %arg10[%add3A_400, %add3A_18, %and3A_7, %add3A_435], %get3A_444 : memref<2x8x8x129xf32, #tpu.memory_space<vmem>>[vector<16xi32>, vector<16xi32>, vector<16xi32>, vector<16xi32>], vector<16xf32>,
        %add3A_445 = arith.constant 0 : i32
        %add3A_446 = arith.addi %add3A_445, %add3A_433 : i32
        %get3A_447 = arith.index_cast %add3A_446 : i32 to index
        %get3A_448 = arith.constant 32 : index
        %get3A_449 = tpu.vector_load %arg9[%get3A_447, %get3A_448] {strides = array<i32>} : memref<256x64xf32, #tpu.memory_space<vmem>>, vector<16xf32>,
        tpu.vector_store_idx %arg10[%add3A_400, %add3A_24, %and3A_7, %add3A_435], %get3A_449 : memref<2x8x8x129xf32, #tpu.memory_space<vmem>>[vector<16xi32>, vector<16xi32>, vector<16xi32>, vector<16xi32>], vector<16xf32>,
        %add3A_450 = arith.constant 0 : i32
        %add3A_451 = arith.addi %add3A_450, %add3A_433 : i32
        %get3A_452 = arith.index_cast %add3A_451 : i32 to index
        %get3A_453 = arith.constant 48 : index
        %get3A_454 = tpu.vector_load %arg9[%get3A_452, %get3A_453] {strides = array<i32>} : memref<256x64xf32, #tpu.memory_space<vmem>>, vector<16xf32>,
        tpu.vector_store_idx %arg10[%add3A_400, %add3A_30, %and3A_7, %add3A_435], %get3A_454 : memref<2x8x8x129xf32, #tpu.memory_space<vmem>>[vector<16xi32>, vector<16xi32>, vector<16xi32>, vector<16xi32>], vector<16xf32>,
        %mul3A_455 = arith.constant 4 : i32
        %mul3A_456 = arith.muli %add3A_429, %mul3A_455 : i32
        %add3A_457 = arith.constant 1 : i32
        %add3A_458 = arith.addi %mul3A_456, %add3A_457 : i32
        %add3A_459 = vector.broadcast %add3A_458 : i32 to vector<16xi32>
        %add3A_460 = arith.addi %mul3A_33, %add3A_459 : vector<16xi32>
        %add3A_461 = arith.constant 0 : i32
        %add3A_462 = arith.addi %add3A_461, %add3A_458 : i32
        %get3A_463 = arith.index_cast %add3A_462 : i32 to index
        %get3A_464 = arith.constant 0 : index
        %get3A_465 = tpu.vector_load %arg9[%get3A_463, %get3A_464] {strides = array<i32>} : memref<256x64xf32, #tpu.memory_space<vmem>>, vector<16xf32>,
        tpu.vector_store_idx %arg10[%add3A_400, %add3A_12, %and3A_7, %add3A_460], %get3A_465 : memref<2x8x8x129xf32, #tpu.memory_space<vmem>>[vector<16xi32>, vector<16xi32>, vector<16xi32>, vector<16xi32>], vector<16xf32>,
        %add3A_466 = arith.constant 0 : i32
        %add3A_467 = arith.addi %add3A_466, %add3A_458 : i32
        %get3A_468 = arith.index_cast %add3A_467 : i32 to index
        %get3A_469 = arith.constant 16 : index
        %get3A_470 = tpu.vector_load %arg9[%get3A_468, %get3A_469] {strides = array<i32>} : memref<256x64xf32, #tpu.memory_space<vmem>>, vector<16xf32>,
        tpu.vector_store_idx %arg10[%add3A_400, %add3A_18, %and3A_7, %add3A_460], %get3A_470 : memref<2x8x8x129xf32, #tpu.memory_space<vmem>>[vector<16xi32>, vector<16xi32>, vector<16xi32>, vector<16xi32>], vector<16xf32>,
        %add3A_471 = arith.constant 0 : i32
        %add3A_472 = arith.addi %add3A_471, %add3A_458 : i32
        %get3A_473 = arith.index_cast %add3A_472 : i32 to index
        %get3A_474 = arith.constant 32 : index
        %get3A_475 = tpu.vector_load %arg9[%get3A_473, %get3A_474] {strides = array<i32>} : memref<256x64xf32, #tpu.memory_space<vmem>>, vector<16xf32>,
        tpu.vector_store_idx %arg10[%add3A_400, %add3A_24, %and3A_7, %add3A_460], %get3A_475 : memref<2x8x8x129xf32, #tpu.memory_space<vmem>>[vector<16xi32>, vector<16xi32>, vector<16xi32>, vector<16xi32>], vector<16xf32>,
        %add3A_476 = arith.constant 0 : i32
        %add3A_477 = arith.addi %add3A_476, %add3A_458 : i32
        %get3A_478 = arith.index_cast %add3A_477 : i32 to index
        %get3A_479 = arith.constant 48 : index
        %get3A_480 = tpu.vector_load %arg9[%get3A_478, %get3A_479] {strides = array<i32>} : memref<256x64xf32, #tpu.memory_space<vmem>>, vector<16xf32>,
        tpu.vector_store_idx %arg10[%add3A_400, %add3A_30, %and3A_7, %add3A_460], %get3A_480 : memref<2x8x8x129xf32, #tpu.memory_space<vmem>>[vector<16xi32>, vector<16xi32>, vector<16xi32>, vector<16xi32>], vector<16xf32>,
        %mul3A_481 = arith.constant 4 : i32
        %mul3A_482 = arith.muli %add3A_429, %mul3A_481 : i32
        %add3A_483 = arith.constant 2 : i32
        %add3A_484 = arith.addi %mul3A_482, %add3A_483 : i32
        %add3A_485 = vector.broadcast %add3A_484 : i32 to vector<16xi32>
        %add3A_486 = arith.addi %mul3A_33, %add3A_485 : vector<16xi32>
        %add3A_487 = arith.constant 0 : i32
        %add3A_488 = arith.addi %add3A_487, %add3A_484 : i32
        %get3A_489 = arith.index_cast %add3A_488 : i32 to index
        %get3A_490 = arith.constant 0 : index
        %get3A_491 = tpu.vector_load %arg9[%get3A_489, %get3A_490] {strides = array<i32>} : memref<256x64xf32, #tpu.memory_space<vmem>>, vector<16xf32>,
        tpu.vector_store_idx %arg10[%add3A_400, %add3A_12, %and3A_7, %add3A_486], %get3A_491 : memref<2x8x8x129xf32, #tpu.memory_space<vmem>>[vector<16xi32>, vector<16xi32>, vector<16xi32>, vector<16xi32>], vector<16xf32>,
        %add3A_492 = arith.constant 0 : i32
        %add3A_493 = arith.addi %add3A_492, %add3A_484 : i32
        %get3A_494 = arith.index_cast %add3A_493 : i32 to index
        %get3A_495 = arith.constant 16 : index
        %get3A_496 = tpu.vector_load %arg9[%get3A_494, %get3A_495] {strides = array<i32>} : memref<256x64xf32, #tpu.memory_space<vmem>>, vector<16xf32>,
        tpu.vector_store_idx %arg10[%add3A_400, %add3A_18, %and3A_7, %add3A_486], %get3A_496 : memref<2x8x8x129xf32, #tpu.memory_space<vmem>>[vector<16xi32>, vector<16xi32>, vector<16xi32>, vector<16xi32>], vector<16xf32>,
        %add3A_497 = arith.constant 0 : i32
        %add3A_498 = arith.addi %add3A_497, %add3A_484 : i32
        %get3A_499 = arith.index_cast %add3A_498 : i32 to index
        %get3A_500 = arith.constant 32 : index
        %get3A_501 = tpu.vector_load %arg9[%get3A_499, %get3A_500] {strides = array<i32>} : memref<256x64xf32, #tpu.memory_space<vmem>>, vector<16xf32>,
        tpu.vector_store_idx %arg10[%add3A_400, %add3A_24, %and3A_7, %add3A_486], %get3A_501 : memref<2x8x8x129xf32, #tpu.memory_space<vmem>>[vector<16xi32>, vector<16xi32>, vector<16xi32>, vector<16xi32>], vector<16xf32>,
        %add3A_502 = arith.constant 0 : i32
        %add3A_503 = arith.addi %add3A_502, %add3A_484 : i32
        %get3A_504 = arith.index_cast %add3A_503 : i32 to index
        %get3A_505 = arith.constant 48 : index
        %get3A_506 = tpu.vector_load %arg9[%get3A_504, %get3A_505] {strides = array<i32>} : memref<256x64xf32, #tpu.memory_space<vmem>>, vector<16xf32>,
        tpu.vector_store_idx %arg10[%add3A_400, %add3A_30, %and3A_7, %add3A_486], %get3A_506 : memref<2x8x8x129xf32, #tpu.memory_space<vmem>>[vector<16xi32>, vector<16xi32>, vector<16xi32>, vector<16xi32>], vector<16xf32>,
        %mul3A_507 = arith.constant 4 : i32
        %mul3A_508 = arith.muli %add3A_429, %mul3A_507 : i32
        %add3A_509 = arith.constant 3 : i32
        %add3A_510 = arith.addi %mul3A_508, %add3A_509 : i32
        %add3A_511 = vector.broadcast %add3A_510 : i32 to vector<16xi32>
        %add3A_512 = arith.addi %mul3A_33, %add3A_511 : vector<16xi32>
        %add3A_513 = arith.constant 0 : i32
        %add3A_514 = arith.addi %add3A_513, %add3A_510 : i32
        %get3A_515 = arith.index_cast %add3A_514 : i32 to index
        %get3A_516 = arith.constant 0 : index
        %get3A_517 = tpu.vector_load %arg9[%get3A_515, %get3A_516] {strides = array<i32>} : memref<256x64xf32, #tpu.memory_space<vmem>>, vector<16xf32>,
        tpu.vector_store_idx %arg10[%add3A_400, %add3A_12, %and3A_7, %add3A_512], %get3A_517 : memref<2x8x8x129xf32, #tpu.memory_space<vmem>>[vector<16xi32>, vector<16xi32>, vector<16xi32>, vector<16xi32>], vector<16xf32>,
        %add3A_518 = arith.constant 0 : i32
        %add3A_519 = arith.addi %add3A_518, %add3A_510 : i32
        %get3A_520 = arith.index_cast %add3A_519 : i32 to index
        %get3A_521 = arith.constant 16 : index
        %get3A_522 = tpu.vector_load %arg9[%get3A_520, %get3A_521] {strides = array<i32>} : memref<256x64xf32, #tpu.memory_space<vmem>>, vector<16xf32>,
        tpu.vector_store_idx %arg10[%add3A_400, %add3A_18, %and3A_7, %add3A_512], %get3A_522 : memref<2x8x8x129xf32, #tpu.memory_space<vmem>>[vector<16xi32>, vector<16xi32>, vector<16xi32>, vector<16xi32>], vector<16xf32>,
        %add3A_523 = arith.constant 0 : i32
        %add3A_524 = arith.addi %add3A_523, %add3A_510 : i32
        %get3A_525 = arith.index_cast %add3A_524 : i32 to index
        %get3A_526 = arith.constant 32 : index
        %get3A_527 = tpu.vector_load %arg9[%get3A_525, %get3A_526] {strides = array<i32>} : memref<256x64xf32, #tpu.memory_space<vmem>>, vector<16xf32>,
        tpu.vector_store_idx %arg10[%add3A_400, %add3A_24, %and3A_7, %add3A_512], %get3A_527 : memref<2x8x8x129xf32, #tpu.memory_space<vmem>>[vector<16xi32>, vector<16xi32>, vector<16xi32>, vector<16xi32>], vector<16xf32>,
        %add3A_528 = arith.constant 0 : i32
        %add3A_529 = arith.addi %add3A_528, %add3A_510 : i32
        %get3A_530 = arith.index_cast %add3A_529 : i32 to index
        %get3A_531 = arith.constant 48 : index
        %get3A_532 = tpu.vector_load %arg9[%get3A_530, %get3A_531] {strides = array<i32>} : memref<256x64xf32, #tpu.memory_space<vmem>>, vector<16xf32>,
        tpu.vector_store_idx %arg10[%add3A_400, %add3A_30, %and3A_7, %add3A_512], %get3A_532 : memref<2x8x8x129xf32, #tpu.memory_space<vmem>>[vector<16xi32>, vector<16xi32>, vector<16xi32>, vector<16xi32>], vector<16xf32>,
      }
      %scan3A_405 = arith.constant 32 : i32
      %add3A_406 = arith.constant 1 : i32
      %add3A_407 = vector.broadcast %add3A_406 : i32 to vector<16xi32>
      %add3A_408 = arith.addi %mul3A_33, %add3A_407 : vector<16xi32>
      %scan3A_409 = arith.constant 0 : i32
      %scan3A_410 = arith.constant 32 : i32
      %scan3A_411 = arith.addi %scan3A_409, %scan3A_410 : i32
      %scan3A_412 = arith.constant 1 : i32
      scf.for %scan3A_425 = %scan3A_409 to %scan3A_411 step %scan3A_412  : i32 {
        %mul3A_426 = arith.constant 1 : i32
        %mul3A_427 = arith.muli %scan3A_425, %mul3A_426 : i32
        %add3A_428 = arith.constant 0 : i32
        %add3A_429 = arith.addi %add3A_428, %mul3A_427 : i32
        %mul3A_430 = arith.constant 4 : i32
        %mul3A_431 = arith.muli %add3A_429, %mul3A_430 : i32
        %add3A_432 = arith.constant 0 : i32
        %add3A_433 = arith.addi %mul3A_431, %add3A_432 : i32
        %add3A_434 = vector.broadcast %add3A_433 : i32 to vector<16xi32>
        %add3A_435 = arith.addi %mul3A_33, %add3A_434 : vector<16xi32>
        %add3A_436 = arith.constant 128 : i32
        %add3A_437 = arith.addi %add3A_436, %add3A_433 : i32
        %get3A = arith.index_cast %add3A_437 : i32 to index
        %get3A_438 = arith.constant 0 : index
        %get3A_439 = tpu.vector_load %arg9[%get3A, %get3A_438] {strides = array<i32>} : memref<256x64xf32, #tpu.memory_space<vmem>>, vector<16xf32>,
        tpu.vector_store_idx %arg10[%add3A_408, %add3A_12, %and3A_7, %add3A_435], %get3A_439 : memref<2x8x8x129xf32, #tpu.memory_space<vmem>>[vector<16xi32>, vector<16xi32>, vector<16xi32>, vector<16xi32>], vector<16xf32>,
        %add3A_440 = arith.constant 128 : i32
        %add3A_441 = arith.addi %add3A_440, %add3A_433 : i32
        %get3A_442 = arith.index_cast %add3A_441 : i32 to index
        %get3A_443 = arith.constant 16 : index
        %get3A_444 = tpu.vector_load %arg9[%get3A_442, %get3A_443] {strides = array<i32>} : memref<256x64xf32, #tpu.memory_space<vmem>>, vector<16xf32>,
        tpu.vector_store_idx %arg10[%add3A_408, %add3A_18, %and3A_7, %add3A_435], %get3A_444 : memref<2x8x8x129xf32, #tpu.memory_space<vmem>>[vector<16xi32>, vector<16xi32>, vector<16xi32>, vector<16xi32>], vector<16xf32>,
        %add3A_445 = arith.constant 128 : i32
        %add3A_446 = arith.addi %add3A_445, %add3A_433 : i32
        %get3A_447 = arith.index_cast %add3A_446 : i32 to index
        %get3A_448 = arith.constant 32 : index
        %get3A_449 = tpu.vector_load %arg9[%get3A_447, %get3A_448] {strides = array<i32>} : memref<256x64xf32, #tpu.memory_space<vmem>>, vector<16xf32>,
        tpu.vector_store_idx %arg10[%add3A_408, %add3A_24, %and3A_7, %add3A_435], %get3A_449 : memref<2x8x8x129xf32, #tpu.memory_space<vmem>>[vector<16xi32>, vector<16xi32>, vector<16xi32>, vector<16xi32>], vector<16xf32>,
        %add3A_450 = arith.constant 128 : i32
        %add3A_451 = arith.addi %add3A_450, %add3A_433 : i32
        %get3A_452 = arith.index_cast %add3A_451 : i32 to index
        %get3A_453 = arith.constant 48 : index
        %get3A_454 = tpu.vector_load %arg9[%get3A_452, %get3A_453] {strides = array<i32>} : memref<256x64xf32, #tpu.memory_space<vmem>>, vector<16xf32>,
        tpu.vector_store_idx %arg10[%add3A_408, %add3A_30, %and3A_7, %add3A_435], %get3A_454 : memref<2x8x8x129xf32, #tpu.memory_space<vmem>>[vector<16xi32>, vector<16xi32>, vector<16xi32>, vector<16xi32>], vector<16xf32>,
        %mul3A_455 = arith.constant 4 : i32
        %mul3A_456 = arith.muli %add3A_429, %mul3A_455 : i32
        %add3A_457 = arith.constant 1 : i32
        %add3A_458 = arith.addi %mul3A_456, %add3A_457 : i32
        %add3A_459 = vector.broadcast %add3A_458 : i32 to vector<16xi32>
        %add3A_460 = arith.addi %mul3A_33, %add3A_459 : vector<16xi32>
        %add3A_461 = arith.constant 128 : i32
        %add3A_462 = arith.addi %add3A_461, %add3A_458 : i32
        %get3A_463 = arith.index_cast %add3A_462 : i32 to index
        %get3A_464 = arith.constant 0 : index
        %get3A_465 = tpu.vector_load %arg9[%get3A_463, %get3A_464] {strides = array<i32>} : memref<256x64xf32, #tpu.memory_space<vmem>>, vector<16xf32>,
        tpu.vector_store_idx %arg10[%add3A_408, %add3A_12, %and3A_7, %add3A_460], %get3A_465 : memref<2x8x8x129xf32, #tpu.memory_space<vmem>>[vector<16xi32>, vector<16xi32>, vector<16xi32>, vector<16xi32>], vector<16xf32>,
        %add3A_466 = arith.constant 128 : i32
        %add3A_467 = arith.addi %add3A_466, %add3A_458 : i32
        %get3A_468 = arith.index_cast %add3A_467 : i32 to index
        %get3A_469 = arith.constant 16 : index
        %get3A_470 = tpu.vector_load %arg9[%get3A_468, %get3A_469] {strides = array<i32>} : memref<256x64xf32, #tpu.memory_space<vmem>>, vector<16xf32>,
        tpu.vector_store_idx %arg10[%add3A_408, %add3A_18, %and3A_7, %add3A_460], %get3A_470 : memref<2x8x8x129xf32, #tpu.memory_space<vmem>>[vector<16xi32>, vector<16xi32>, vector<16xi32>, vector<16xi32>], vector<16xf32>,
        %add3A_471 = arith.constant 128 : i32
        %add3A_472 = arith.addi %add3A_471, %add3A_458 : i32
        %get3A_473 = arith.index_cast %add3A_472 : i32 to index
        %get3A_474 = arith.constant 32 : index
        %get3A_475 = tpu.vector_load %arg9[%get3A_473, %get3A_474] {strides = array<i32>} : memref<256x64xf32, #tpu.memory_space<vmem>>, vector<16xf32>,
        tpu.vector_store_idx %arg10[%add3A_408, %add3A_24, %and3A_7, %add3A_460], %get3A_475 : memref<2x8x8x129xf32, #tpu.memory_space<vmem>>[vector<16xi32>, vector<16xi32>, vector<16xi32>, vector<16xi32>], vector<16xf32>,
        %add3A_476 = arith.constant 128 : i32
        %add3A_477 = arith.addi %add3A_476, %add3A_458 : i32
        %get3A_478 = arith.index_cast %add3A_477 : i32 to index
        %get3A_479 = arith.constant 48 : index
        %get3A_480 = tpu.vector_load %arg9[%get3A_478, %get3A_479] {strides = array<i32>} : memref<256x64xf32, #tpu.memory_space<vmem>>, vector<16xf32>,
        tpu.vector_store_idx %arg10[%add3A_408, %add3A_30, %and3A_7, %add3A_460], %get3A_480 : memref<2x8x8x129xf32, #tpu.memory_space<vmem>>[vector<16xi32>, vector<16xi32>, vector<16xi32>, vector<16xi32>], vector<16xf32>,
        %mul3A_481 = arith.constant 4 : i32
        %mul3A_482 = arith.muli %add3A_429, %mul3A_481 : i32
        %add3A_483 = arith.constant 2 : i32
        %add3A_484 = arith.addi %mul3A_482, %add3A_483 : i32
        %add3A_485 = vector.broadcast %add3A_484 : i32 to vector<16xi32>
        %add3A_486 = arith.addi %mul3A_33, %add3A_485 : vector<16xi32>
        %add3A_487 = arith.constant 128 : i32
        %add3A_488 = arith.addi %add3A_487, %add3A_484 : i32
        %get3A_489 = arith.index_cast %add3A_488 : i32 to index
        %get3A_490 = arith.constant 0 : index
        %get3A_491 = tpu.vector_load %arg9[%get3A_489, %get3A_490] {strides = array<i32>} : memref<256x64xf32, #tpu.memory_space<vmem>>, vector<16xf32>,
        tpu.vector_store_idx %arg10[%add3A_408, %add3A_12, %and3A_7, %add3A_486], %get3A_491 : memref<2x8x8x129xf32, #tpu.memory_space<vmem>>[vector<16xi32>, vector<16xi32>, vector<16xi32>, vector<16xi32>], vector<16xf32>,
        %add3A_492 = arith.constant 128 : i32
        %add3A_493 = arith.addi %add3A_492, %add3A_484 : i32
        %get3A_494 = arith.index_cast %add3A_493 : i32 to index
        %get3A_495 = arith.constant 16 : index
        %get3A_496 = tpu.vector_load %arg9[%get3A_494, %get3A_495] {strides = array<i32>} : memref<256x64xf32, #tpu.memory_space<vmem>>, vector<16xf32>,
        tpu.vector_store_idx %arg10[%add3A_408, %add3A_18, %and3A_7, %add3A_486], %get3A_496 : memref<2x8x8x129xf32, #tpu.memory_space<vmem>>[vector<16xi32>, vector<16xi32>, vector<16xi32>, vector<16xi32>], vector<16xf32>,
        %add3A_497 = arith.constant 128 : i32
        %add3A_498 = arith.addi %add3A_497, %add3A_484 : i32
        %get3A_499 = arith.index_cast %add3A_498 : i32 to index
        %get3A_500 = arith.constant 32 : index
        %get3A_501 = tpu.vector_load %arg9[%get3A_499, %get3A_500] {strides = array<i32>} : memref<256x64xf32, #tpu.memory_space<vmem>>, vector<16xf32>,
        tpu.vector_store_idx %arg10[%add3A_408, %add3A_24, %and3A_7, %add3A_486], %get3A_501 : memref<2x8x8x129xf32, #tpu.memory_space<vmem>>[vector<16xi32>, vector<16xi32>, vector<16xi32>, vector<16xi32>], vector<16xf32>,
        %add3A_502 = arith.constant 128 : i32
        %add3A_503 = arith.addi %add3A_502, %add3A_484 : i32
        %get3A_504 = arith.index_cast %add3A_503 : i32 to index
        %get3A_505 = arith.constant 48 : index
        %get3A_506 = tpu.vector_load %arg9[%get3A_504, %get3A_505] {strides = array<i32>} : memref<256x64xf32, #tpu.memory_space<vmem>>, vector<16xf32>,
        tpu.vector_store_idx %arg10[%add3A_408, %add3A_30, %and3A_7, %add3A_486], %get3A_506 : memref<2x8x8x129xf32, #tpu.memory_space<vmem>>[vector<16xi32>, vector<16xi32>, vector<16xi32>, vector<16xi32>], vector<16xf32>,
        %mul3A_507 = arith.constant 4 : i32
        %mul3A_508 = arith.muli %add3A_429, %mul3A_507 : i32
        %add3A_509 = arith.constant 3 : i32
        %add3A_510 = arith.addi %mul3A_508, %add3A_509 : i32
        %add3A_511 = vector.broadcast %add3A_510 : i32 to vector<16xi32>
        %add3A_512 = arith.addi %mul3A_33, %add3A_511 : vector<16xi32>
        %add3A_513 = arith.constant 128 : i32
        %add3A_514 = arith.addi %add3A_513, %add3A_510 : i32
        %get3A_515 = arith.index_cast %add3A_514 : i32 to index
        %get3A_516 = arith.constant 0 : index
        %get3A_517 = tpu.vector_load %arg9[%get3A_515, %get3A_516] {strides = array<i32>} : memref<256x64xf32, #tpu.memory_space<vmem>>, vector<16xf32>,
        tpu.vector_store_idx %arg10[%add3A_408, %add3A_12, %and3A_7, %add3A_512], %get3A_517 : memref<2x8x8x129xf32, #tpu.memory_space<vmem>>[vector<16xi32>, vector<16xi32>, vector<16xi32>, vector<16xi32>], vector<16xf32>,
        %add3A_518 = arith.constant 128 : i32
        %add3A_519 = arith.addi %add3A_518, %add3A_510 : i32
        %get3A_520 = arith.index_cast %add3A_519 : i32 to index
        %get3A_521 = arith.constant 16 : index
        %get3A_522 = tpu.vector_load %arg9[%get3A_520, %get3A_521] {strides = array<i32>} : memref<256x64xf32, #tpu.memory_space<vmem>>, vector<16xf32>,
        tpu.vector_store_idx %arg10[%add3A_408, %add3A_18, %and3A_7, %add3A_512], %get3A_522 : memref<2x8x8x129xf32, #tpu.memory_space<vmem>>[vector<16xi32>, vector<16xi32>, vector<16xi32>, vector<16xi32>], vector<16xf32>,
        %add3A_523 = arith.constant 128 : i32
        %add3A_524 = arith.addi %add3A_523, %add3A_510 : i32
        %get3A_525 = arith.index_cast %add3A_524 : i32 to index
        %get3A_526 = arith.constant 32 : index
        %get3A_527 = tpu.vector_load %arg9[%get3A_525, %get3A_526] {strides = array<i32>} : memref<256x64xf32, #tpu.memory_space<vmem>>, vector<16xf32>,
        tpu.vector_store_idx %arg10[%add3A_408, %add3A_24, %and3A_7, %add3A_512], %get3A_527 : memref<2x8x8x129xf32, #tpu.memory_space<vmem>>[vector<16xi32>, vector<16xi32>, vector<16xi32>, vector<16xi32>], vector<16xf32>,
        %add3A_528 = arith.constant 128 : i32
        %add3A_529 = arith.addi %add3A_528, %add3A_510 : i32
        %get3A_530 = arith.index_cast %add3A_529 : i32 to index
        %get3A_531 = arith.constant 48 : index
        %get3A_532 = tpu.vector_load %arg9[%get3A_530, %get3A_531] {strides = array<i32>} : memref<256x64xf32, #tpu.memory_space<vmem>>, vector<16xf32>,
        tpu.vector_store_idx %arg10[%add3A_408, %add3A_30, %and3A_7, %add3A_512], %get3A_532 : memref<2x8x8x129xf32, #tpu.memory_space<vmem>>[vector<16xi32>, vector<16xi32>, vector<16xi32>, vector<16xi32>], vector<16xf32>,
      }
      %scan3A_413 = arith.constant 32 : i32
      %mul3A_414 = arith.constant 4 : i32
      %mul3A_415 = arith.muli %add3A, %mul3A_414 : i32
      %add3A_416 = arith.addi %mul3A_415, %select_n3A_394 : i32
      %mul3A_417 = arith.constant 2 : i32
      %mul3A_418 = arith.muli %mul3A_417, %sub3A_397 : i32
      %run_scoped3A_419 = arith.constant 0 : i32
      "tpu.region"() ({
        %run_scoped3A_425 = tpu.sem_alloc : memref<!tpu.dma_semaphore, #tpu.memory_space<semaphore_mem>>
        %dma_start3A_426 = arith.constant 0 : i32
        %dma_start3A_427 = arith.constant 0 : i32
        %dma_start3A_428 = arith.constant 0 : i32
        %dma_start3A_429 = tpu.memref_slice %arg10[%run_scoped3A_419, %dma_start3A_426, %dma_start3A_427, %dma_start3A_428] : memref<2x8x8x129xf32, #tpu.memory_space<vmem>> -> memref<1x8x8x128xf32, #tpu.memory_space<vmem>>
        %dma_start3A_430 = tpu.memref_squeeze %dma_start3A_429 : memref<1x8x8x128xf32, #tpu.memory_space<vmem>> -> memref<8x8x128xf32, #tpu.memory_space<vmem>>
        %dma_start3A_431 = arith.constant 0 : i32
        %dma_start3A_432 = arith.constant 0 : i32
        %dma_start3A_433 = arith.constant 0 : i32
        %dma_start3A_434 = tpu.memref_slice %arg4[%mul3A_418, %dma_start3A_431, %add3A_416, %dma_start3A_432, %dma_start3A_433] : memref<50x8x128x8x128xf32, #tpu.memory_space<hbm>> -> memref<1x8x1x8x128xf32, #tpu.memory_space<hbm>>
        %dma_start3A_435 = tpu.memref_squeeze %dma_start3A_434 : memref<1x8x1x8x128xf32, #tpu.memory_space<hbm>> -> memref<8x8x128xf32, #tpu.memory_space<hbm>>
        %dma_start3A_436 = arith.constant 0 : i32
        %dma_start3A_437 = arith.constant 0 : i32
        %dma_start3A_438 = arith.constant 0 : i32
        %dma_start3A_439 = tpu.memref_slice %arg4[%mul3A_418, %dma_start3A_436, %add3A_416, %dma_start3A_437, %dma_start3A_438] : memref<50x8x128x8x128xf32, #tpu.memory_space<hbm>> -> memref<1x8x1x8x128xf32, #tpu.memory_space<hbm>>
        %dma_start3A_440 = tpu.memref_squeeze %dma_start3A_439 : memref<1x8x1x8x128xf32, #tpu.memory_space<hbm>> -> memref<8x8x128xf32, #tpu.memory_space<hbm>>
        %dma_start3A_441 = arith.constant 0 : i32
        %dma_start3A_442 = arith.constant 0 : i32
        %dma_start3A_443 = arith.constant 0 : i32
        %dma_start3A_444 = tpu.memref_slice %arg10[%run_scoped3A_419, %dma_start3A_441, %dma_start3A_442, %dma_start3A_443] : memref<2x8x8x129xf32, #tpu.memory_space<vmem>> -> memref<1x8x8x128xf32, #tpu.memory_space<vmem>>
        %dma_start3A_445 = tpu.memref_squeeze %dma_start3A_444 : memref<1x8x8x128xf32, #tpu.memory_space<vmem>> -> memref<8x8x128xf32, #tpu.memory_space<vmem>>
        tpu.enqueue_dma source(%dma_start3A_445 : memref<8x8x128xf32, #tpu.memory_space<vmem>>) target(%dma_start3A_440 : memref<8x8x128xf32, #tpu.memory_space<hbm>>) target_semaphore(%run_scoped3A_425 : memref<!tpu.dma_semaphore, #tpu.memory_space<semaphore_mem>>)
        %dma_wait3A_446 = arith.constant 0 : i32
        %dma_wait3A_447 = arith.constant 0 : i32
        %dma_wait3A_448 = arith.constant 0 : i32
        %dma_wait3A_449 = tpu.memref_slice %arg10[%run_scoped3A_419, %dma_wait3A_446, %dma_wait3A_447, %dma_wait3A_448] : memref<2x8x8x129xf32, #tpu.memory_space<vmem>> -> memref<1x8x8x128xf32, #tpu.memory_space<vmem>>
        %dma_wait3A_450 = tpu.memref_squeeze %dma_wait3A_449 : memref<1x8x8x128xf32, #tpu.memory_space<vmem>> -> memref<8x8x128xf32, #tpu.memory_space<vmem>>
        %dma_wait3A_451 = arith.constant 0 : i32
        %dma_wait3A_452 = arith.constant 0 : i32
        %dma_wait3A_453 = arith.constant 0 : i32
        %dma_wait3A_454 = tpu.memref_slice %arg4[%mul3A_418, %dma_wait3A_451, %add3A_416, %dma_wait3A_452, %dma_wait3A_453] : memref<50x8x128x8x128xf32, #tpu.memory_space<hbm>> -> memref<1x8x1x8x128xf32, #tpu.memory_space<hbm>>
        %dma_wait3A_455 = tpu.memref_squeeze %dma_wait3A_454 : memref<1x8x1x8x128xf32, #tpu.memory_space<hbm>> -> memref<8x8x128xf32, #tpu.memory_space<hbm>>
        %dma_wait3A_456 = arith.constant 0 : i32
        %dma_wait3A_457 = arith.constant 0 : i32
        %dma_wait3A_458 = arith.constant 0 : i32
        %dma_wait3A_459 = tpu.memref_slice %arg4[%mul3A_418, %dma_wait3A_456, %add3A_416, %dma_wait3A_457, %dma_wait3A_458] : memref<50x8x128x8x128xf32, #tpu.memory_space<hbm>> -> memref<1x8x1x8x128xf32, #tpu.memory_space<hbm>>
        %dma_wait3A_460 = tpu.memref_squeeze %dma_wait3A_459 : memref<1x8x1x8x128xf32, #tpu.memory_space<hbm>> -> memref<8x8x128xf32, #tpu.memory_space<hbm>>
        %dma_wait3A_461 = arith.constant 0 : i32
        %dma_wait3A_462 = arith.constant 0 : i32
        %dma_wait3A_463 = arith.constant 0 : i32
        %dma_wait3A_464 = tpu.memref_slice %arg10[%run_scoped3A_419, %dma_wait3A_461, %dma_wait3A_462, %dma_wait3A_463] : memref<2x8x8x129xf32, #tpu.memory_space<vmem>> -> memref<1x8x8x128xf32, #tpu.memory_space<vmem>>
        %dma_wait3A_465 = tpu.memref_squeeze %dma_wait3A_464 : memref<1x8x8x128xf32, #tpu.memory_space<vmem>> -> memref<8x8x128xf32, #tpu.memory_space<vmem>>
        tpu.wait_dma2 semaphore(%run_scoped3A_425 : memref<!tpu.dma_semaphore, #tpu.memory_space<semaphore_mem>>) src(%dma_wait3A_465 : memref<8x8x128xf32, #tpu.memory_space<vmem>>) dst(%dma_wait3A_460 : memref<8x8x128xf32, #tpu.memory_space<hbm>>)
        tpu.yield
      }) : () -> ()
      %mul3A_420 = arith.constant 2 : i32
      %mul3A_421 = arith.muli %mul3A_420, %sub3A_397 : i32
      %add3A_422 = arith.constant 1 : i32
      %add3A_423 = arith.addi %mul3A_421, %add3A_422 : i32
      %run_scoped3A_424 = arith.constant 1 : i32
      "tpu.region"() ({
        %run_scoped3A_425 = tpu.sem_alloc : memref<!tpu.dma_semaphore, #tpu.memory_space<semaphore_mem>>
        %dma_start3A_426 = arith.constant 0 : i32
        %dma_start3A_427 = arith.constant 0 : i32
        %dma_start3A_428 = arith.constant 0 : i32
        %dma_start3A_429 = tpu.memref_slice %arg10[%run_scoped3A_424, %dma_start3A_426, %dma_start3A_427, %dma_start3A_428] : memref<2x8x8x129xf32, #tpu.memory_space<vmem>> -> memref<1x8x8x128xf32, #tpu.memory_space<vmem>>
        %dma_start3A_430 = tpu.memref_squeeze %dma_start3A_429 : memref<1x8x8x128xf32, #tpu.memory_space<vmem>> -> memref<8x8x128xf32, #tpu.memory_space<vmem>>
        %dma_start3A_431 = arith.constant 0 : i32
        %dma_start3A_432 = arith.constant 0 : i32
        %dma_start3A_433 = arith.constant 0 : i32
        %dma_start3A_434 = tpu.memref_slice %arg4[%add3A_423, %dma_start3A_431, %add3A_416, %dma_start3A_432, %dma_start3A_433] : memref<50x8x128x8x128xf32, #tpu.memory_space<hbm>> -> memref<1x8x1x8x128xf32, #tpu.memory_space<hbm>>
        %dma_start3A_435 = tpu.memref_squeeze %dma_start3A_434 : memref<1x8x1x8x128xf32, #tpu.memory_space<hbm>> -> memref<8x8x128xf32, #tpu.memory_space<hbm>>
        %dma_start3A_436 = arith.constant 0 : i32
        %dma_start3A_437 = arith.constant 0 : i32
        %dma_start3A_438 = arith.constant 0 : i32
        %dma_start3A_439 = tpu.memref_slice %arg4[%add3A_423, %dma_start3A_436, %add3A_416, %dma_start3A_437, %dma_start3A_438] : memref<50x8x128x8x128xf32, #tpu.memory_space<hbm>> -> memref<1x8x1x8x128xf32, #tpu.memory_space<hbm>>
        %dma_start3A_440 = tpu.memref_squeeze %dma_start3A_439 : memref<1x8x1x8x128xf32, #tpu.memory_space<hbm>> -> memref<8x8x128xf32, #tpu.memory_space<hbm>>
        %dma_start3A_441 = arith.constant 0 : i32
        %dma_start3A_442 = arith.constant 0 : i32
        %dma_start3A_443 = arith.constant 0 : i32
        %dma_start3A_444 = tpu.memref_slice %arg10[%run_scoped3A_424, %dma_start3A_441, %dma_start3A_442, %dma_start3A_443] : memref<2x8x8x129xf32, #tpu.memory_space<vmem>> -> memref<1x8x8x128xf32, #tpu.memory_space<vmem>>
        %dma_start3A_445 = tpu.memref_squeeze %dma_start3A_444 : memref<1x8x8x128xf32, #tpu.memory_space<vmem>> -> memref<8x8x128xf32, #tpu.memory_space<vmem>>
        tpu.enqueue_dma source(%dma_start3A_445 : memref<8x8x128xf32, #tpu.memory_space<vmem>>) target(%dma_start3A_440 : memref<8x8x128xf32, #tpu.memory_space<hbm>>) target_semaphore(%run_scoped3A_425 : memref<!tpu.dma_semaphore, #tpu.memory_space<semaphore_mem>>)
        %dma_wait3A_446 = arith.constant 0 : i32
        %dma_wait3A_447 = arith.constant 0 : i32
        %dma_wait3A_448 = arith.constant 0 : i32
        %dma_wait3A_449 = tpu.memref_slice %arg10[%run_scoped3A_424, %dma_wait3A_446, %dma_wait3A_447, %dma_wait3A_448] : memref<2x8x8x129xf32, #tpu.memory_space<vmem>> -> memref<1x8x8x128xf32, #tpu.memory_space<vmem>>
        %dma_wait3A_450 = tpu.memref_squeeze %dma_wait3A_449 : memref<1x8x8x128xf32, #tpu.memory_space<vmem>> -> memref<8x8x128xf32, #tpu.memory_space<vmem>>
        %dma_wait3A_451 = arith.constant 0 : i32
        %dma_wait3A_452 = arith.constant 0 : i32
        %dma_wait3A_453 = arith.constant 0 : i32
        %dma_wait3A_454 = tpu.memref_slice %arg4[%add3A_423, %dma_wait3A_451, %add3A_416, %dma_wait3A_452, %dma_wait3A_453] : memref<50x8x128x8x128xf32, #tpu.memory_space<hbm>> -> memref<1x8x1x8x128xf32, #tpu.memory_space<hbm>>
        %dma_wait3A_455 = tpu.memref_squeeze %dma_wait3A_454 : memref<1x8x1x8x128xf32, #tpu.memory_space<hbm>> -> memref<8x8x128xf32, #tpu.memory_space<hbm>>
        %dma_wait3A_456 = arith.constant 0 : i32
        %dma_wait3A_457 = arith.constant 0 : i32
        %dma_wait3A_458 = arith.constant 0 : i32
        %dma_wait3A_459 = tpu.memref_slice %arg4[%add3A_423, %dma_wait3A_456, %add3A_416, %dma_wait3A_457, %dma_wait3A_458] : memref<50x8x128x8x128xf32, #tpu.memory_space<hbm>> -> memref<1x8x1x8x128xf32, #tpu.memory_space<hbm>>
        %dma_wait3A_460 = tpu.memref_squeeze %dma_wait3A_459 : memref<1x8x1x8x128xf32, #tpu.memory_space<hbm>> -> memref<8x8x128xf32, #tpu.memory_space<hbm>>
        %dma_wait3A_461 = arith.constant 0 : i32
        %dma_wait3A_462 = arith.constant 0 : i32
        %dma_wait3A_463 = arith.constant 0 : i32
        %dma_wait3A_464 = tpu.memref_slice %arg10[%run_scoped3A_424, %dma_wait3A_461, %dma_wait3A_462, %dma_wait3A_463] : memref<2x8x8x129xf32, #tpu.memory_space<vmem>> -> memref<1x8x8x128xf32, #tpu.memory_space<vmem>>
        %dma_wait3A_465 = tpu.memref_squeeze %dma_wait3A_464 : memref<1x8x8x128xf32, #tpu.memory_space<vmem>> -> memref<8x8x128xf32, #tpu.memory_space<vmem>>
        tpu.wait_dma2 semaphore(%run_scoped3A_425 : memref<!tpu.dma_semaphore, #tpu.memory_space<semaphore_mem>>) src(%dma_wait3A_465 : memref<8x8x128xf32, #tpu.memory_space<vmem>>) dst(%dma_wait3A_460 : memref<8x8x128xf32, #tpu.memory_space<hbm>>)
        tpu.yield
      }) : () -> ()
    }
    %scan3A_146 = arith.constant 50 : i32
    return
  }
}

</mosaic_0001>

<sc_bundles>
// kernel: kernel.3.cloned.1.call-start
scs
__scs_entry_jumppad:
0x0: {  	(pc) =	sbr.rel $0x88, $3  }
0x1: {  	(tag) =	ssettag $0x0;
	lr =	simm.s32 $0x1  }
0x2: {  	[smem:$0x3F9F] =	sst lr;
	_ =	strace $0xD0000000  }
0x3: {  	_ = 	snop  }
0x4: {  	_ = 	snop  }
0x5: {  	_ = 	snop  }
0x6: {  	_ = 	snop  }
0x7: {  	_ = 	snop  }
__scs_overlays_trampoline_lowered:
0x8: {  	[smem:$0x3FAE] =	sst s0  }
0x9: {  	[smem:$0x3FAF] =	sst s1  }
0xa: {  	[smem:$0x3FB0] =	sst s2  }
0xb: {  	[smem:$0x3FB1] =	sst s3  }
0xc: {  	[smem:$0x3FB2] =	sst s4  }
0xd: {  	[smem:$0x3FB3] =	sst s5  }
0xe: {  	[smem:$0x3FB4] =	sst s6  }
0xf: {  	[smem:$0x3FB5] =	sst s7  }
0x10: {  	[smem:$0x3FB6] =	sst s8  }
0x11: {  	[smem:$0x3FB7] =	sst s9;
	s0 =	simm.s32 @!p0 $0x0  }
0x12: {  	s1 =	sld [smem:$0x3F9D];
	s0 =	simm.s32 @p0 $0x1  }
0x13: {  	[smem:$0x3FB8] =	sst s0;
	s0 =	simm.s32 @!p1 $0x0  }
0x14: {  	s2 =	sld [smem:$0x3F9C];
	s0 =	simm.s32 @p1 $0x1  }
0x15: {  	[smem:$0x3FB9] =	sst s0;
	s0 =	simm.s32 @!p2 $0x0  }
0x16: {  	s3 =	sld [smem:$0x3FDB];
	s0 =	simm.s32 @p2 $0x1  }
0x17: {  	s4 =	simm.s32 $0x1BF5;
	[smem:$0x3FBB] =	sst s0  }
0x18: {  	s0 =	sld [smem:$0x3F9E];
	_ =	swait.ge [sflag:s4], $0x0  }
0x19: {  	s7 =	sld [smem:$0x3F9F]  }
0x1a: {  	s8 =	sadd.s32 $0xFFFFE003, lr  }
0x1b: {  	s9 =	sadd.s32 $0xFFFFFEF7, lr;
	s5 =	simm.s32 $0xFFFFFFFF;
	p2 =	slt.u32 s8, $0xFFFFF086  }
0x1c: {  	p1 =	slt.u32 s9, $0xF7A;
	s5 =	simm.s32 @!p2 $0x0  }
0x1d: {  	s5 =	simm.s32 @p1 $0x1;
	p0 =	seq.s32 s7, s2  }
0x1e: {  	s7 =	smul.u32 @!p0 $0xF7A, s2;
	p2 =	seq.s32 @!p0 s5, $0x0  }
0x1f: {  	s9 =	smul.u32 $0xF7A, s1;
	s8 =	simm.s32 @!p0 $0x1BF5;
	p2 =	por !p2, p0  }
0x20: {  	[sflag:s8] =	ssyncset.s32 @!p0 $0xFFFFF086;
	s6 =	sadd.s32 @!p0 s3, s7;
	s7 =	simm.s32 @!p0 $0x108  }
0x21: {  	s3 =	sadd.s32 s3, s9;
	s6 =	sadd.s32 @!p0 $0x88, s6;
	s7 =	simm.s32 @p2 $0x1082  }
0x22: {  	[simem:s7], [sflag:s8] =	dma.local @!p0 [hbm:s6], $0xF7A  }
0x23: {  	s9 =	sor.u32 $0xD0000000, s2;
	s6 =	simm.s32 $0x108;
	_ =	swait.ge @!p0 [sflag:s8], $0x0  }
0x24: {  	s3 =	sadd.s32 $0x88, s3;
	s6 =	simm.s32 @!p1 $0x1082;
	[sflag:s4] =	ssyncset.s32 $0xFFFFF086  }
0x25: {  	[simem:s6], [sflag:s4] =	dma.local [hbm:s3], $0xF7A  }
0x26: {  	[smem:$0x3F9F] =	sst s1;
	(tag) =	ssettag s2;
	_ =	strace s9  }
0x27: {  	s1 =	sld [smem:$0x3FAF]  }
0x28: {  	s2 =	sld [smem:$0x3FB0]  }
0x29: {  	s4 =	sld [smem:$0x3FB2]  }
0x2a: {  	p0 =	seq.s32 s5, $0x0;
	s5 =	sld [smem:$0x3FB3]  }
0x2b: {  	s6 =	sld [smem:$0x3FB4]  }
0x2c: {  	s7 =	sld [smem:$0x3FB5]  }
0x2d: {  	s3 =	simm.s32 $0x108;
	s8 =	sld [smem:$0x3FB6]  }
0x2e: {  	s3 =	simm.s32 @!p0 $0x1082;
	s9 =	sld [smem:$0x3FB7]  }
0x2f: {  	lr =	sadd.s32 s0, s3;
	s0 =	sld [smem:$0x3FAE]  }
0x30: {  	s3 =	sld [smem:$0x3FB1]  }
0x31: {  	[smem:$0x3FBA] =	sst s10  }
0x32: {  	s10 =	sld [smem:$0x3FB8];
	_ =	sdelay $0x3  }
0x33: {  	p0 =	seq.s32 s10, $0x1;
	s10 =	sld [smem:$0x3FBA];
	_ =	sdelay $0x3  }
0x34: {  	[smem:$0x3FBA] =	sst s10  }
0x35: {  	s10 =	sld [smem:$0x3FB9];
	_ =	sdelay $0x3  }
0x36: {  	p1 =	seq.s32 s10, $0x1;
	s10 =	sld [smem:$0x3FBA];
	_ =	sdelay $0x3  }
0x37: {  	[smem:$0x3FBA] =	sst s10  }
0x38: {  	s10 =	sld [smem:$0x3FBB]  }
0x39: {  	_ = 	snop;
	(pc) =	sbr.ind lr, $3  }
0x3a: {  	_ = 	snop  }
0x3b: {  	_ = 	snop  }
0x3c: {  	p2 =	seq.s32 s10, $0x1;
	s10 =	sld [smem:$0x3FBA]  }
0x3d: {  	_ =	shalt  }
0x3e: {  	_ =	shalt  }
0x3f: {  	_ =	shalt  }
0x40: {  	_ =	shalt  }
0x41: {  	_ =	shalt  }
0x42: {  	_ =	shalt  }
0x43: {  	_ =	shalt  }
0x44: {  	_ =	shalt  }
0x45: {  	_ =	shalt  }
0x46: {  	_ =	shalt  }
0x47: {  	_ =	shalt  }
0x48: {  	_ =	shalt  }
0x49: {  	_ =	shalt  }
0x4a: {  	_ =	shalt  }
0x4b: {  	_ =	shalt  }
0x4c: {  	_ =	shalt  }
0x4d: {  	_ =	shalt  }
0x4e: {  	_ =	shalt  }
0x4f: {  	_ =	shalt  }
0x50: {  	_ =	shalt  }
0x51: {  	_ =	shalt  }
0x52: {  	_ =	shalt  }
0x53: {  	_ =	shalt  }
0x54: {  	_ =	shalt  }
0x55: {  	_ =	shalt  }
0x56: {  	_ =	shalt  }
0x57: {  	_ =	shalt  }
0x58: {  	_ =	shalt  }
0x59: {  	_ =	shalt  }
0x5a: {  	_ =	shalt  }
0x5b: {  	_ =	shalt  }
0x5c: {  	_ =	shalt  }
0x5d: {  	_ =	shalt  }
0x5e: {  	_ =	shalt  }
0x5f: {  	_ =	shalt  }
0x60: {  	_ =	shalt  }
0x61: {  	_ =	shalt  }
0x62: {  	_ =	shalt  }
0x63: {  	_ =	shalt  }
0x64: {  	_ =	shalt  }
0x65: {  	_ =	shalt  }
0x66: {  	_ =	shalt  }
0x67: {  	_ =	shalt  }
0x68: {  	_ =	shalt  }
0x69: {  	_ =	shalt  }
0x6a: {  	_ =	shalt  }
0x6b: {  	_ =	shalt  }
0x6c: {  	_ =	shalt  }
0x6d: {  	_ =	shalt  }
0x6e: {  	_ =	shalt  }
0x6f: {  	_ =	shalt  }
0x70: {  	_ =	shalt  }
0x71: {  	_ =	shalt  }
0x72: {  	_ =	shalt  }
0x73: {  	_ =	shalt  }
0x74: {  	_ =	shalt  }
0x75: {  	_ =	shalt  }
0x76: {  	_ =	shalt  }
0x77: {  	_ =	shalt  }
0x78: {  	_ =	shalt  }
0x79: {  	_ =	shalt  }
0x7a: {  	_ =	shalt  }
0x7b: {  	_ =	shalt  }
0x7c: {  	_ =	shalt  }
0x7d: {  	_ =	shalt  }
0x7e: {  	_ =	shalt  }
0x7f: {  	_ =	shalt  }
0x80: {  	_ =	shalt  }
0x81: {  	_ =	shalt  }
0x82: {  	_ =	shalt  }
0x83: {  	_ =	shalt  }
0x84: {  	_ =	shalt  }
0x85: {  	_ =	shalt  }
0x86: {  	_ =	shalt  }
0x87: {  	_ =	shalt  }
.Lfunc_end0:
.L_simem_size_0:
called_computation_lowered:
.L_overlay_start_0:
0x88: {  	s2 =	sld [smem:$0x3FD9]  }
0x89: {  	s3 =	sld [smem:$0x3FFE];
	_ =	sdelay $0x1  }
0x8a: {  	s1 =	srdreg.scid  }
0x8b: {  	s0 =	sand.u32 $0x1, s1  }
0x8c: {  	s17 =	sshll.u32 s0, $0xA;
	s2 =	sadd.s32 s3, s2  }
0x8d: {  	s2 =	sadd.s32 s2, s17  }
0x8e: {  	[smem:$0x3FC6] =	sst s2  }
0x8f: {  	_ = 	snop  }
0x90: {  	s2 =	sld [smem:$0x3FD0];
	(tm) =	ssettm $0x1  }
0x91: {  	s18 =	sld [smem:$0x3FFB];
	_ =	sdelay $0x3  }
0x92: {  	_ =	strace s18  }
0x93: {  	s3 =	sld [smem:$0x3FFC];
	_ =	sdelay $0x3  }
0x94: {  	_ =	strace s3  }
0x95: {  	s3 =	sld [smem:$0x3FFD];
	_ =	sdelay $0x3  }
0x96: {  	_ =	strace s3  }
0x97: {  	_ =	strace $0x8FFFFFFF  }
0x98: {  	s19 =	sld [smem:$0x3FDB];
	_ =	sdelay $0x1  }
0x99: {  	s4 =	simm.s32 $_scs_section_size  }
0x9a: {  	s5 =	simm.s32 $_size__tile_overlayer_lowered;
	s6 =	simm.s32 $_tile_overlayer_lowered  }
0x9b: {  	s22 =	simm.s32 $0x1BFF;
	s21 =	sshll.u32 s6, $0x1;
	s3 =	sadd.s32 s4, s19  }
0x9c: {  	s7 =	simm.s32 $0x0;
	s20 =	sshll.u32 s5, $0x1;
	s5 =	sadd.s32 s21, s3  }
0x9d: {  	[timem:s7], [sflag:s22] =	dma.local [hbm:s5], s20  }
0x9e: {  	_ =	swait.ge [sflag:s22], s20  }
0x9f: {  	s4 =	ssub.s32 $0x0, s20;
	[sflag:s22] =	ssyncset.done $0x0  }
0xa0: {  	[sflag:s22] =	ssyncadd.s32 s4;
	_ =	sdelay $0x1  }
0xa1: {  	s23 =	simm.s32 $0x1B8B  }
0xa2: {  	_ =	swait.ge [sflag:s23], $0x1  }
0xa3: {  	[sflag:s23] =	ssyncset.done $0x0  }
0xa4: {  	s25 =	simm.s32 $0x1B8E;
	s24 =	sld [smem:$0x3FFE];
	[sflag:s23] =	ssyncadd.s32 $0xFFFFFFFF  }
0xa5: {  	s26 =	simm.s32 $execute0_lowered;
	[smem:$0x3FD2] =	sst s25  }
0xa6: {  	s5 =	sshll.u32 s26, $0x1;
	_ =	strace $0x80000046;
	[dreg:$0x1] =	wrdreg $0xFFFFFFFF  }
0xa7: {  	s28 =	simm.s32 $_size_execute0_lowered;
	s3 =	sadd.s32 s3, s5;
	[dreg:$0x0] =	wrdreg $0x0  }
0xa8: {  	s5 =	sshll.u32 s28, $0x1;
	[dreg:$0x2] =	wrdreg s3  }
0xa9: {  	[dreg:$0x3] =	wrdreg s5  }
0xaa: {  	[dreg:$0x4] =	wrdreg $0xC0  }
0xab: {  	_ =	task [dreg:s7], $0x5FFFF  }
0xac: {  	[dreg:$0x1] =	wrdreg $0xFFFFFFFF  }
0xad: {  	[dreg:$0x0] =	wrdreg $0x60  }
0xae: {  	[dreg:$0x2] =	wrdreg s24  }
0xaf: {  	[dreg:$0x3] =	wrdreg s2  }
0xb0: {  	[dreg:$0x4] =	wrdreg $0x9  }
0xb1: {  	_ =	task.clear_ibuf [dreg:s7], $0x5FFFF;
	_ =	strace $0x90000046  }
0xb2: {  	s29 =	simm.s32 $0x9;
	_ =	strace $0x80000048  }
0xb3: {  	_ =	swait.ge [sflag:s29], $0x1  }
0xb4: {  	[sflag:s29] =	ssyncadd.s32 $0xFFFFFFFF  }
0xb5: {  	_ =	strace $0x90000048  }
0xb6: {  	_ =	sfence  }
0xb7: {  	s30 =	sld [smem:$0x0];
	_ =	sdelay $0x2  }
0xb8: {  	s31 =	sshll.u32 s1, $0xD;
	s1 =	sshrl.u32 s1, $0x2  }
0xb9: {  	s3 =	sand.u32 $0x4000, s31;
	s1 =	sadd.s32 s1, s30  }
0xba: {  	s0 =	sor.u32 s3, s0;
	s1 =	sshll.u32 s1, $0x11  }
0xbb: {  	s0 =	sor.u32 s1, s0  }
0xbc: {  	s0 =	sadd.s32 $0x8F2B, s0  }
0xbd: {  	[sflag:s0] =	ssyncadd.remote.s32 $0x1  }
0xbe: {  	_ =	sfence.sel $0xFFFF  }
0xbf: {  	[dreg:$0x0] =	wrdreg $0xFFFFFFFF;
	(pc) =	sbr.abs _section_cstart, $3  }
0xc0: {  	[dreg:$0x1] =	wrdreg $0xFFFFFFFF  }
0xc1: {  	_ =	task.clear_ibuf [dreg:s7], $0x2FFFF;
	_ =	strace $0x9FFFFFFF  }
0xc2: {  	(tm) =	ssettm $0x7FFFFFFF  }
0xc3: {  	_ =	shalt  }
tec
execute0_lowered:
.L_overlay_start_1:
0x0: {  	(tag) =	ssettag $0x1  }
0x1: {  	s1 =	rddreg [dreg:$0x0]  }
0x2: {  	s3 =	srdreg.scid;
	s0 =	stileid.u32;
	v11 =	vlaneseq.u32  }
0x3: {  	s2 =	rddreg [dreg:$0x1];
	s8 =	simm.s32 $0x3;
	s9 =	simm.s32 $0x80;
	v0 =	vmul.u32 $0x32, v11  }
0x4: {  	s10 =	simm.s32 $0x6400;
	s11 =	simm.s32 $0x6600;
	s12 =	simm.s32 $0x6480  }
0x5: {  	s13 =	simm.s32 $0x8600;
	s14 =	simm.s32 $0x6500;
	s15 =	simm.s32 $0xA600;
	v11 =	vmul.u32 $0x88, v11;
	v1 =	vor.u32 $0x1, v0  }
0x6: {  	s16 =	simm.s32 $0x6580;
	s17 =	simm.s32 $0xC600;
	s18 =	simm.s32 $0x1;
	v2 =	vadd.s32 $0x320, v0;
	v3 =	vadd.s32 $0x321, v0;
	v4 =	vadd.s32 $0x640, v0  }
0x7: {  	s19 =	simm.s32 $0xE600;
	s4 =	sand.u32 $0x1, s3;
	s5 =	sshll.u32 s0, $0x1;
	v5 =	vadd.s32 $0x641, v0;
	v6 =	vadd.s32 $0x960, v0;
	v7 =	vadd.s32 $0x961, v0  }
0x8: {  	s20 =	simm.s32 $0x2;
	s21 =	simm.s32 $0x0;
	s6 =	sor.u32 s4, s5;
	v8 =	vadd.s32 $0xC80, v0;
	v9 =	vadd.s32 $0xC81, v0;
	v10 =	vadd.s32 $0xFA0, v0  }
0x9: {  	s3 =	simm.s32 $0x0;
	s7 =	ssub.s32 $0x2, s4;
	s5 =	smul.u32 $0xC80, s6;
	v12 =	vadd.s32 $0xFA1, v0;
	v13 =	vadd.s32 $0x12C0, v0;
	v14 =	vadd.s32 $0x12C1, v0  }
0xa: {  	[smem:$0x7FF] =	sst s3;
	s4 =	sadd.s32 $0xF42A00, s1;
	s31 =	sshrl.u32 s7, $0x1;
	v15 =	vadd.s32 $0x15E0, v0;
	v16 =	vadd.s32 $0x15E1, v0;
	v17 =	vadd.s32 $0x880, v11  }
0xb: {  	_ =	strace $0x80000047;
	v18 =	vadd.s32 $0x1100, v11;
	v19 =	vadd.s32 $0x1980, v11;
	v20 =	vadd.s32 $0x2200, v11;
	s7 =	ssub.s32 s7, s31;
	s1 =	sadd.s32 s5, s1  }
0xc: {  	s6 =	sshll.u32 s6, $0x2;
	v21 =	vadd.s32 $0x2A80, v11;
	v22 =	vadd.s32 $0x3300, v11;
	v23 =	vadd.s32 $0x3B80, v11;
	s7 =	smax.u32 s7, $0x1;
	s5 =	sadd.s32 $0x600, s1  }
.LBB2_1:
0xd: {  	[tilespmem:s3], [sflag:$0x3] =	stream.linear.gather [hbm4b:s5+s3], $0x6400, $0x38;
	[tilespmem:$0x12A00] =	vst v63  }
0xe: {  	_ =	swait.ge [sflag:s8], $0x6400  }
0xf: {  	[sflag:s8] =	ssyncset.done $0x0  }
0x10: {  	[sflag:s8] =	ssyncadd.s32 $0xFFFF9C00  }
0x11: {  	v24 =	vld.idx.msk [tilespmem:v0+s3+$0x0], $0xffff;
	_ =	sdelay $0x4  }
0x12: {  	[tilespmem:$0x6400] =	vst v24  }
0x13: {  	v24 =	vld.idx.msk [tilespmem:v1+s3+$0x0], $0xffff;
	_ =	sdelay $0x4  }
0x14: {  	[tilespmem:$0x6480] =	vst v24  }
0x15: {  	v24 =	vld.idx.msk [tilespmem:v2+s3+$0x0], $0xffff;
	_ =	sdelay $0x4  }
0x16: {  	[tilespmem:$0x6410] =	vst v24  }
0x17: {  	v24 =	vld.idx.msk [tilespmem:v3+s3+$0x0], $0xffff;
	_ =	sdelay $0x4  }
0x18: {  	[tilespmem:$0x6490] =	vst v24  }
0x19: {  	v24 =	vld.idx.msk [tilespmem:v4+s3+$0x0], $0xffff;
	_ =	sdelay $0x4  }
0x1a: {  	[tilespmem:$0x6420] =	vst v24  }
0x1b: {  	v24 =	vld.idx.msk [tilespmem:v5+s3+$0x0], $0xffff;
	_ =	sdelay $0x4  }
0x1c: {  	[tilespmem:$0x64A0] =	vst v24  }
0x1d: {  	v24 =	vld.idx.msk [tilespmem:v6+s3+$0x0], $0xffff;
	_ =	sdelay $0x4  }
0x1e: {  	[tilespmem:$0x6430] =	vst v24  }
0x1f: {  	v24 =	vld.idx.msk [tilespmem:v7+s3+$0x0], $0xffff;
	_ =	sdelay $0x4  }
0x20: {  	[tilespmem:$0x64B0] =	vst v24  }
0x21: {  	v24 =	vld.idx.msk [tilespmem:v8+s3+$0x0], $0xffff;
	_ =	sdelay $0x4  }
0x22: {  	[tilespmem:$0x6440] =	vst v24  }
0x23: {  	v24 =	vld.idx.msk [tilespmem:v9+s3+$0x0], $0xffff;
	_ =	sdelay $0x4  }
0x24: {  	[tilespmem:$0x64C0] =	vst v24  }
0x25: {  	v24 =	vld.idx.msk [tilespmem:v10+s3+$0x0], $0xffff;
	_ =	sdelay $0x4  }
0x26: {  	[tilespmem:$0x6450] =	vst v24  }
0x27: {  	v24 =	vld.idx.msk [tilespmem:v12+s3+$0x0], $0xffff;
	_ =	sdelay $0x4  }
0x28: {  	[tilespmem:$0x64D0] =	vst v24  }
0x29: {  	v24 =	vld.idx.msk [tilespmem:v13+s3+$0x0], $0xffff;
	_ =	sdelay $0x4  }
0x2a: {  	[tilespmem:$0x6460] =	vst v24  }
0x2b: {  	v24 =	vld.idx.msk [tilespmem:v14+s3+$0x0], $0xffff;
	_ =	sdelay $0x4  }
0x2c: {  	[tilespmem:$0x64E0] =	vst v24  }
0x2d: {  	v24 =	vld.idx.msk [tilespmem:v15+s3+$0x0], $0xffff;
	_ =	sdelay $0x4  }
0x2e: {  	[tilespmem:$0x6470] =	vst v24  }
0x2f: {  	v24 =	vld.idx.msk [tilespmem:v16+s3+$0x0], $0xffff;
	_ =	sdelay $0x4  }
0x30: {  	[tilespmem:$0x64F0] =	vst v24  }
0x31: {  	[tilespmem:s11], [sflag:$0x1] =	stream.indirect.gather [hbm4b:s4+s9], $0x40, s10, s9, $0xb8;
	[tilespmem:$0x12A00] =	vst v63  }
0x32: {  	s22 =	simm.s32 $0x0  }
0x33: {  	[tilespmem:s13], [sflag:$0x1] =	stream.indirect.gather [hbm4b:s4+s9], $0x40, s12, s9, $0xb8;
	[tilespmem:$0x12A00] =	vst v63  }
.LBB2_2:
0x34: {  	s1 =	sshllo.u32 s22, $0x1  }
0x35: {  	s23 =	smul.u32 $0x29, s1;
	_ =	sdelay $0x1  }
0x36: {  	s23 =	sshrl.u32 s23, $0xA  }
0x37: {  	s23 =	sand.u32 $0x3F, s23  }
0x38: {  	s24 =	smul.u32 $0x7FFFFFE7, s23;
	_ =	sdelay $0x1  }
0x39: {  	s31 =	smul.u32 $0x1900, s23;
	s24 =	sadd.s32 s1, s24  }
0x3a: {  	s25 =	sshll.u32 s24, $0x1  }
0x3b: {  	s1 =	sadd.s32 s31, s25  }
0x3c: {  	v24 =	vadd.s32 s1, v0;
	_ =	sdelay $0x3  }
0x3d: {  	s25 =	simm.s32 $0x0  }
0x3e: {  	v24 =	vld.idx.msk [tilespmem:v24+s25+$0x0], $0xffff  }
0x3f: {  	v25 =	vadd.s32 s1, v1;
	_ =	sdelay $0x3  }
0x40: {  	[tilespmem:$0x6500] =	vst v24  }
0x41: {  	s26 =	sadd.s32 $0x320, s1;
	v24 =	vld.idx.msk [tilespmem:v25+s25+$0x0], $0xffff  }
0x42: {  	v25 =	vadd.s32 s26, v0;
	_ =	sdelay $0x3  }
0x43: {  	[tilespmem:$0x6580] =	vst v24  }
0x44: {  	v24 =	vld.idx.msk [tilespmem:v25+s25+$0x0], $0xffff  }
0x45: {  	v25 =	vadd.s32 s26, v1;
	_ =	sdelay $0x3  }
0x46: {  	[tilespmem:$0x6510] =	vst v24  }
0x47: {  	s0 =	sadd.s32 $0x640, s1;
	v24 =	vld.idx.msk [tilespmem:v25+s25+$0x0], $0xffff  }
0x48: {  	v25 =	vadd.s32 s0, v0;
	_ =	sdelay $0x3  }
0x49: {  	[tilespmem:$0x6590] =	vst v24  }
0x4a: {  	v24 =	vld.idx.msk [tilespmem:v25+s25+$0x0], $0xffff  }
0x4b: {  	v25 =	vadd.s32 s0, v1;
	_ =	sdelay $0x3  }
0x4c: {  	[tilespmem:$0x6520] =	vst v24  }
0x4d: {  	s31 =	sadd.s32 $0x960, s1;
	v24 =	vld.idx.msk [tilespmem:v25+s25+$0x0], $0xffff  }
0x4e: {  	v25 =	vadd.s32 s31, v0;
	_ =	sdelay $0x3  }
0x4f: {  	[tilespmem:$0x65A0] =	vst v24  }
0x50: {  	v24 =	vld.idx.msk [tilespmem:v25+s25+$0x0], $0xffff  }
0x51: {  	v25 =	vadd.s32 s31, v1;
	_ =	sdelay $0x3  }
0x52: {  	[tilespmem:$0x6530] =	vst v24  }
0x53: {  	s0 =	sadd.s32 $0xC80, s1;
	v24 =	vld.idx.msk [tilespmem:v25+s25+$0x0], $0xffff  }
0x54: {  	v25 =	vadd.s32 s0, v0;
	_ =	sdelay $0x3  }
0x55: {  	[tilespmem:$0x65B0] =	vst v24  }
0x56: {  	v24 =	vld.idx.msk [tilespmem:v25+s25+$0x0], $0xffff  }
0x57: {  	v25 =	vadd.s32 s0, v1;
	_ =	sdelay $0x3  }
0x58: {  	[tilespmem:$0x6540] =	vst v24  }
0x59: {  	s31 =	sadd.s32 $0xFA0, s1;
	v24 =	vld.idx.msk [tilespmem:v25+s25+$0x0], $0xffff  }
0x5a: {  	v25 =	vadd.s32 s31, v0;
	_ =	sdelay $0x3  }
0x5b: {  	[tilespmem:$0x65C0] =	vst v24  }
0x5c: {  	v24 =	vld.idx.msk [tilespmem:v25+s25+$0x0], $0xffff  }
0x5d: {  	v25 =	vadd.s32 s31, v1;
	_ =	sdelay $0x3  }
0x5e: {  	[tilespmem:$0x6550] =	vst v24  }
0x5f: {  	s0 =	sadd.s32 $0x12C0, s1;
	v24 =	vld.idx.msk [tilespmem:v25+s25+$0x0], $0xffff  }
0x60: {  	v25 =	vadd.s32 s0, v0;
	_ =	sdelay $0x3  }
0x61: {  	[tilespmem:$0x65D0] =	vst v24  }
0x62: {  	v24 =	vld.idx.msk [tilespmem:v25+s25+$0x0], $0xffff  }
0x63: {  	v25 =	vadd.s32 s0, v1;
	_ =	sdelay $0x3  }
0x64: {  	[tilespmem:$0x6560] =	vst v24  }
0x65: {  	s1 =	sadd.s32 $0x15E0, s1;
	v24 =	vld.idx.msk [tilespmem:v25+s25+$0x0], $0xffff  }
0x66: {  	v25 =	vadd.s32 s1, v0;
	_ =	sdelay $0x3  }
0x67: {  	[tilespmem:$0x65E0] =	vst v24  }
0x68: {  	v24 =	vld.idx.msk [tilespmem:v25+s25+$0x0], $0xffff  }
0x69: {  	v25 =	vadd.s32 s1, v1;
	_ =	sdelay $0x3  }
0x6a: {  	[tilespmem:$0x6570] =	vst v24  }
0x6b: {  	v24 =	vld.idx.msk [tilespmem:v25+s25+$0x0], $0xffff;
	_ =	sdelay $0x4  }
0x6c: {  	[tilespmem:$0x65F0] =	vst v24  }
0x6d: {  	[tilespmem:s15], [sflag:$0x2] =	stream.indirect.gather [hbm4b:s4+s9], $0x40, s14, s9, $0xb8;
	[tilespmem:$0x12A00] =	vst v63  }
0x6e: {  	_ = 	snop  }
0x6f: {  	[tilespmem:s17], [sflag:$0x2] =	stream.indirect.gather [hbm4b:s4+s9], $0x40, s16, s9, $0xb8;
	[tilespmem:$0x12A00] =	vst v63  }
0x70: {  	_ =	swait.ge [sflag:s18], $0x4000  }
0x71: {  	v24 =	vmov s25;
	[sflag:s18] =	ssyncset.done $0x0  }
0x72: {  	s28 =	simm.s32 $0x6680;
	v24 =	vand.u32 $0x7C, v24;
	[sflag:s18] =	ssyncadd.s32 $0xFFFFC000  }
0x73: {  	v26 =	vadd.s32 v11, v24;
	v25 =	vld [tilespmem:s28+$0xFFFFFF80];
	_ =	sdelay $0x4  }
0x74: {  	[tilespmem:v26+s19+$0x0] =	vst.idx.msk $0xffff, v25  }
0x75: {  	v26 =	vadd.s32 v17, v24;
	v25 =	vld [tilespmem:s28+$0xFFFFFF90];
	_ =	sdelay $0x4  }
0x76: {  	[tilespmem:v26+s19+$0x0] =	vst.idx.msk $0xffff, v25  }
0x77: {  	v26 =	vadd.s32 v18, v24;
	v25 =	vld [tilespmem:s28+$0xFFFFFFA0];
	_ =	sdelay $0x4  }
0x78: {  	[tilespmem:v26+s19+$0x0] =	vst.idx.msk $0xffff, v25  }
0x79: {  	v26 =	vadd.s32 v19, v24;
	v25 =	vld [tilespmem:s28+$0xFFFFFFB0];
	_ =	sdelay $0x2  }
0x7a: {  	s25 =	simm.s32 $0x1  }
0x7b: {  	v27 =	vmov s25  }
0x7c: {  	[tilespmem:v26+s19+$0x0] =	vst.idx.msk $0xffff, v25;
	v25 =	vand.u32 $0x7D, v27  }
0x7d: {  	v26 =	vld [tilespmem:s28+$0xFFFFFFC0];
	v27 =	vadd.s32 v11, v25;
	_ =	sdelay $0x4  }
0x7e: {  	[tilespmem:v27+s19+$0x0] =	vst.idx.msk $0xffff, v26  }
0x7f: {  	v27 =	vadd.s32 v17, v25;
	v26 =	vld [tilespmem:s28+$0xFFFFFFD0];
	_ =	sdelay $0x4  }
0x80: {  	[tilespmem:v27+s19+$0x0] =	vst.idx.msk $0xffff, v26  }
0x81: {  	v27 =	vadd.s32 v18, v25;
	v26 =	vld [tilespmem:s28+$0xFFFFFFE0];
	_ =	sdelay $0x4  }
0x82: {  	[tilespmem:v27+s19+$0x0] =	vst.idx.msk $0xffff, v26  }
0x83: {  	v27 =	vadd.s32 v19, v25;
	v26 =	vld [tilespmem:s28+$0xFFFFFFF0];
	_ =	sdelay $0x2  }
0x84: {  	s26 =	simm.s32 $0x2  }
0x85: {  	v28 =	vmov s26  }
0x86: {  	[tilespmem:v27+s19+$0x0] =	vst.idx.msk $0xffff, v26;
	v26 =	vand.u32 $0x7E, v28  }
0x87: {  	v27 =	vld [tilespmem:s28+$0x0];
	v28 =	vadd.s32 v11, v26;
	_ =	sdelay $0x4  }
0x88: {  	[tilespmem:v28+s19+$0x0] =	vst.idx.msk $0xffff, v27  }
0x89: {  	v28 =	vadd.s32 v17, v26;
	v27 =	vld [tilespmem:s28+$0x10];
	_ =	sdelay $0x4  }
0x8a: {  	[tilespmem:v28+s19+$0x0] =	vst.idx.msk $0xffff, v27  }
0x8b: {  	v28 =	vadd.s32 v18, v26;
	v27 =	vld [tilespmem:s28+$0x20];
	_ =	sdelay $0x4  }
0x8c: {  	[tilespmem:v28+s19+$0x0] =	vst.idx.msk $0xffff, v27  }
0x8d: {  	v28 =	vadd.s32 v19, v26;
	v27 =	vld [tilespmem:s28+$0x30];
	_ =	sdelay $0x2  }
0x8e: {  	s31 =	simm.s32 $0x3  }
0x8f: {  	v29 =	vmov s31  }
0x90: {  	[tilespmem:v28+s19+$0x0] =	vst.idx.msk $0xffff, v27;
	v27 =	vand.u32 $0x7F, v29  }
0x91: {  	v28 =	vld [tilespmem:s28+$0x40];
	v29 =	vadd.s32 v11, v27;
	_ =	sdelay $0x4  }
0x92: {  	[tilespmem:v29+s19+$0x0] =	vst.idx.msk $0xffff, v28  }
0x93: {  	v29 =	vadd.s32 v17, v27;
	v28 =	vld [tilespmem:s28+$0x50];
	_ =	sdelay $0x4  }
0x94: {  	[tilespmem:v29+s19+$0x0] =	vst.idx.msk $0xffff, v28  }
0x95: {  	v29 =	vadd.s32 v18, v27;
	v28 =	vld [tilespmem:s28+$0x60];
	_ =	sdelay $0x4  }
0x96: {  	[tilespmem:v29+s19+$0x0] =	vst.idx.msk $0xffff, v28  }
0x97: {  	v29 =	vadd.s32 v19, v27;
	v28 =	vld [tilespmem:s28+$0x70];
	_ =	sdelay $0x2  }
0x98: {  	s26 =	simm.s32 $0x4  }
0x99: {  	s30 =	simm.s32 $0x8;
	s29 =	simm.s32 $0x4;
	v30 =	vmov s26;
	s25 =	sshll.u32 s22, $0x1  }
.LBB2_3:
0x9a: {  	p0 =	sne.s32 s30, $0x7C;
	v30 =	vand.u32 $0x7C, v30;
	[tilespmem:v29+s19+$0x0] =	vst.idx.msk $0xffff, v28;
	s28 =	sadd.s32 $0x100, s28  }
0x9b: {  	v28 =	vld [tilespmem:s28+$0xFFFFFF80];
	v29 =	vadd.s32 v11, v30;
	_ =	sdelay $0x4  }
0x9c: {  	[tilespmem:v29+s19+$0x0] =	vst.idx.msk $0xffff, v28  }
0x9d: {  	v29 =	vadd.s32 v17, v30;
	v28 =	vld [tilespmem:s28+$0xFFFFFF90];
	_ =	sdelay $0x4  }
0x9e: {  	[tilespmem:v29+s19+$0x0] =	vst.idx.msk $0xffff, v28  }
0x9f: {  	v29 =	vadd.s32 v18, v30;
	v28 =	vld [tilespmem:s28+$0xFFFFFFA0];
	_ =	sdelay $0x4  }
0xa0: {  	[tilespmem:v29+s19+$0x0] =	vst.idx.msk $0xffff, v28  }
0xa1: {  	v29 =	vadd.s32 v19, v30;
	v28 =	vld [tilespmem:s28+$0xFFFFFFB0];
	_ =	sdelay $0x2  }
0xa2: {  	s1 =	sadd.s32 $0x1, s29  }
0xa3: {  	v30 =	vmov s1  }
0xa4: {  	[tilespmem:v29+s19+$0x0] =	vst.idx.msk $0xffff, v28;
	v28 =	vand.u32 $0x7D, v30  }
0xa5: {  	v29 =	vld [tilespmem:s28+$0xFFFFFFC0];
	v30 =	vadd.s32 v11, v28;
	_ =	sdelay $0x4  }
0xa6: {  	[tilespmem:v30+s19+$0x0] =	vst.idx.msk $0xffff, v29  }
0xa7: {  	v30 =	vadd.s32 v17, v28;
	v29 =	vld [tilespmem:s28+$0xFFFFFFD0];
	_ =	sdelay $0x4  }
0xa8: {  	[tilespmem:v30+s19+$0x0] =	vst.idx.msk $0xffff, v29  }
0xa9: {  	v30 =	vadd.s32 v18, v28;
	v29 =	vld [tilespmem:s28+$0xFFFFFFE0];
	_ =	sdelay $0x4  }
0xaa: {  	[tilespmem:v30+s19+$0x0] =	vst.idx.msk $0xffff, v29  }
0xab: {  	v28 =	vadd.s32 v19, v28;
	v29 =	vld [tilespmem:s28+$0xFFFFFFF0];
	_ =	sdelay $0x2  }
0xac: {  	s1 =	sadd.s32 $0x2, s29  }
0xad: {  	v30 =	vmov s1  }
0xae: {  	[tilespmem:v28+s19+$0x0] =	vst.idx.msk $0xffff, v29;
	v28 =	vand.u32 $0x7E, v30  }
0xaf: {  	v29 =	vld [tilespmem:s28+$0x0];
	v30 =	vadd.s32 v11, v28;
	_ =	sdelay $0x4  }
0xb0: {  	[tilespmem:v30+s19+$0x0] =	vst.idx.msk $0xffff, v29  }
0xb1: {  	v30 =	vadd.s32 v17, v28;
	v29 =	vld [tilespmem:s28+$0x10];
	_ =	sdelay $0x4  }
0xb2: {  	[tilespmem:v30+s19+$0x0] =	vst.idx.msk $0xffff, v29  }
0xb3: {  	v30 =	vadd.s32 v18, v28;
	v29 =	vld [tilespmem:s28+$0x20];
	_ =	sdelay $0x4  }
0xb4: {  	[tilespmem:v30+s19+$0x0] =	vst.idx.msk $0xffff, v29  }
0xb5: {  	v28 =	vadd.s32 v19, v28;
	v29 =	vld [tilespmem:s28+$0x30];
	_ =	sdelay $0x2  }
0xb6: {  	s1 =	sadd.s32 $0x3, s29;
	s29 =	smov.u32 s30  }
0xb7: {  	v30 =	vmov s1  }
0xb8: {  	[tilespmem:v28+s19+$0x0] =	vst.idx.msk $0xffff, v29;
	v29 =	vand.u32 $0x7F, v30  }
0xb9: {  	v28 =	vld [tilespmem:s28+$0x40];
	v30 =	vadd.s32 v11, v29;
	_ =	sdelay $0x4  }
0xba: {  	[tilespmem:v30+s19+$0x0] =	vst.idx.msk $0xffff, v28  }
0xbb: {  	v30 =	vadd.s32 v17, v29;
	v28 =	vld [tilespmem:s28+$0x50];
	_ =	sdelay $0x4  }
0xbc: {  	[tilespmem:v30+s19+$0x0] =	vst.idx.msk $0xffff, v28  }
0xbd: {  	v30 =	vadd.s32 v18, v29;
	v28 =	vld [tilespmem:s28+$0x60];
	_ =	sdelay $0x4  }
0xbe: {  	[tilespmem:v30+s19+$0x0] =	vst.idx.msk $0xffff, v28  }
.Ltmp0:
0xbf: {  	v29 =	vadd.s32 v19, v29;
	v28 =	vld [tilespmem:s28+$0x70];
	(pc) =	sbr.rel @p0 .LBB2_3-.Ltmp0, $2  }
0xc0: {  	_ =	sdelay $0x2  }
0xc1: {  	s30 =	sadd.s32 $0x4, s30;
	v30 =	vmov s29  }
0xc2: {  	_ =	sdelay $0x3  }
0xc3: {  	v30 =	vand.u32 $0x7C, v30;
	[tilespmem:v29+s19+$0x0] =	vst.idx.msk $0xffff, v28;
	s1 =	sadd.s32 $0x100, s28  }
0xc4: {  	v28 =	vld [tilespmem:s1+$0xFFFFFF80];
	v42 =	vadd.s32 v11, v30;
	_ =	sdelay $0x4  }
0xc5: {  	[tilespmem:v42+s19+$0x0] =	vst.idx.msk $0xffff, v28  }
0xc6: {  	v43 =	vadd.s32 v17, v30;
	v28 =	vld [tilespmem:s1+$0xFFFFFF90];
	_ =	sdelay $0x4  }
0xc7: {  	[tilespmem:v43+s19+$0x0] =	vst.idx.msk $0xffff, v28  }
0xc8: {  	v44 =	vadd.s32 v18, v30;
	v28 =	vld [tilespmem:s1+$0xFFFFFFA0];
	_ =	sdelay $0x4  }
0xc9: {  	[tilespmem:v44+s19+$0x0] =	vst.idx.msk $0xffff, v28  }
0xca: {  	v45 =	vadd.s32 v19, v30;
	v28 =	vld [tilespmem:s1+$0xFFFFFFB0];
	_ =	sdelay $0x2  }
0xcb: {  	s28 =	sadd.s32 $0x1, s29  }
0xcc: {  	v46 =	vmov s28  }
0xcd: {  	v47 =	vand.u32 $0x7D, v46;
	[tilespmem:v45+s19+$0x0] =	vst.idx.msk $0xffff, v28  }
0xce: {  	v30 =	vadd.s32 v11, v47;
	v29 =	vld [tilespmem:s1+$0xFFFFFFC0];
	_ =	sdelay $0x4  }
0xcf: {  	[tilespmem:v30+s19+$0x0] =	vst.idx.msk $0xffff, v29  }
0xd0: {  	v48 =	vadd.s32 v17, v47;
	v29 =	vld [tilespmem:s1+$0xFFFFFFD0];
	_ =	sdelay $0x4  }
0xd1: {  	[tilespmem:v48+s19+$0x0] =	vst.idx.msk $0xffff, v29  }
0xd2: {  	v49 =	vadd.s32 v18, v47;
	v29 =	vld [tilespmem:s1+$0xFFFFFFE0];
	_ =	sdelay $0x4  }
0xd3: {  	[tilespmem:v49+s19+$0x0] =	vst.idx.msk $0xffff, v29  }
0xd4: {  	v28 =	vadd.s32 v19, v47;
	v29 =	vld [tilespmem:s1+$0xFFFFFFF0];
	_ =	sdelay $0x2  }
0xd5: {  	s28 =	sadd.s32 $0x2, s29  }
0xd6: {  	v50 =	vmov s28  }
0xd7: {  	v51 =	vand.u32 $0x7E, v50;
	[tilespmem:v28+s19+$0x0] =	vst.idx.msk $0xffff, v29  }
0xd8: {  	v30 =	vadd.s32 v11, v51;
	v29 =	vld [tilespmem:s1+$0x0];
	_ =	sdelay $0x4  }
0xd9: {  	[tilespmem:v30+s19+$0x0] =	vst.idx.msk $0xffff, v29  }
0xda: {  	v52 =	vadd.s32 v17, v51;
	v29 =	vld [tilespmem:s1+$0x10];
	_ =	sdelay $0x4  }
0xdb: {  	[tilespmem:v52+s19+$0x0] =	vst.idx.msk $0xffff, v29  }
0xdc: {  	v53 =	vadd.s32 v18, v51;
	v29 =	vld [tilespmem:s1+$0x20];
	_ =	sdelay $0x4  }
0xdd: {  	[tilespmem:v53+s19+$0x0] =	vst.idx.msk $0xffff, v29  }
0xde: {  	v28 =	vadd.s32 v19, v51;
	v29 =	vld [tilespmem:s1+$0x30];
	_ =	sdelay $0x2  }
0xdf: {  	s28 =	sadd.s32 $0x3, s29  }
0xe0: {  	v54 =	vmov s28  }
0xe1: {  	v55 =	vand.u32 $0x7F, v54;
	[tilespmem:v28+s19+$0x0] =	vst.idx.msk $0xffff, v29  }
0xe2: {  	v30 =	vadd.s32 v11, v55;
	v29 =	vld [tilespmem:s1+$0x40];
	_ =	sdelay $0x4  }
0xe3: {  	[tilespmem:v30+s19+$0x0] =	vst.idx.msk $0xffff, v29  }
0xe4: {  	v56 =	vadd.s32 v17, v55;
	v29 =	vld [tilespmem:s1+$0x50];
	_ =	sdelay $0x4  }
0xe5: {  	[tilespmem:v56+s19+$0x0] =	vst.idx.msk $0xffff, v29  }
0xe6: {  	v57 =	vadd.s32 v18, v55;
	v29 =	vld [tilespmem:s1+$0x60];
	_ =	sdelay $0x4  }
0xe7: {  	[tilespmem:v57+s19+$0x0] =	vst.idx.msk $0xffff, v29  }
0xe8: {  	v28 =	vadd.s32 v19, v55;
	v29 =	vld [tilespmem:s1+$0x70];
	_ =	sdelay $0x4  }
0xe9: {  	s28 =	simm.s32 $0x86F0;
	[tilespmem:v28+s19+$0x0] =	vst.idx.msk $0xffff, v29  }
0xea: {  	v58 =	vadd.s32 v20, v24;
	v28 =	vld [tilespmem:s28+$0xFFFFFF10];
	_ =	sdelay $0x4  }
0xeb: {  	[tilespmem:v58+s19+$0x0] =	vst.idx.msk $0xffff, v28  }
0xec: {  	v59 =	vadd.s32 v21, v24;
	v28 =	vld [tilespmem:s28+$0xFFFFFF20];
	_ =	sdelay $0x4  }
0xed: {  	[tilespmem:v59+s19+$0x0] =	vst.idx.msk $0xffff, v28  }
0xee: {  	v60 =	vadd.s32 v22, v24;
	v28 =	vld [tilespmem:s28+$0xFFFFFF30];
	_ =	sdelay $0x4  }
0xef: {  	[tilespmem:v60+s19+$0x0] =	vst.idx.msk $0xffff, v28  }
0xf0: {  	v24 =	vadd.s32 v23, v24;
	v28 =	vld [tilespmem:s28+$0xFFFFFF40];
	_ =	sdelay $0x4  }
0xf1: {  	[tilespmem:v24+s19+$0x0] =	vst.idx.msk $0xffff, v28  }
0xf2: {  	v61 =	vadd.s32 v20, v25;
	v24 =	vld [tilespmem:s28+$0xFFFFFF50];
	_ =	sdelay $0x4  }
0xf3: {  	[tilespmem:v61+s19+$0x0] =	vst.idx.msk $0xffff, v24  }
0xf4: {  	v62 =	vadd.s32 v21, v25;
	v24 =	vld [tilespmem:s28+$0xFFFFFF60];
	_ =	sdelay $0x4  }
0xf5: {  	[tilespmem:v62+s19+$0x0] =	vst.idx.msk $0xffff, v24  }
0xf6: {  	v63 =	vadd.s32 v22, v25;
	v24 =	vld [tilespmem:s28+$0xFFFFFF70];
	_ =	sdelay $0x4  }
0xf7: {  	[tilespmem:v63+s19+$0x0] =	vst.idx.msk $0xffff, v24  }
0xf8: {  	v25 =	vadd.s32 v23, v25;
	v24 =	vld [tilespmem:s28+$0xFFFFFF80];
	_ =	sdelay $0x4  }
0xf9: {  	[tilespmem:v25+s19+$0x0] =	vst.idx.msk $0xffff, v24  }
0xfa: {  	v25 =	vadd.s32 v20, v26;
	v24 =	vld [tilespmem:s28+$0xFFFFFF90];
	_ =	sdelay $0x4  }
0xfb: {  	[tilespmem:v25+s19+$0x0] =	vst.idx.msk $0xffff, v24  }
0xfc: {  	v25 =	vadd.s32 v21, v26;
	v24 =	vld [tilespmem:s28+$0xFFFFFFA0];
	_ =	sdelay $0x4  }
0xfd: {  	[tilespmem:v25+s19+$0x0] =	vst.idx.msk $0xffff, v24  }
0xfe: {  	v25 =	vadd.s32 v22, v26;
	v24 =	vld [tilespmem:s28+$0xFFFFFFB0];
	_ =	sdelay $0x4  }
0xff: {  	[tilespmem:v25+s19+$0x0] =	vst.idx.msk $0xffff, v24  }
0x100: {  	v25 =	vadd.s32 v23, v26;
	v24 =	vld [tilespmem:s28+$0xFFFFFFC0];
	_ =	sdelay $0x4  }
0x101: {  	[tilespmem:v25+s19+$0x0] =	vst.idx.msk $0xffff, v24  }
0x102: {  	v25 =	vadd.s32 v20, v27;
	v24 =	vld [tilespmem:s28+$0xFFFFFFD0];
	_ =	sdelay $0x4  }
0x103: {  	[tilespmem:v25+s19+$0x0] =	vst.idx.msk $0xffff, v24  }
0x104: {  	v25 =	vadd.s32 v21, v27;
	v24 =	vld [tilespmem:s28+$0xFFFFFFE0];
	_ =	sdelay $0x4  }
0x105: {  	[tilespmem:v25+s19+$0x0] =	vst.idx.msk $0xffff, v24  }
0x106: {  	v25 =	vadd.s32 v22, v27;
	v24 =	vld [tilespmem:s28+$0xFFFFFFF0];
	_ =	sdelay $0x4  }
0x107: {  	[tilespmem:v25+s19+$0x0] =	vst.idx.msk $0xffff, v24  }
0x108: {  	v25 =	vadd.s32 v23, v27;
	v24 =	vld [tilespmem:s28+$0x0];
	_ =	sdelay $0x3  }
0x109: {  	s29 =	simm.s32 $0x8;
	v26 =	vmov s26  }
.LBB2_5:
0x10a: {  	p0 =	sne.s32 s29, $0x7C;
	v26 =	vand.u32 $0x7C, v26;
	[tilespmem:v25+s19+$0x0] =	vst.idx.msk $0xffff, v24;
	s28 =	sadd.s32 $0x100, s28  }
0x10b: {  	v24 =	vld [tilespmem:s28+$0xFFFFFF10];
	v25 =	vadd.s32 v20, v26;
	_ =	sdelay $0x4  }
0x10c: {  	[tilespmem:v25+s19+$0x0] =	vst.idx.msk $0xffff, v24  }
0x10d: {  	v25 =	vadd.s32 v21, v26;
	v24 =	vld [tilespmem:s28+$0xFFFFFF20];
	_ =	sdelay $0x4  }
0x10e: {  	[tilespmem:v25+s19+$0x0] =	vst.idx.msk $0xffff, v24  }
0x10f: {  	v25 =	vadd.s32 v22, v26;
	v24 =	vld [tilespmem:s28+$0xFFFFFF30];
	_ =	sdelay $0x4  }
0x110: {  	[tilespmem:v25+s19+$0x0] =	vst.idx.msk $0xffff, v24  }
0x111: {  	v25 =	vadd.s32 v23, v26;
	v24 =	vld [tilespmem:s28+$0xFFFFFF40];
	_ =	sdelay $0x2  }
0x112: {  	s1 =	sadd.s32 $0x1, s26  }
0x113: {  	v26 =	vmov s1  }
0x114: {  	[tilespmem:v25+s19+$0x0] =	vst.idx.msk $0xffff, v24;
	v24 =	vand.u32 $0x7D, v26  }
0x115: {  	v25 =	vld [tilespmem:s28+$0xFFFFFF50];
	v26 =	vadd.s32 v20, v24;
	_ =	sdelay $0x4  }
0x116: {  	[tilespmem:v26+s19+$0x0] =	vst.idx.msk $0xffff, v25  }
0x117: {  	v26 =	vadd.s32 v21, v24;
	v25 =	vld [tilespmem:s28+$0xFFFFFF60];
	_ =	sdelay $0x4  }
0x118: {  	[tilespmem:v26+s19+$0x0] =	vst.idx.msk $0xffff, v25  }
0x119: {  	v26 =	vadd.s32 v22, v24;
	v25 =	vld [tilespmem:s28+$0xFFFFFF70];
	_ =	sdelay $0x4  }
0x11a: {  	[tilespmem:v26+s19+$0x0] =	vst.idx.msk $0xffff, v25  }
0x11b: {  	v24 =	vadd.s32 v23, v24;
	v25 =	vld [tilespmem:s28+$0xFFFFFF80];
	_ =	sdelay $0x2  }
0x11c: {  	s1 =	sadd.s32 $0x2, s26  }
0x11d: {  	v26 =	vmov s1  }
0x11e: {  	[tilespmem:v24+s19+$0x0] =	vst.idx.msk $0xffff, v25;
	v24 =	vand.u32 $0x7E, v26  }
0x11f: {  	v25 =	vld [tilespmem:s28+$0xFFFFFF90];
	v26 =	vadd.s32 v20, v24;
	_ =	sdelay $0x4  }
0x120: {  	[tilespmem:v26+s19+$0x0] =	vst.idx.msk $0xffff, v25  }
0x121: {  	v26 =	vadd.s32 v21, v24;
	v25 =	vld [tilespmem:s28+$0xFFFFFFA0];
	_ =	sdelay $0x4  }
0x122: {  	[tilespmem:v26+s19+$0x0] =	vst.idx.msk $0xffff, v25  }
0x123: {  	v26 =	vadd.s32 v22, v24;
	v25 =	vld [tilespmem:s28+$0xFFFFFFB0];
	_ =	sdelay $0x4  }
0x124: {  	[tilespmem:v26+s19+$0x0] =	vst.idx.msk $0xffff, v25  }
0x125: {  	v24 =	vadd.s32 v23, v24;
	v25 =	vld [tilespmem:s28+$0xFFFFFFC0];
	_ =	sdelay $0x2  }
0x126: {  	s1 =	sadd.s32 $0x3, s26;
	s26 =	smov.u32 s29  }
0x127: {  	v26 =	vmov s1  }
0x128: {  	[tilespmem:v24+s19+$0x0] =	vst.idx.msk $0xffff, v25;
	v25 =	vand.u32 $0x7F, v26  }
0x129: {  	v24 =	vld [tilespmem:s28+$0xFFFFFFD0];
	v26 =	vadd.s32 v20, v25;
	_ =	sdelay $0x4  }
0x12a: {  	[tilespmem:v26+s19+$0x0] =	vst.idx.msk $0xffff, v24  }
0x12b: {  	v26 =	vadd.s32 v21, v25;
	v24 =	vld [tilespmem:s28+$0xFFFFFFE0];
	_ =	sdelay $0x4  }
0x12c: {  	[tilespmem:v26+s19+$0x0] =	vst.idx.msk $0xffff, v24  }
0x12d: {  	v26 =	vadd.s32 v22, v25;
	v24 =	vld [tilespmem:s28+$0xFFFFFFF0];
	_ =	sdelay $0x4  }
0x12e: {  	[tilespmem:v26+s19+$0x0] =	vst.idx.msk $0xffff, v24  }
.Ltmp1:
0x12f: {  	v25 =	vadd.s32 v23, v25;
	v24 =	vld [tilespmem:s28+$0x0];
	(pc) =	sbr.rel @p0 .LBB2_5-.Ltmp1, $2  }
0x130: {  	_ =	sdelay $0x2  }
0x131: {  	s29 =	sadd.s32 $0x4, s29;
	v26 =	vmov s26  }
0x132: {  	_ =	sdelay $0x3  }
0x133: {  	v26 =	vand.u32 $0x7C, v26;
	[tilespmem:v25+s19+$0x0] =	vst.idx.msk $0xffff, v24;
	s1 =	sadd.s32 $0x100, s28  }
0x134: {  	v24 =	vld [tilespmem:s1+$0xFFFFFF10];
	v48 =	vadd.s32 v20, v26;
	_ =	sdelay $0x4  }
0x135: {  	[tilespmem:v48+s19+$0x0] =	vst.idx.msk $0xffff, v24  }
0x136: {  	v49 =	vadd.s32 v21, v26;
	v24 =	vld [tilespmem:s1+$0xFFFFFF20];
	_ =	sdelay $0x4  }
0x137: {  	[tilespmem:v49+s19+$0x0] =	vst.idx.msk $0xffff, v24  }
0x138: {  	v50 =	vadd.s32 v22, v26;
	v24 =	vld [tilespmem:s1+$0xFFFFFF30];
	_ =	sdelay $0x4  }
0x139: {  	[tilespmem:v50+s19+$0x0] =	vst.idx.msk $0xffff, v24  }
0x13a: {  	v51 =	vadd.s32 v23, v26;
	v24 =	vld [tilespmem:s1+$0xFFFFFF40];
	_ =	sdelay $0x2  }
0x13b: {  	s28 =	sadd.s32 $0x1, s26  }
0x13c: {  	v52 =	vmov s28  }
0x13d: {  	v53 =	vand.u32 $0x7D, v52;
	[tilespmem:v51+s19+$0x0] =	vst.idx.msk $0xffff, v24  }
0x13e: {  	v26 =	vadd.s32 v20, v53;
	v25 =	vld [tilespmem:s1+$0xFFFFFF50];
	_ =	sdelay $0x4  }
0x13f: {  	[tilespmem:v26+s19+$0x0] =	vst.idx.msk $0xffff, v25  }
0x140: {  	v54 =	vadd.s32 v21, v53;
	v25 =	vld [tilespmem:s1+$0xFFFFFF60];
	_ =	sdelay $0x4  }
0x141: {  	[tilespmem:v54+s19+$0x0] =	vst.idx.msk $0xffff, v25  }
0x142: {  	v55 =	vadd.s32 v22, v53;
	v25 =	vld [tilespmem:s1+$0xFFFFFF70];
	_ =	sdelay $0x4  }
0x143: {  	[tilespmem:v55+s19+$0x0] =	vst.idx.msk $0xffff, v25  }
0x144: {  	v24 =	vadd.s32 v23, v53;
	v25 =	vld [tilespmem:s1+$0xFFFFFF80];
	_ =	sdelay $0x2  }
0x145: {  	s28 =	sadd.s32 $0x2, s26  }
0x146: {  	v56 =	vmov s28  }
0x147: {  	v57 =	vand.u32 $0x7E, v56;
	[tilespmem:v24+s19+$0x0] =	vst.idx.msk $0xffff, v25  }
0x148: {  	v26 =	vadd.s32 v20, v57;
	v25 =	vld [tilespmem:s1+$0xFFFFFF90];
	_ =	sdelay $0x4  }
0x149: {  	[tilespmem:v26+s19+$0x0] =	vst.idx.msk $0xffff, v25  }
0x14a: {  	v58 =	vadd.s32 v21, v57;
	v25 =	vld [tilespmem:s1+$0xFFFFFFA0];
	_ =	sdelay $0x4  }
0x14b: {  	[tilespmem:v58+s19+$0x0] =	vst.idx.msk $0xffff, v25  }
0x14c: {  	v59 =	vadd.s32 v22, v57;
	v25 =	vld [tilespmem:s1+$0xFFFFFFB0];
	_ =	sdelay $0x4  }
0x14d: {  	[tilespmem:v59+s19+$0x0] =	vst.idx.msk $0xffff, v25  }
0x14e: {  	v24 =	vadd.s32 v23, v57;
	v25 =	vld [tilespmem:s1+$0xFFFFFFC0];
	_ =	sdelay $0x2  }
0x14f: {  	s0 =	sadd.s32 $0x3, s26  }
0x150: {  	v60 =	vmov s0  }
0x151: {  	v61 =	vand.u32 $0x7F, v60;
	[tilespmem:v24+s19+$0x0] =	vst.idx.msk $0xffff, v25  }
0x152: {  	v26 =	vadd.s32 v20, v61;
	v25 =	vld [tilespmem:s1+$0xFFFFFFD0];
	_ =	sdelay $0x4  }
0x153: {  	[tilespmem:v26+s19+$0x0] =	vst.idx.msk $0xffff, v25  }
0x154: {  	v62 =	vadd.s32 v21, v61;
	v25 =	vld [tilespmem:s1+$0xFFFFFFE0];
	_ =	sdelay $0x4  }
0x155: {  	[tilespmem:v62+s19+$0x0] =	vst.idx.msk $0xffff, v25  }
0x156: {  	v63 =	vadd.s32 v22, v61;
	v25 =	vld [tilespmem:s1+$0xFFFFFFF0]  }
0x157: {  	s0 =	smul.u32 $0x29, s25;
	_ =	sdelay $0x1  }
0x158: {  	s26 =	sshrl.u32 s0, $0xA  }
0x159: {  	s26 =	sand.u32 $0x3F, s26  }
0x15a: {  	s28 =	smul.u32 $0x7E7, s26;
	[tilespmem:v63+s19+$0x0] =	vst.idx.msk $0xffff, v25  }
0x15b: {  	v24 =	vadd.s32 v23, v61;
	v25 =	vld [tilespmem:s1+$0x0]  }
0x15c: {  	s26 =	sadd.s32 s26, s6;
	s0 =	sadd.s32 s25, s28  }
0x15d: {  	s26 =	sshll.u32 s26, $0xA;
	s1 =	sshll.u32 s0, $0x15  }
0x15e: {  	s1 =	sor.u32 s26, s1  }
0x15f: {  	s26 =	sshrl.u32 s1, $0x3  }
0x160: {  	s0 =	simm.s32 $0xE600;
	s29 =	sadd.s32 s2, s26;
	[tilespmem:v24+s19+$0x0] =	vst.idx.msk $0xffff, v25  }
0x161: {  	[hbm4b:s29+s3] =	stream.linear.scatter [tilespmem:s0], [sflag:$0x3], $0x80, $0x38;
	[tilespmem:$0x12A00] =	vst v63  }
0x162: {  	s28 =	sadd.s32 $0x10, s29;
	s0 =	simm.s32 $0xE688  }
0x163: {  	[hbm4b:s28+s3] =	stream.linear.scatter [tilespmem:s0], [sflag:$0x3], $0x80, $0x38;
	[tilespmem:$0x12A00] =	vst v63  }
0x164: {  	s0 =	simm.s32 $0xE710;
	s28 =	sadd.s32 $0x20, s29  }
0x165: {  	[hbm4b:s28+s3] =	stream.linear.scatter [tilespmem:s0], [sflag:$0x3], $0x80, $0x38;
	[tilespmem:$0x12A00] =	vst v63  }
0x166: {  	s0 =	simm.s32 $0xE798;
	s28 =	sadd.s32 $0x30, s29  }
0x167: {  	[hbm4b:s28+s3] =	stream.linear.scatter [tilespmem:s0], [sflag:$0x3], $0x80, $0x38;
	[tilespmem:$0x12A00] =	vst v63  }
0x168: {  	s0 =	simm.s32 $0xE820;
	s28 =	sadd.s32 $0x40, s29  }
0x169: {  	[hbm4b:s28+s3] =	stream.linear.scatter [tilespmem:s0], [sflag:$0x3], $0x80, $0x38;
	[tilespmem:$0x12A00] =	vst v63  }
0x16a: {  	s30 =	simm.s32 $0x2200;
	s0 =	simm.s32 $0xE8A8;
	s28 =	sadd.s32 $0x50, s29  }
0x16b: {  	[hbm4b:s28+s3] =	stream.linear.scatter [tilespmem:s0], [sflag:$0x3], $0x80, $0x38;
	[tilespmem:$0x12A00] =	vst v63  }
0x16c: {  	s31 =	simm.s32 $0xE9B8;
	s0 =	simm.s32 $0xE930;
	s28 =	sadd.s32 $0x60, s29  }
0x16d: {  	[hbm4b:s28+s3] =	stream.linear.scatter [tilespmem:s0], [sflag:$0x3], $0x80, $0x38;
	[tilespmem:$0x12A00] =	vst v63  }
0x16e: {  	s1 =	sadd.s32 $0x70, s29;
	s29 =	sadd.s32 $0x4000, s29;
	s28 =	simm.s32 $0x440  }
.LBB2_7:
0x16f: {  	[hbm4b:s1+s3] =	stream.linear.scatter [tilespmem:s31], [sflag:$0x3], $0x80, $0x38;
	[tilespmem:$0x12A00] =	vst v63  }
0x170: {  	s1 =	smov.u32 s28;
	s28 =	smov.u32 s30  }
0x171: {  	s0 =	sadd.s32 $0x1100, s30;
	s28 =	sshra.s32 s28, $0x2;
	s31 =	sadd.s32 $0xE600, s1  }
0x172: {  	[hbm4b:s29+s3] =	stream.linear.scatter [tilespmem:s31], [sflag:$0x3], $0x80, $0x38;
	[tilespmem:$0x12A00] =	vst v63  }
0x173: {  	p0 =	sne.s32 s30, $0x7700;
	s30 =	sadd.s32 $0xE688, s1;
	s31 =	sadd.s32 $0x10, s29  }
0x174: {  	[hbm4b:s31+s3] =	stream.linear.scatter [tilespmem:s30], [sflag:$0x3], $0x80, $0x38;
	[tilespmem:$0x12A00] =	vst v63  }
0x175: {  	s30 =	sadd.s32 $0xE710, s1;
	s31 =	sadd.s32 $0x20, s29  }
0x176: {  	[hbm4b:s31+s3] =	stream.linear.scatter [tilespmem:s30], [sflag:$0x3], $0x80, $0x38;
	[tilespmem:$0x12A00] =	vst v63  }
0x177: {  	s30 =	sadd.s32 $0xE798, s1;
	s31 =	sadd.s32 $0x30, s29  }
0x178: {  	[hbm4b:s31+s3] =	stream.linear.scatter [tilespmem:s30], [sflag:$0x3], $0x80, $0x38;
	[tilespmem:$0x12A00] =	vst v63  }
0x179: {  	s30 =	sadd.s32 $0xE820, s1;
	s31 =	sadd.s32 $0x40, s29  }
0x17a: {  	[hbm4b:s31+s3] =	stream.linear.scatter [tilespmem:s30], [sflag:$0x3], $0x80, $0x38;
	[tilespmem:$0x12A00] =	vst v63  }
0x17b: {  	s30 =	sadd.s32 $0xE8A8, s1;
	s31 =	sadd.s32 $0x50, s29  }
0x17c: {  	[hbm4b:s31+s3] =	stream.linear.scatter [tilespmem:s30], [sflag:$0x3], $0x80, $0x38;
	[tilespmem:$0x12A00] =	vst v63  }
.Ltmp2:
0x17d: {  	_ = 	snop;
	(pc) =	sbr.rel @p0 .LBB2_7-.Ltmp2, $4  }
0x17e: {  	s30 =	sadd.s32 $0xE930, s1;
	s31 =	sadd.s32 $0x60, s29  }
0x17f: {  	[hbm4b:s31+s3] =	stream.linear.scatter [tilespmem:s30], [sflag:$0x3], $0x80, $0x38;
	[tilespmem:$0x12A00] =	vst v63  }
0x180: {  	s31 =	sadd.s32 $0xE9B8, s1  }
0x181: {  	s1 =	sadd.s32 $0x70, s29;
	s29 =	sadd.s32 $0x4000, s29;
	s30 =	smov.u32 s0  }
0x182: {  	[hbm4b:s1+s3] =	stream.linear.scatter [tilespmem:s31], [sflag:$0x3], $0x80, $0x38;
	[tilespmem:$0x12A00] =	vst v63  }
0x183: {  	s0 =	sadd.s32 $0xE600, s28  }
0x184: {  	[hbm4b:s29+s3] =	stream.linear.scatter [tilespmem:s0], [sflag:$0x3], $0x80, $0x38;
	[tilespmem:$0x12A00] =	vst v63  }
0x185: {  	s1 =	sadd.s32 $0xE688, s28;
	s31 =	sadd.s32 $0x10, s29  }
0x186: {  	[hbm4b:s31+s3] =	stream.linear.scatter [tilespmem:s1], [sflag:$0x3], $0x80, $0x38;
	[tilespmem:$0x12A00] =	vst v63  }
0x187: {  	s1 =	sadd.s32 $0xE710, s28;
	s31 =	sadd.s32 $0x20, s29  }
0x188: {  	[hbm4b:s31+s3] =	stream.linear.scatter [tilespmem:s1], [sflag:$0x3], $0x80, $0x38;
	[tilespmem:$0x12A00] =	vst v63  }
0x189: {  	s1 =	sadd.s32 $0xE798, s28;
	s31 =	sadd.s32 $0x30, s29  }
0x18a: {  	[hbm4b:s31+s3] =	stream.linear.scatter [tilespmem:s1], [sflag:$0x3], $0x80, $0x38;
	[tilespmem:$0x12A00] =	vst v63  }
0x18b: {  	s1 =	sadd.s32 $0xE820, s28;
	s31 =	sadd.s32 $0x40, s29  }
0x18c: {  	[hbm4b:s31+s3] =	stream.linear.scatter [tilespmem:s1], [sflag:$0x3], $0x80, $0x38;
	[tilespmem:$0x12A00] =	vst v63  }
0x18d: {  	s1 =	sadd.s32 $0xE8A8, s28;
	s31 =	sadd.s32 $0x50, s29  }
0x18e: {  	[hbm4b:s31+s3] =	stream.linear.scatter [tilespmem:s1], [sflag:$0x3], $0x80, $0x38;
	[tilespmem:$0x12A00] =	vst v63  }
0x18f: {  	s1 =	sadd.s32 $0xE930, s28;
	s31 =	sadd.s32 $0x60, s29  }
0x190: {  	[hbm4b:s31+s3] =	stream.linear.scatter [tilespmem:s1], [sflag:$0x3], $0x80, $0x38;
	[tilespmem:$0x12A00] =	vst v63  }
0x191: {  	s1 =	sadd.s32 $0xE9B8, s28;
	s31 =	sadd.s32 $0x70, s29  }
0x192: {  	[hbm4b:s31+s3] =	stream.linear.scatter [tilespmem:s1], [sflag:$0x3], $0x80, $0x38;
	[tilespmem:$0x12A00] =	vst v63  }
0x193: {  	_ =	swait.ge [sflag:s8], $0x2000  }
0x194: {  	s26 =	sor.u32 $0x20000, s26;
	[sflag:s8] =	ssyncset.done $0x0  }
0x195: {  	s0 =	sadd.s32 s2, s26;
	s31 =	simm.s32 $0x10800;
	[sflag:s8] =	ssyncadd.s32 $0xFFFFE000  }
0x196: {  	[hbm4b:s0+s3] =	stream.linear.scatter [tilespmem:s31], [sflag:$0x3], $0x80, $0x38;
	[tilespmem:$0x12A00] =	vst v63  }
0x197: {  	s26 =	simm.s32 $0x10888;
	s31 =	sadd.s32 $0x10, s0  }
0x198: {  	[hbm4b:s31+s3] =	stream.linear.scatter [tilespmem:s26], [sflag:$0x3], $0x80, $0x38;
	[tilespmem:$0x12A00] =	vst v63  }
0x199: {  	s26 =	simm.s32 $0x10910;
	s31 =	sadd.s32 $0x20, s0  }
0x19a: {  	[hbm4b:s31+s3] =	stream.linear.scatter [tilespmem:s26], [sflag:$0x3], $0x80, $0x38;
	[tilespmem:$0x12A00] =	vst v63  }
0x19b: {  	s26 =	simm.s32 $0x10998;
	s31 =	sadd.s32 $0x30, s0  }
0x19c: {  	[hbm4b:s31+s3] =	stream.linear.scatter [tilespmem:s26], [sflag:$0x3], $0x80, $0x38;
	[tilespmem:$0x12A00] =	vst v63  }
0x19d: {  	s26 =	simm.s32 $0x10A20;
	s31 =	sadd.s32 $0x40, s0  }
0x19e: {  	[hbm4b:s31+s3] =	stream.linear.scatter [tilespmem:s26], [sflag:$0x3], $0x80, $0x38;
	[tilespmem:$0x12A00] =	vst v63  }
0x19f: {  	s30 =	simm.s32 $0x10BB8;
	s26 =	simm.s32 $0x10AA8;
	s31 =	sadd.s32 $0x50, s0  }
0x1a0: {  	[hbm4b:s31+s3] =	stream.linear.scatter [tilespmem:s26], [sflag:$0x3], $0x80, $0x38;
	[tilespmem:$0x12A00] =	vst v63  }
0x1a1: {  	s29 =	simm.s32 $0x2200;
	s26 =	simm.s32 $0x10B30;
	s31 =	sadd.s32 $0x60, s0  }
0x1a2: {  	[hbm4b:s31+s3] =	stream.linear.scatter [tilespmem:s26], [sflag:$0x3], $0x80, $0x38;
	[tilespmem:$0x12A00] =	vst v63  }
0x1a3: {  	s28 =	sadd.s32 $0x4000, s0;
	s1 =	sadd.s32 $0x70, s0;
	s26 =	simm.s32 $0x440  }
.LBB2_9:
0x1a4: {  	[hbm4b:s1+s3] =	stream.linear.scatter [tilespmem:s30], [sflag:$0x3], $0x80, $0x38;
	[tilespmem:$0x12A00] =	vst v63  }
0x1a5: {  	s0 =	smov.u32 s26;
	s1 =	smov.u32 s29  }
0x1a6: {  	s31 =	sadd.s32 $0x1100, s29;
	s26 =	sshra.s32 s1, $0x2;
	s1 =	sadd.s32 $0x10800, s0  }
0x1a7: {  	[hbm4b:s28+s3] =	stream.linear.scatter [tilespmem:s1], [sflag:$0x3], $0x80, $0x38;
	[tilespmem:$0x12A00] =	vst v63  }
0x1a8: {  	p0 =	sne.s32 s29, $0x7700;
	s29 =	sadd.s32 $0x10, s28;
	s1 =	sadd.s32 $0x10888, s0  }
0x1a9: {  	[hbm4b:s29+s3] =	stream.linear.scatter [tilespmem:s1], [sflag:$0x3], $0x80, $0x38;
	[tilespmem:$0x12A00] =	vst v63  }
0x1aa: {  	s1 =	sadd.s32 $0x10910, s0;
	s29 =	sadd.s32 $0x20, s28  }
0x1ab: {  	[hbm4b:s29+s3] =	stream.linear.scatter [tilespmem:s1], [sflag:$0x3], $0x80, $0x38;
	[tilespmem:$0x12A00] =	vst v63  }
0x1ac: {  	s1 =	sadd.s32 $0x10998, s0;
	s29 =	sadd.s32 $0x30, s28  }
0x1ad: {  	[hbm4b:s29+s3] =	stream.linear.scatter [tilespmem:s1], [sflag:$0x3], $0x80, $0x38;
	[tilespmem:$0x12A00] =	vst v63  }
0x1ae: {  	s1 =	sadd.s32 $0x10A20, s0;
	s29 =	sadd.s32 $0x40, s28  }
0x1af: {  	[hbm4b:s29+s3] =	stream.linear.scatter [tilespmem:s1], [sflag:$0x3], $0x80, $0x38;
	[tilespmem:$0x12A00] =	vst v63  }
.Ltmp3:
0x1b0: {  	s1 =	sadd.s32 $0x10AA8, s0;
	s29 =	sadd.s32 $0x50, s28;
	(pc) =	sbr.rel @p0 .LBB2_9-.Ltmp3, $4  }
0x1b1: {  	[hbm4b:s29+s3] =	stream.linear.scatter [tilespmem:s1], [sflag:$0x3], $0x80, $0x38;
	[tilespmem:$0x12A00] =	vst v63  }
0x1b2: {  	s30 =	sadd.s32 $0x10BB8, s0;
	s1 =	sadd.s32 $0x10B30, s0;
	s29 =	sadd.s32 $0x60, s28  }
0x1b3: {  	[hbm4b:s29+s3] =	stream.linear.scatter [tilespmem:s1], [sflag:$0x3], $0x80, $0x38;
	[tilespmem:$0x12A00] =	vst v63  }
0x1b4: {  	s1 =	sadd.s32 $0x70, s28;
	s28 =	sadd.s32 $0x4000, s28;
	s29 =	smov.u32 s31  }
0x1b5: {  	[hbm4b:s1+s3] =	stream.linear.scatter [tilespmem:s30], [sflag:$0x3], $0x80, $0x38;
	[tilespmem:$0x12A00] =	vst v63  }
0x1b6: {  	s0 =	sadd.s32 $0x10800, s26  }
0x1b7: {  	[hbm4b:s28+s3] =	stream.linear.scatter [tilespmem:s0], [sflag:$0x3], $0x80, $0x38;
	[tilespmem:$0x12A00] =	vst v63  }
0x1b8: {  	s30 =	sadd.s32 $0x10888, s26;
	s31 =	sadd.s32 $0x10, s28  }
0x1b9: {  	[hbm4b:s31+s3] =	stream.linear.scatter [tilespmem:s30], [sflag:$0x3], $0x80, $0x38;
	[tilespmem:$0x12A00] =	vst v63  }
0x1ba: {  	s1 =	sadd.s32 $0x10910, s26;
	s29 =	sadd.s32 $0x20, s28  }
0x1bb: {  	[hbm4b:s29+s3] =	stream.linear.scatter [tilespmem:s1], [sflag:$0x3], $0x80, $0x38;
	[tilespmem:$0x12A00] =	vst v63  }
0x1bc: {  	s30 =	sadd.s32 $0x10998, s26;
	s31 =	sadd.s32 $0x30, s28  }
0x1bd: {  	[hbm4b:s31+s3] =	stream.linear.scatter [tilespmem:s30], [sflag:$0x3], $0x80, $0x38;
	[tilespmem:$0x12A00] =	vst v63  }
0x1be: {  	s1 =	sadd.s32 $0x10A20, s26;
	s29 =	sadd.s32 $0x40, s28  }
0x1bf: {  	[hbm4b:s29+s3] =	stream.linear.scatter [tilespmem:s1], [sflag:$0x3], $0x80, $0x38;
	[tilespmem:$0x12A00] =	vst v63  }
0x1c0: {  	s30 =	sadd.s32 $0x10AA8, s26;
	s31 =	sadd.s32 $0x50, s28  }
0x1c1: {  	[hbm4b:s31+s3] =	stream.linear.scatter [tilespmem:s30], [sflag:$0x3], $0x80, $0x38;
	[tilespmem:$0x12A00] =	vst v63  }
0x1c2: {  	p0 =	seq.s32 s22, $0x31;
	s1 =	sadd.s32 $0x10B30, s26;
	s29 =	sadd.s32 $0x60, s28  }
0x1c3: {  	[hbm4b:s29+s3] =	stream.linear.scatter [tilespmem:s1], [sflag:$0x3], $0x80, $0x38;
	[tilespmem:$0x12A00] =	vst v63  }
.Ltmp4:
0x1c4: {  	s30 =	sadd.s32 $0x10BB8, s26;
	s31 =	sadd.s32 $0x70, s28;
	(pc) =	sbr.rel @p0 .LBB2_12-.Ltmp4, $4  }
0x1c5: {  	[hbm4b:s31+s3] =	stream.linear.scatter [tilespmem:s30], [sflag:$0x3], $0x80, $0x38;
	[tilespmem:$0x12A00] =	vst v63  }
0x1c6: {  	_ =	swait.ge [sflag:s8], $0x2000  }
0x1c7: {  	[sflag:s8] =	ssyncset.done $0x0  }
0x1c8: {  	[sflag:s8] =	ssyncadd.s32 $0xFFFFE000  }
0x1c9: {  	s0 =	sadd.s32 $0x2, s25  }
0x1ca: {  	s1 =	smulhi.u32 $0x51EB851F, s0;
	_ =	sdelay $0x1  }
0x1cb: {  	s1 =	sshrl.u32 s1, $0x3  }
0x1cc: {  	s31 =	smul.u32 $0x7FFFFFE7, s1;
	_ =	sdelay $0x1  }
0x1cd: {  	s1 =	smul.u32 $0x1900, s1;
	s0 =	sadd.s32 s0, s31  }
0x1ce: {  	s0 =	sshll.u32 s0, $0x1  }
0x1cf: {  	s0 =	sadd.s32 s1, s0  }
0x1d0: {  	v24 =	vadd.s32 s0, v0;
	_ =	sdelay $0x4  }
0x1d1: {  	v24 =	vld.idx.msk [tilespmem:v24+s3+$0x0], $0xffff  }
0x1d2: {  	v25 =	vadd.s32 s0, v1;
	_ =	sdelay $0x3  }
0x1d3: {  	[tilespmem:$0x6400] =	vst v24  }
0x1d4: {  	s1 =	sadd.s32 $0x320, s0;
	v24 =	vld.idx.msk [tilespmem:v25+s3+$0x0], $0xffff  }
0x1d5: {  	v50 =	vadd.s32 s1, v0;
	_ =	sdelay $0x3  }
0x1d6: {  	[tilespmem:$0x6480] =	vst v24  }
0x1d7: {  	v24 =	vld.idx.msk [tilespmem:v50+s3+$0x0], $0xffff  }
0x1d8: {  	v51 =	vadd.s32 s1, v1;
	_ =	sdelay $0x3  }
0x1d9: {  	[tilespmem:$0x6410] =	vst v24  }
0x1da: {  	s26 =	sadd.s32 $0x640, s0;
	v24 =	vld.idx.msk [tilespmem:v51+s3+$0x0], $0xffff  }
0x1db: {  	v52 =	vadd.s32 s26, v0;
	_ =	sdelay $0x3  }
0x1dc: {  	[tilespmem:$0x6490] =	vst v24  }
0x1dd: {  	v24 =	vld.idx.msk [tilespmem:v52+s3+$0x0], $0xffff  }
0x1de: {  	v53 =	vadd.s32 s26, v1;
	_ =	sdelay $0x3  }
0x1df: {  	[tilespmem:$0x6420] =	vst v24  }
0x1e0: {  	s28 =	sadd.s32 $0x960, s0;
	v24 =	vld.idx.msk [tilespmem:v53+s3+$0x0], $0xffff  }
0x1e1: {  	v54 =	vadd.s32 s28, v0;
	_ =	sdelay $0x3  }
0x1e2: {  	[tilespmem:$0x64A0] =	vst v24  }
0x1e3: {  	v24 =	vld.idx.msk [tilespmem:v54+s3+$0x0], $0xffff  }
0x1e4: {  	v55 =	vadd.s32 s28, v1;
	_ =	sdelay $0x3  }
0x1e5: {  	[tilespmem:$0x6430] =	vst v24  }
0x1e6: {  	s29 =	sadd.s32 $0xC80, s0;
	v24 =	vld.idx.msk [tilespmem:v55+s3+$0x0], $0xffff  }
0x1e7: {  	v56 =	vadd.s32 s29, v0;
	_ =	sdelay $0x3  }
0x1e8: {  	[tilespmem:$0x64B0] =	vst v24  }
0x1e9: {  	v24 =	vld.idx.msk [tilespmem:v56+s3+$0x0], $0xffff  }
0x1ea: {  	v57 =	vadd.s32 s29, v1;
	_ =	sdelay $0x3  }
0x1eb: {  	[tilespmem:$0x6440] =	vst v24  }
0x1ec: {  	s30 =	sadd.s32 $0xFA0, s0;
	v24 =	vld.idx.msk [tilespmem:v57+s3+$0x0], $0xffff  }
0x1ed: {  	v58 =	vadd.s32 s30, v0;
	_ =	sdelay $0x3  }
0x1ee: {  	[tilespmem:$0x64C0] =	vst v24  }
0x1ef: {  	v24 =	vld.idx.msk [tilespmem:v58+s3+$0x0], $0xffff  }
0x1f0: {  	v59 =	vadd.s32 s30, v1;
	_ =	sdelay $0x3  }
0x1f1: {  	[tilespmem:$0x6450] =	vst v24  }
0x1f2: {  	s31 =	sadd.s32 $0x12C0, s0;
	v24 =	vld.idx.msk [tilespmem:v59+s3+$0x0], $0xffff  }
0x1f3: {  	v60 =	vadd.s32 s31, v0;
	_ =	sdelay $0x3  }
0x1f4: {  	[tilespmem:$0x64D0] =	vst v24  }
0x1f5: {  	v24 =	vld.idx.msk [tilespmem:v60+s3+$0x0], $0xffff  }
0x1f6: {  	v61 =	vadd.s32 s31, v1;
	_ =	sdelay $0x3  }
0x1f7: {  	[tilespmem:$0x6460] =	vst v24  }
0x1f8: {  	s0 =	sadd.s32 $0x15E0, s0;
	v24 =	vld.idx.msk [tilespmem:v61+s3+$0x0], $0xffff  }
0x1f9: {  	v62 =	vadd.s32 s0, v0;
	_ =	sdelay $0x3  }
0x1fa: {  	[tilespmem:$0x64E0] =	vst v24  }
0x1fb: {  	v24 =	vld.idx.msk [tilespmem:v62+s3+$0x0], $0xffff  }
0x1fc: {  	v63 =	vadd.s32 s0, v1;
	_ =	sdelay $0x3  }
0x1fd: {  	[tilespmem:$0x6470] =	vst v24  }
0x1fe: {  	v24 =	vld.idx.msk [tilespmem:v63+s3+$0x0], $0xffff;
	_ =	sdelay $0x4  }
0x1ff: {  	[tilespmem:$0x64F0] =	vst v24  }
0x200: {  	[tilespmem:s11], [sflag:$0x1] =	stream.indirect.gather [hbm4b:s4+s9], $0x40, s10, s9, $0xb8;
	[tilespmem:$0x12A00] =	vst v63  }
0x201: {  	_ = 	snop  }
0x202: {  	[tilespmem:s13], [sflag:$0x1] =	stream.indirect.gather [hbm4b:s4+s9], $0x40, s12, s9, $0xb8;
	[tilespmem:$0x12A00] =	vst v63  }
.LBB2_12:
0x203: {  	_ =	swait.ge [sflag:s20], $0x4000;
	s0 =	simm.s32 $0x0  }
0x204: {  	[sflag:s20] =	ssyncset.done $0x0;
	v24 =	vmov s0  }
0x205: {  	s26 =	simm.s32 $0xA680;
	[sflag:s20] =	ssyncadd.s32 $0xFFFFC000;
	v24 =	vand.u32 $0x7C, v24  }
0x206: {  	v25 =	vld [tilespmem:s26+$0xFFFFFF80];
	v26 =	vadd.s32 v11, v24;
	_ =	sdelay $0x4  }
0x207: {  	[tilespmem:v26+s19+$0x0] =	vst.idx.msk $0xffff, v25  }
0x208: {  	v26 =	vadd.s32 v17, v24;
	v25 =	vld [tilespmem:s26+$0xFFFFFF90];
	_ =	sdelay $0x4  }
0x209: {  	[tilespmem:v26+s19+$0x0] =	vst.idx.msk $0xffff, v25  }
0x20a: {  	v26 =	vadd.s32 v18, v24;
	v25 =	vld [tilespmem:s26+$0xFFFFFFA0];
	_ =	sdelay $0x4  }
0x20b: {  	[tilespmem:v26+s19+$0x0] =	vst.idx.msk $0xffff, v25  }
0x20c: {  	v26 =	vadd.s32 v19, v24;
	v25 =	vld [tilespmem:s26+$0xFFFFFFB0];
	_ =	sdelay $0x2  }
0x20d: {  	s25 =	simm.s32 $0x1  }
0x20e: {  	v27 =	vmov s25  }
0x20f: {  	[tilespmem:v26+s19+$0x0] =	vst.idx.msk $0xffff, v25;
	v25 =	vand.u32 $0x7D, v27  }
0x210: {  	v26 =	vld [tilespmem:s26+$0xFFFFFFC0];
	v27 =	vadd.s32 v11, v25;
	_ =	sdelay $0x4  }
0x211: {  	[tilespmem:v27+s19+$0x0] =	vst.idx.msk $0xffff, v26  }
0x212: {  	v27 =	vadd.s32 v17, v25;
	v26 =	vld [tilespmem:s26+$0xFFFFFFD0];
	_ =	sdelay $0x4  }
0x213: {  	[tilespmem:v27+s19+$0x0] =	vst.idx.msk $0xffff, v26  }
0x214: {  	v27 =	vadd.s32 v18, v25;
	v26 =	vld [tilespmem:s26+$0xFFFFFFE0];
	_ =	sdelay $0x4  }
0x215: {  	[tilespmem:v27+s19+$0x0] =	vst.idx.msk $0xffff, v26  }
0x216: {  	v27 =	vadd.s32 v19, v25;
	v26 =	vld [tilespmem:s26+$0xFFFFFFF0];
	_ =	sdelay $0x2  }
0x217: {  	s30 =	simm.s32 $0x2  }
0x218: {  	v28 =	vmov s30  }
0x219: {  	[tilespmem:v27+s19+$0x0] =	vst.idx.msk $0xffff, v26;
	v26 =	vand.u32 $0x7E, v28  }
0x21a: {  	v27 =	vld [tilespmem:s26+$0x0];
	v28 =	vadd.s32 v11, v26;
	_ =	sdelay $0x4  }
0x21b: {  	[tilespmem:v28+s19+$0x0] =	vst.idx.msk $0xffff, v27  }
0x21c: {  	v28 =	vadd.s32 v17, v26;
	v27 =	vld [tilespmem:s26+$0x10];
	_ =	sdelay $0x4  }
0x21d: {  	[tilespmem:v28+s19+$0x0] =	vst.idx.msk $0xffff, v27  }
0x21e: {  	v28 =	vadd.s32 v18, v26;
	v27 =	vld [tilespmem:s26+$0x20];
	_ =	sdelay $0x4  }
0x21f: {  	[tilespmem:v28+s19+$0x0] =	vst.idx.msk $0xffff, v27  }
0x220: {  	v28 =	vadd.s32 v19, v26;
	v27 =	vld [tilespmem:s26+$0x30];
	_ =	sdelay $0x2  }
0x221: {  	s31 =	simm.s32 $0x3  }
0x222: {  	v29 =	vmov s31  }
0x223: {  	[tilespmem:v28+s19+$0x0] =	vst.idx.msk $0xffff, v27;
	v27 =	vand.u32 $0x7F, v29  }
0x224: {  	v28 =	vld [tilespmem:s26+$0x40];
	v29 =	vadd.s32 v11, v27;
	_ =	sdelay $0x4  }
0x225: {  	[tilespmem:v29+s19+$0x0] =	vst.idx.msk $0xffff, v28  }
0x226: {  	v29 =	vadd.s32 v17, v27;
	v28 =	vld [tilespmem:s26+$0x50];
	_ =	sdelay $0x4  }
0x227: {  	[tilespmem:v29+s19+$0x0] =	vst.idx.msk $0xffff, v28  }
0x228: {  	v29 =	vadd.s32 v18, v27;
	v28 =	vld [tilespmem:s26+$0x60];
	_ =	sdelay $0x4  }
0x229: {  	[tilespmem:v29+s19+$0x0] =	vst.idx.msk $0xffff, v28  }
0x22a: {  	v29 =	vadd.s32 v19, v27;
	v28 =	vld [tilespmem:s26+$0x70];
	_ =	sdelay $0x2  }
0x22b: {  	s25 =	simm.s32 $0x4  }
0x22c: {  	s29 =	simm.s32 $0x8;
	s28 =	simm.s32 $0x4;
	v30 =	vmov s25  }
.LBB2_13:
0x22d: {  	p0 =	sne.s32 s29, $0x7C;
	v30 =	vand.u32 $0x7C, v30;
	[tilespmem:v29+s19+$0x0] =	vst.idx.msk $0xffff, v28;
	s26 =	sadd.s32 $0x100, s26  }
0x22e: {  	v28 =	vld [tilespmem:s26+$0xFFFFFF80];
	v29 =	vadd.s32 v11, v30;
	_ =	sdelay $0x4  }
0x22f: {  	[tilespmem:v29+s19+$0x0] =	vst.idx.msk $0xffff, v28  }
0x230: {  	v29 =	vadd.s32 v17, v30;
	v28 =	vld [tilespmem:s26+$0xFFFFFF90];
	_ =	sdelay $0x4  }
0x231: {  	[tilespmem:v29+s19+$0x0] =	vst.idx.msk $0xffff, v28  }
0x232: {  	v29 =	vadd.s32 v18, v30;
	v28 =	vld [tilespmem:s26+$0xFFFFFFA0];
	_ =	sdelay $0x4  }
0x233: {  	[tilespmem:v29+s19+$0x0] =	vst.idx.msk $0xffff, v28  }
0x234: {  	v29 =	vadd.s32 v19, v30;
	v28 =	vld [tilespmem:s26+$0xFFFFFFB0];
	_ =	sdelay $0x2  }
0x235: {  	s0 =	sadd.s32 $0x1, s28  }
0x236: {  	v30 =	vmov s0  }
0x237: {  	[tilespmem:v29+s19+$0x0] =	vst.idx.msk $0xffff, v28;
	v28 =	vand.u32 $0x7D, v30  }
0x238: {  	v29 =	vld [tilespmem:s26+$0xFFFFFFC0];
	v30 =	vadd.s32 v11, v28;
	_ =	sdelay $0x4  }
0x239: {  	[tilespmem:v30+s19+$0x0] =	vst.idx.msk $0xffff, v29  }
0x23a: {  	v30 =	vadd.s32 v17, v28;
	v29 =	vld [tilespmem:s26+$0xFFFFFFD0];
	_ =	sdelay $0x4  }
0x23b: {  	[tilespmem:v30+s19+$0x0] =	vst.idx.msk $0xffff, v29  }
0x23c: {  	v30 =	vadd.s32 v18, v28;
	v29 =	vld [tilespmem:s26+$0xFFFFFFE0];
	_ =	sdelay $0x4  }
0x23d: {  	[tilespmem:v30+s19+$0x0] =	vst.idx.msk $0xffff, v29  }
0x23e: {  	v28 =	vadd.s32 v19, v28;
	v29 =	vld [tilespmem:s26+$0xFFFFFFF0];
	_ =	sdelay $0x2  }
0x23f: {  	s0 =	sadd.s32 $0x2, s28  }
0x240: {  	v30 =	vmov s0  }
0x241: {  	[tilespmem:v28+s19+$0x0] =	vst.idx.msk $0xffff, v29;
	v28 =	vand.u32 $0x7E, v30  }
0x242: {  	v29 =	vld [tilespmem:s26+$0x0];
	v30 =	vadd.s32 v11, v28;
	_ =	sdelay $0x4  }
0x243: {  	[tilespmem:v30+s19+$0x0] =	vst.idx.msk $0xffff, v29  }
0x244: {  	v30 =	vadd.s32 v17, v28;
	v29 =	vld [tilespmem:s26+$0x10];
	_ =	sdelay $0x4  }
0x245: {  	[tilespmem:v30+s19+$0x0] =	vst.idx.msk $0xffff, v29  }
0x246: {  	v30 =	vadd.s32 v18, v28;
	v29 =	vld [tilespmem:s26+$0x20];
	_ =	sdelay $0x4  }
0x247: {  	[tilespmem:v30+s19+$0x0] =	vst.idx.msk $0xffff, v29  }
0x248: {  	v28 =	vadd.s32 v19, v28;
	v29 =	vld [tilespmem:s26+$0x30];
	_ =	sdelay $0x2  }
0x249: {  	s0 =	sadd.s32 $0x3, s28;
	s28 =	smov.u32 s29  }
0x24a: {  	v30 =	vmov s0  }
0x24b: {  	[tilespmem:v28+s19+$0x0] =	vst.idx.msk $0xffff, v29;
	v29 =	vand.u32 $0x7F, v30  }
0x24c: {  	v28 =	vld [tilespmem:s26+$0x40];
	v30 =	vadd.s32 v11, v29;
	_ =	sdelay $0x4  }
0x24d: {  	[tilespmem:v30+s19+$0x0] =	vst.idx.msk $0xffff, v28  }
0x24e: {  	v30 =	vadd.s32 v17, v29;
	v28 =	vld [tilespmem:s26+$0x50];
	_ =	sdelay $0x4  }
0x24f: {  	[tilespmem:v30+s19+$0x0] =	vst.idx.msk $0xffff, v28  }
0x250: {  	v30 =	vadd.s32 v18, v29;
	v28 =	vld [tilespmem:s26+$0x60];
	_ =	sdelay $0x4  }
0x251: {  	[tilespmem:v30+s19+$0x0] =	vst.idx.msk $0xffff, v28  }
.Ltmp5:
0x252: {  	v29 =	vadd.s32 v19, v29;
	v28 =	vld [tilespmem:s26+$0x70];
	(pc) =	sbr.rel @p0 .LBB2_13-.Ltmp5, $2  }
0x253: {  	_ =	sdelay $0x2  }
0x254: {  	s29 =	sadd.s32 $0x4, s29;
	v30 =	vmov s28  }
0x255: {  	_ =	sdelay $0x3  }
0x256: {  	v30 =	vand.u32 $0x7C, v30;
	[tilespmem:v29+s19+$0x0] =	vst.idx.msk $0xffff, v28;
	s0 =	sadd.s32 $0x100, s26  }
0x257: {  	v28 =	vld [tilespmem:s0+$0xFFFFFF80];
	v42 =	vadd.s32 v11, v30;
	_ =	sdelay $0x4  }
0x258: {  	[tilespmem:v42+s19+$0x0] =	vst.idx.msk $0xffff, v28  }
0x259: {  	v43 =	vadd.s32 v17, v30;
	v28 =	vld [tilespmem:s0+$0xFFFFFF90];
	_ =	sdelay $0x4  }
0x25a: {  	[tilespmem:v43+s19+$0x0] =	vst.idx.msk $0xffff, v28  }
0x25b: {  	v44 =	vadd.s32 v18, v30;
	v28 =	vld [tilespmem:s0+$0xFFFFFFA0];
	_ =	sdelay $0x4  }
0x25c: {  	[tilespmem:v44+s19+$0x0] =	vst.idx.msk $0xffff, v28  }
0x25d: {  	v45 =	vadd.s32 v19, v30;
	v28 =	vld [tilespmem:s0+$0xFFFFFFB0];
	_ =	sdelay $0x2  }
0x25e: {  	s1 =	sadd.s32 $0x1, s28  }
0x25f: {  	v46 =	vmov s1  }
0x260: {  	v47 =	vand.u32 $0x7D, v46;
	[tilespmem:v45+s19+$0x0] =	vst.idx.msk $0xffff, v28  }
0x261: {  	v30 =	vadd.s32 v11, v47;
	v29 =	vld [tilespmem:s0+$0xFFFFFFC0];
	_ =	sdelay $0x4  }
0x262: {  	[tilespmem:v30+s19+$0x0] =	vst.idx.msk $0xffff, v29  }
0x263: {  	v48 =	vadd.s32 v17, v47;
	v29 =	vld [tilespmem:s0+$0xFFFFFFD0];
	_ =	sdelay $0x4  }
0x264: {  	[tilespmem:v48+s19+$0x0] =	vst.idx.msk $0xffff, v29  }
0x265: {  	v49 =	vadd.s32 v18, v47;
	v29 =	vld [tilespmem:s0+$0xFFFFFFE0];
	_ =	sdelay $0x4  }
0x266: {  	[tilespmem:v49+s19+$0x0] =	vst.idx.msk $0xffff, v29  }
0x267: {  	v28 =	vadd.s32 v19, v47;
	v29 =	vld [tilespmem:s0+$0xFFFFFFF0];
	_ =	sdelay $0x2  }
0x268: {  	s30 =	sadd.s32 $0x2, s28  }
0x269: {  	v50 =	vmov s30  }
0x26a: {  	v51 =	vand.u32 $0x7E, v50;
	[tilespmem:v28+s19+$0x0] =	vst.idx.msk $0xffff, v29  }
0x26b: {  	v30 =	vadd.s32 v11, v51;
	v29 =	vld [tilespmem:s0+$0x0];
	_ =	sdelay $0x4  }
0x26c: {  	[tilespmem:v30+s19+$0x0] =	vst.idx.msk $0xffff, v29  }
0x26d: {  	v52 =	vadd.s32 v17, v51;
	v29 =	vld [tilespmem:s0+$0x10];
	_ =	sdelay $0x4  }
0x26e: {  	[tilespmem:v52+s19+$0x0] =	vst.idx.msk $0xffff, v29  }
0x26f: {  	v53 =	vadd.s32 v18, v51;
	v29 =	vld [tilespmem:s0+$0x20];
	_ =	sdelay $0x4  }
0x270: {  	[tilespmem:v53+s19+$0x0] =	vst.idx.msk $0xffff, v29  }
0x271: {  	v28 =	vadd.s32 v19, v51;
	v29 =	vld [tilespmem:s0+$0x30];
	_ =	sdelay $0x2  }
0x272: {  	s31 =	sadd.s32 $0x3, s28  }
0x273: {  	v54 =	vmov s31  }
0x274: {  	v55 =	vand.u32 $0x7F, v54;
	[tilespmem:v28+s19+$0x0] =	vst.idx.msk $0xffff, v29  }
0x275: {  	v30 =	vadd.s32 v11, v55;
	v29 =	vld [tilespmem:s0+$0x40];
	_ =	sdelay $0x4  }
0x276: {  	[tilespmem:v30+s19+$0x0] =	vst.idx.msk $0xffff, v29  }
0x277: {  	v56 =	vadd.s32 v17, v55;
	v29 =	vld [tilespmem:s0+$0x50];
	_ =	sdelay $0x4  }
0x278: {  	[tilespmem:v56+s19+$0x0] =	vst.idx.msk $0xffff, v29  }
0x279: {  	v57 =	vadd.s32 v18, v55;
	v29 =	vld [tilespmem:s0+$0x60];
	_ =	sdelay $0x4  }
0x27a: {  	[tilespmem:v57+s19+$0x0] =	vst.idx.msk $0xffff, v29  }
0x27b: {  	v28 =	vadd.s32 v19, v55;
	v29 =	vld [tilespmem:s0+$0x70];
	_ =	sdelay $0x4  }
0x27c: {  	s26 =	simm.s32 $0xC6F0;
	[tilespmem:v28+s19+$0x0] =	vst.idx.msk $0xffff, v29  }
0x27d: {  	v58 =	vadd.s32 v20, v24;
	v28 =	vld [tilespmem:s26+$0xFFFFFF10];
	_ =	sdelay $0x4  }
0x27e: {  	[tilespmem:v58+s19+$0x0] =	vst.idx.msk $0xffff, v28  }
0x27f: {  	v59 =	vadd.s32 v21, v24;
	v28 =	vld [tilespmem:s26+$0xFFFFFF20];
	_ =	sdelay $0x4  }
0x280: {  	[tilespmem:v59+s19+$0x0] =	vst.idx.msk $0xffff, v28  }
0x281: {  	v60 =	vadd.s32 v22, v24;
	v28 =	vld [tilespmem:s26+$0xFFFFFF30];
	_ =	sdelay $0x4  }
0x282: {  	[tilespmem:v60+s19+$0x0] =	vst.idx.msk $0xffff, v28  }
0x283: {  	v24 =	vadd.s32 v23, v24;
	v28 =	vld [tilespmem:s26+$0xFFFFFF40];
	_ =	sdelay $0x4  }
0x284: {  	[tilespmem:v24+s19+$0x0] =	vst.idx.msk $0xffff, v28  }
0x285: {  	v61 =	vadd.s32 v20, v25;
	v24 =	vld [tilespmem:s26+$0xFFFFFF50];
	_ =	sdelay $0x4  }
0x286: {  	[tilespmem:v61+s19+$0x0] =	vst.idx.msk $0xffff, v24  }
0x287: {  	v62 =	vadd.s32 v21, v25;
	v24 =	vld [tilespmem:s26+$0xFFFFFF60];
	_ =	sdelay $0x4  }
0x288: {  	[tilespmem:v62+s19+$0x0] =	vst.idx.msk $0xffff, v24  }
0x289: {  	v63 =	vadd.s32 v22, v25;
	v24 =	vld [tilespmem:s26+$0xFFFFFF70];
	_ =	sdelay $0x4  }
0x28a: {  	[tilespmem:v63+s19+$0x0] =	vst.idx.msk $0xffff, v24  }
0x28b: {  	v25 =	vadd.s32 v23, v25;
	v24 =	vld [tilespmem:s26+$0xFFFFFF80];
	_ =	sdelay $0x4  }
0x28c: {  	[tilespmem:v25+s19+$0x0] =	vst.idx.msk $0xffff, v24  }
0x28d: {  	v25 =	vadd.s32 v20, v26;
	v24 =	vld [tilespmem:s26+$0xFFFFFF90];
	_ =	sdelay $0x4  }
0x28e: {  	[tilespmem:v25+s19+$0x0] =	vst.idx.msk $0xffff, v24  }
0x28f: {  	v25 =	vadd.s32 v21, v26;
	v24 =	vld [tilespmem:s26+$0xFFFFFFA0];
	_ =	sdelay $0x4  }
0x290: {  	[tilespmem:v25+s19+$0x0] =	vst.idx.msk $0xffff, v24  }
0x291: {  	v25 =	vadd.s32 v22, v26;
	v24 =	vld [tilespmem:s26+$0xFFFFFFB0];
	_ =	sdelay $0x4  }
0x292: {  	[tilespmem:v25+s19+$0x0] =	vst.idx.msk $0xffff, v24  }
0x293: {  	v25 =	vadd.s32 v23, v26;
	v24 =	vld [tilespmem:s26+$0xFFFFFFC0];
	_ =	sdelay $0x4  }
0x294: {  	[tilespmem:v25+s19+$0x0] =	vst.idx.msk $0xffff, v24  }
0x295: {  	v25 =	vadd.s32 v20, v27;
	v24 =	vld [tilespmem:s26+$0xFFFFFFD0];
	_ =	sdelay $0x4  }
0x296: {  	[tilespmem:v25+s19+$0x0] =	vst.idx.msk $0xffff, v24  }
0x297: {  	v25 =	vadd.s32 v21, v27;
	v24 =	vld [tilespmem:s26+$0xFFFFFFE0];
	_ =	sdelay $0x4  }
0x298: {  	[tilespmem:v25+s19+$0x0] =	vst.idx.msk $0xffff, v24  }
0x299: {  	v25 =	vadd.s32 v22, v27;
	v24 =	vld [tilespmem:s26+$0xFFFFFFF0];
	_ =	sdelay $0x4  }
0x29a: {  	[tilespmem:v25+s19+$0x0] =	vst.idx.msk $0xffff, v24  }
0x29b: {  	v25 =	vadd.s32 v23, v27;
	v24 =	vld [tilespmem:s26+$0x0];
	_ =	sdelay $0x3  }
0x29c: {  	s28 =	simm.s32 $0x8;
	v26 =	vmov s25  }
.LBB2_15:
0x29d: {  	p0 =	sne.s32 s28, $0x7C;
	v26 =	vand.u32 $0x7C, v26;
	[tilespmem:v25+s19+$0x0] =	vst.idx.msk $0xffff, v24;
	s26 =	sadd.s32 $0x100, s26  }
0x29e: {  	v24 =	vld [tilespmem:s26+$0xFFFFFF10];
	v25 =	vadd.s32 v20, v26;
	_ =	sdelay $0x4  }
0x29f: {  	[tilespmem:v25+s19+$0x0] =	vst.idx.msk $0xffff, v24  }
0x2a0: {  	v25 =	vadd.s32 v21, v26;
	v24 =	vld [tilespmem:s26+$0xFFFFFF20];
	_ =	sdelay $0x4  }
0x2a1: {  	[tilespmem:v25+s19+$0x0] =	vst.idx.msk $0xffff, v24  }
0x2a2: {  	v25 =	vadd.s32 v22, v26;
	v24 =	vld [tilespmem:s26+$0xFFFFFF30];
	_ =	sdelay $0x4  }
0x2a3: {  	[tilespmem:v25+s19+$0x0] =	vst.idx.msk $0xffff, v24  }
0x2a4: {  	v25 =	vadd.s32 v23, v26;
	v24 =	vld [tilespmem:s26+$0xFFFFFF40];
	_ =	sdelay $0x2  }
0x2a5: {  	s0 =	sadd.s32 $0x1, s25  }
0x2a6: {  	v26 =	vmov s0  }
0x2a7: {  	[tilespmem:v25+s19+$0x0] =	vst.idx.msk $0xffff, v24;
	v24 =	vand.u32 $0x7D, v26  }
0x2a8: {  	v25 =	vld [tilespmem:s26+$0xFFFFFF50];
	v26 =	vadd.s32 v20, v24;
	_ =	sdelay $0x4  }
0x2a9: {  	[tilespmem:v26+s19+$0x0] =	vst.idx.msk $0xffff, v25  }
0x2aa: {  	v26 =	vadd.s32 v21, v24;
	v25 =	vld [tilespmem:s26+$0xFFFFFF60];
	_ =	sdelay $0x4  }
0x2ab: {  	[tilespmem:v26+s19+$0x0] =	vst.idx.msk $0xffff, v25  }
0x2ac: {  	v26 =	vadd.s32 v22, v24;
	v25 =	vld [tilespmem:s26+$0xFFFFFF70];
	_ =	sdelay $0x4  }
0x2ad: {  	[tilespmem:v26+s19+$0x0] =	vst.idx.msk $0xffff, v25  }
0x2ae: {  	v24 =	vadd.s32 v23, v24;
	v25 =	vld [tilespmem:s26+$0xFFFFFF80];
	_ =	sdelay $0x2  }
0x2af: {  	s0 =	sadd.s32 $0x2, s25  }
0x2b0: {  	v26 =	vmov s0  }
0x2b1: {  	[tilespmem:v24+s19+$0x0] =	vst.idx.msk $0xffff, v25;
	v24 =	vand.u32 $0x7E, v26  }
0x2b2: {  	v25 =	vld [tilespmem:s26+$0xFFFFFF90];
	v26 =	vadd.s32 v20, v24;
	_ =	sdelay $0x4  }
0x2b3: {  	[tilespmem:v26+s19+$0x0] =	vst.idx.msk $0xffff, v25  }
0x2b4: {  	v26 =	vadd.s32 v21, v24;
	v25 =	vld [tilespmem:s26+$0xFFFFFFA0];
	_ =	sdelay $0x4  }
0x2b5: {  	[tilespmem:v26+s19+$0x0] =	vst.idx.msk $0xffff, v25  }
0x2b6: {  	v26 =	vadd.s32 v22, v24;
	v25 =	vld [tilespmem:s26+$0xFFFFFFB0];
	_ =	sdelay $0x4  }
0x2b7: {  	[tilespmem:v26+s19+$0x0] =	vst.idx.msk $0xffff, v25  }
0x2b8: {  	v24 =	vadd.s32 v23, v24;
	v25 =	vld [tilespmem:s26+$0xFFFFFFC0];
	_ =	sdelay $0x2  }
0x2b9: {  	s0 =	sadd.s32 $0x3, s25;
	s25 =	smov.u32 s28  }
0x2ba: {  	v26 =	vmov s0  }
0x2bb: {  	[tilespmem:v24+s19+$0x0] =	vst.idx.msk $0xffff, v25;
	v25 =	vand.u32 $0x7F, v26  }
0x2bc: {  	v24 =	vld [tilespmem:s26+$0xFFFFFFD0];
	v26 =	vadd.s32 v20, v25;
	_ =	sdelay $0x4  }
0x2bd: {  	[tilespmem:v26+s19+$0x0] =	vst.idx.msk $0xffff, v24  }
0x2be: {  	v26 =	vadd.s32 v21, v25;
	v24 =	vld [tilespmem:s26+$0xFFFFFFE0];
	_ =	sdelay $0x4  }
0x2bf: {  	[tilespmem:v26+s19+$0x0] =	vst.idx.msk $0xffff, v24  }
0x2c0: {  	v26 =	vadd.s32 v22, v25;
	v24 =	vld [tilespmem:s26+$0xFFFFFFF0];
	_ =	sdelay $0x4  }
0x2c1: {  	[tilespmem:v26+s19+$0x0] =	vst.idx.msk $0xffff, v24  }
.Ltmp6:
0x2c2: {  	v25 =	vadd.s32 v23, v25;
	v24 =	vld [tilespmem:s26+$0x0];
	(pc) =	sbr.rel @p0 .LBB2_15-.Ltmp6, $2  }
0x2c3: {  	_ =	sdelay $0x2  }
0x2c4: {  	s28 =	sadd.s32 $0x4, s28;
	v26 =	vmov s25  }
0x2c5: {  	_ =	sdelay $0x3  }
0x2c6: {  	v26 =	vand.u32 $0x7C, v26;
	[tilespmem:v25+s19+$0x0] =	vst.idx.msk $0xffff, v24;
	s0 =	sadd.s32 $0x100, s26  }
0x2c7: {  	v24 =	vld [tilespmem:s0+$0xFFFFFF10];
	v48 =	vadd.s32 v20, v26;
	_ =	sdelay $0x4  }
0x2c8: {  	[tilespmem:v48+s19+$0x0] =	vst.idx.msk $0xffff, v24  }
0x2c9: {  	v49 =	vadd.s32 v21, v26;
	v24 =	vld [tilespmem:s0+$0xFFFFFF20];
	_ =	sdelay $0x4  }
0x2ca: {  	[tilespmem:v49+s19+$0x0] =	vst.idx.msk $0xffff, v24  }
0x2cb: {  	v50 =	vadd.s32 v22, v26;
	v24 =	vld [tilespmem:s0+$0xFFFFFF30];
	_ =	sdelay $0x4  }
0x2cc: {  	[tilespmem:v50+s19+$0x0] =	vst.idx.msk $0xffff, v24  }
0x2cd: {  	v51 =	vadd.s32 v23, v26;
	v24 =	vld [tilespmem:s0+$0xFFFFFF40];
	_ =	sdelay $0x2  }
0x2ce: {  	s1 =	sadd.s32 $0x1, s25  }
0x2cf: {  	v52 =	vmov s1  }
0x2d0: {  	v53 =	vand.u32 $0x7D, v52;
	[tilespmem:v51+s19+$0x0] =	vst.idx.msk $0xffff, v24  }
0x2d1: {  	v26 =	vadd.s32 v20, v53;
	v25 =	vld [tilespmem:s0+$0xFFFFFF50];
	_ =	sdelay $0x4  }
0x2d2: {  	[tilespmem:v26+s19+$0x0] =	vst.idx.msk $0xffff, v25  }
0x2d3: {  	v54 =	vadd.s32 v21, v53;
	v25 =	vld [tilespmem:s0+$0xFFFFFF60];
	_ =	sdelay $0x4  }
0x2d4: {  	[tilespmem:v54+s19+$0x0] =	vst.idx.msk $0xffff, v25  }
0x2d5: {  	v55 =	vadd.s32 v22, v53;
	v25 =	vld [tilespmem:s0+$0xFFFFFF70];
	_ =	sdelay $0x4  }
0x2d6: {  	[tilespmem:v55+s19+$0x0] =	vst.idx.msk $0xffff, v25  }
0x2d7: {  	v24 =	vadd.s32 v23, v53;
	v25 =	vld [tilespmem:s0+$0xFFFFFF80];
	_ =	sdelay $0x2  }
0x2d8: {  	s31 =	sadd.s32 $0x2, s25  }
0x2d9: {  	v56 =	vmov s31  }
0x2da: {  	v57 =	vand.u32 $0x7E, v56;
	[tilespmem:v24+s19+$0x0] =	vst.idx.msk $0xffff, v25  }
0x2db: {  	v26 =	vadd.s32 v20, v57;
	v25 =	vld [tilespmem:s0+$0xFFFFFF90];
	_ =	sdelay $0x4  }
0x2dc: {  	[tilespmem:v26+s19+$0x0] =	vst.idx.msk $0xffff, v25  }
0x2dd: {  	v58 =	vadd.s32 v21, v57;
	v25 =	vld [tilespmem:s0+$0xFFFFFFA0];
	_ =	sdelay $0x4  }
0x2de: {  	[tilespmem:v58+s19+$0x0] =	vst.idx.msk $0xffff, v25  }
0x2df: {  	v59 =	vadd.s32 v22, v57;
	v25 =	vld [tilespmem:s0+$0xFFFFFFB0];
	_ =	sdelay $0x4  }
0x2e0: {  	[tilespmem:v59+s19+$0x0] =	vst.idx.msk $0xffff, v25  }
0x2e1: {  	v24 =	vadd.s32 v23, v57;
	v25 =	vld [tilespmem:s0+$0xFFFFFFC0];
	_ =	sdelay $0x2  }
0x2e2: {  	s26 =	sadd.s32 $0x3, s25  }
0x2e3: {  	v60 =	vmov s26  }
0x2e4: {  	v61 =	vand.u32 $0x7F, v60;
	[tilespmem:v24+s19+$0x0] =	vst.idx.msk $0xffff, v25  }
0x2e5: {  	v26 =	vadd.s32 v20, v61;
	v25 =	vld [tilespmem:s0+$0xFFFFFFD0];
	_ =	sdelay $0x4  }
0x2e6: {  	[tilespmem:v26+s19+$0x0] =	vst.idx.msk $0xffff, v25  }
0x2e7: {  	v62 =	vadd.s32 v21, v61;
	v25 =	vld [tilespmem:s0+$0xFFFFFFE0];
	_ =	sdelay $0x4  }
0x2e8: {  	[tilespmem:v62+s19+$0x0] =	vst.idx.msk $0xffff, v25  }
0x2e9: {  	v63 =	vadd.s32 v22, v61;
	v25 =	vld [tilespmem:s0+$0xFFFFFFF0];
	_ =	sdelay $0x4  }
0x2ea: {  	[tilespmem:v63+s19+$0x0] =	vst.idx.msk $0xffff, v25  }
0x2eb: {  	v24 =	vadd.s32 v23, v61;
	v25 =	vld [tilespmem:s0+$0x0]  }
0x2ec: {  	s29 =	sadd.s32 s23, s6  }
0x2ed: {  	s30 =	sshll.u32 s24, $0x15;
	s0 =	sshll.u32 s29, $0xA  }
0x2ee: {  	s0 =	sor.u32 s0, s30  }
0x2ef: {  	s23 =	sshrl.u32 s0, $0x3  }
0x2f0: {  	s31 =	simm.s32 $0xE600;
	s0 =	sadd.s32 s2, s23;
	[tilespmem:v24+s19+$0x0] =	vst.idx.msk $0xffff, v25  }
0x2f1: {  	[hbm4b:s0+s3] =	stream.linear.scatter [tilespmem:s31], [sflag:$0x3], $0x80, $0x38;
	[tilespmem:$0x12A00] =	vst v63  }
0x2f2: {  	s24 =	simm.s32 $0xE688;
	s25 =	sadd.s32 $0x10, s0  }
0x2f3: {  	[hbm4b:s25+s3] =	stream.linear.scatter [tilespmem:s24], [sflag:$0x3], $0x80, $0x38;
	[tilespmem:$0x12A00] =	vst v63  }
0x2f4: {  	s28 =	simm.s32 $0xE9B8;
	s26 =	simm.s32 $0xE710;
	s29 =	sadd.s32 $0x20, s0  }
0x2f5: {  	[hbm4b:s29+s3] =	stream.linear.scatter [tilespmem:s26], [sflag:$0x3], $0x80, $0x38;
	[tilespmem:$0x12A00] =	vst v63  }
0x2f6: {  	s30 =	simm.s32 $0xE798;
	s1 =	sadd.s32 $0x70, s0;
	s31 =	sadd.s32 $0x30, s0  }
0x2f7: {  	[hbm4b:s31+s3] =	stream.linear.scatter [tilespmem:s30], [sflag:$0x3], $0x80, $0x38;
	[tilespmem:$0x12A00] =	vst v63  }
0x2f8: {  	s24 =	simm.s32 $0xE820;
	s25 =	sadd.s32 $0x40, s0;
	s26 =	simm.s32 $0xE8A8  }
0x2f9: {  	[hbm4b:s25+s3] =	stream.linear.scatter [tilespmem:s24], [sflag:$0x3], $0x80, $0x38;
	[tilespmem:$0x12A00] =	vst v63  }
0x2fa: {  	s29 =	sadd.s32 $0x50, s0;
	s30 =	simm.s32 $0xE930;
	s31 =	sadd.s32 $0x60, s0  }
0x2fb: {  	[hbm4b:s29+s3] =	stream.linear.scatter [tilespmem:s26], [sflag:$0x3], $0x80, $0x38;
	[tilespmem:$0x12A00] =	vst v63  }
0x2fc: {  	s24 =	simm.s32 $0x440;
	s25 =	sadd.s32 $0x4000, s0;
	s26 =	simm.s32 $0x2200  }
0x2fd: {  	[hbm4b:s31+s3] =	stream.linear.scatter [tilespmem:s30], [sflag:$0x3], $0x80, $0x38;
	[tilespmem:$0x12A00] =	vst v63  }
.LBB2_17:
0x2fe: {  	[hbm4b:s1+s3] =	stream.linear.scatter [tilespmem:s28], [sflag:$0x3], $0x80, $0x38;
	[tilespmem:$0x12A00] =	vst v63  }
0x2ff: {  	s0 =	smov.u32 s24;
	s1 =	smov.u32 s26  }
0x300: {  	s29 =	sadd.s32 $0x1100, s26;
	s24 =	sshra.s32 s1, $0x2;
	s1 =	sadd.s32 $0xE600, s0  }
0x301: {  	[hbm4b:s25+s3] =	stream.linear.scatter [tilespmem:s1], [sflag:$0x3], $0x80, $0x38;
	[tilespmem:$0x12A00] =	vst v63  }
0x302: {  	p0 =	sne.s32 s26, $0x7700;
	s26 =	sadd.s32 $0x10, s25;
	s1 =	sadd.s32 $0xE688, s0  }
0x303: {  	[hbm4b:s26+s3] =	stream.linear.scatter [tilespmem:s1], [sflag:$0x3], $0x80, $0x38;
	[tilespmem:$0x12A00] =	vst v63  }
0x304: {  	s1 =	sadd.s32 $0xE710, s0;
	s26 =	sadd.s32 $0x20, s25  }
0x305: {  	[hbm4b:s26+s3] =	stream.linear.scatter [tilespmem:s1], [sflag:$0x3], $0x80, $0x38;
	[tilespmem:$0x12A00] =	vst v63  }
0x306: {  	s1 =	sadd.s32 $0xE798, s0;
	s26 =	sadd.s32 $0x30, s25  }
0x307: {  	[hbm4b:s26+s3] =	stream.linear.scatter [tilespmem:s1], [sflag:$0x3], $0x80, $0x38;
	[tilespmem:$0x12A00] =	vst v63  }
0x308: {  	s1 =	sadd.s32 $0xE820, s0;
	s26 =	sadd.s32 $0x40, s25  }
0x309: {  	[hbm4b:s26+s3] =	stream.linear.scatter [tilespmem:s1], [sflag:$0x3], $0x80, $0x38;
	[tilespmem:$0x12A00] =	vst v63  }
.Ltmp7:
0x30a: {  	s1 =	sadd.s32 $0xE8A8, s0;
	s26 =	sadd.s32 $0x50, s25;
	(pc) =	sbr.rel @p0 .LBB2_17-.Ltmp7, $4  }
0x30b: {  	[hbm4b:s26+s3] =	stream.linear.scatter [tilespmem:s1], [sflag:$0x3], $0x80, $0x38;
	[tilespmem:$0x12A00] =	vst v63  }
0x30c: {  	s28 =	sadd.s32 $0xE9B8, s0;
	s1 =	sadd.s32 $0xE930, s0;
	s26 =	sadd.s32 $0x60, s25  }
0x30d: {  	[hbm4b:s26+s3] =	stream.linear.scatter [tilespmem:s1], [sflag:$0x3], $0x80, $0x38;
	[tilespmem:$0x12A00] =	vst v63  }
0x30e: {  	s1 =	sadd.s32 $0x70, s25;
	s25 =	sadd.s32 $0x4000, s25;
	s26 =	smov.u32 s29  }
0x30f: {  	[hbm4b:s1+s3] =	stream.linear.scatter [tilespmem:s28], [sflag:$0x3], $0x80, $0x38;
	[tilespmem:$0x12A00] =	vst v63  }
0x310: {  	s0 =	sadd.s32 $0xE600, s24  }
0x311: {  	[hbm4b:s25+s3] =	stream.linear.scatter [tilespmem:s0], [sflag:$0x3], $0x80, $0x38;
	[tilespmem:$0x12A00] =	vst v63  }
0x312: {  	s1 =	sadd.s32 $0xE688, s24;
	s26 =	sadd.s32 $0x10, s25  }
0x313: {  	[hbm4b:s26+s3] =	stream.linear.scatter [tilespmem:s1], [sflag:$0x3], $0x80, $0x38;
	[tilespmem:$0x12A00] =	vst v63  }
0x314: {  	s28 =	sadd.s32 $0xE710, s24;
	s29 =	sadd.s32 $0x20, s25  }
0x315: {  	[hbm4b:s29+s3] =	stream.linear.scatter [tilespmem:s28], [sflag:$0x3], $0x80, $0x38;
	[tilespmem:$0x12A00] =	vst v63  }
0x316: {  	s30 =	sadd.s32 $0xE798, s24;
	s31 =	sadd.s32 $0x30, s25  }
0x317: {  	[hbm4b:s31+s3] =	stream.linear.scatter [tilespmem:s30], [sflag:$0x3], $0x80, $0x38;
	[tilespmem:$0x12A00] =	vst v63  }
0x318: {  	s1 =	sadd.s32 $0xE820, s24;
	s26 =	sadd.s32 $0x40, s25  }
0x319: {  	[hbm4b:s26+s3] =	stream.linear.scatter [tilespmem:s1], [sflag:$0x3], $0x80, $0x38;
	[tilespmem:$0x12A00] =	vst v63  }
0x31a: {  	s28 =	sadd.s32 $0xE8A8, s24;
	s29 =	sadd.s32 $0x50, s25  }
0x31b: {  	[hbm4b:s29+s3] =	stream.linear.scatter [tilespmem:s28], [sflag:$0x3], $0x80, $0x38;
	[tilespmem:$0x12A00] =	vst v63  }
0x31c: {  	s30 =	sadd.s32 $0xE930, s24;
	s31 =	sadd.s32 $0x60, s25  }
0x31d: {  	[hbm4b:s31+s3] =	stream.linear.scatter [tilespmem:s30], [sflag:$0x3], $0x80, $0x38;
	[tilespmem:$0x12A00] =	vst v63  }
0x31e: {  	s1 =	sadd.s32 $0xE9B8, s24;
	s24 =	sadd.s32 $0x70, s25  }
0x31f: {  	[hbm4b:s24+s3] =	stream.linear.scatter [tilespmem:s1], [sflag:$0x3], $0x80, $0x38;
	[tilespmem:$0x12A00] =	vst v63  }
0x320: {  	_ =	swait.ge [sflag:s8], $0x2000  }
0x321: {  	s25 =	sor.u32 $0x20000, s23;
	[sflag:s8] =	ssyncset.done $0x0  }
0x322: {  	s26 =	simm.s32 $0x10800;
	s0 =	sadd.s32 s2, s25;
	[sflag:s8] =	ssyncadd.s32 $0xFFFFE000  }
0x323: {  	[hbm4b:s0+s3] =	stream.linear.scatter [tilespmem:s26], [sflag:$0x3], $0x80, $0x38;
	[tilespmem:$0x12A00] =	vst v63  }
0x324: {  	s28 =	simm.s32 $0x10888;
	s29 =	sadd.s32 $0x10, s0  }
0x325: {  	[hbm4b:s29+s3] =	stream.linear.scatter [tilespmem:s28], [sflag:$0x3], $0x80, $0x38;
	[tilespmem:$0x12A00] =	vst v63  }
0x326: {  	s23 =	simm.s32 $0x10998;
	s30 =	simm.s32 $0x10910;
	s31 =	sadd.s32 $0x20, s0  }
0x327: {  	[hbm4b:s31+s3] =	stream.linear.scatter [tilespmem:s30], [sflag:$0x3], $0x80, $0x38;
	[tilespmem:$0x12A00] =	vst v63  }
0x328: {  	s25 =	simm.s32 $0x10A20;
	s24 =	sadd.s32 $0x30, s0;
	s1 =	sadd.s32 $0x70, s0  }
0x329: {  	[hbm4b:s24+s3] =	stream.linear.scatter [tilespmem:s23], [sflag:$0x3], $0x80, $0x38;
	[tilespmem:$0x12A00] =	vst v63  }
0x32a: {  	s26 =	sadd.s32 $0x40, s0;
	s28 =	simm.s32 $0x10AA8;
	s29 =	sadd.s32 $0x50, s0  }
0x32b: {  	[hbm4b:s26+s3] =	stream.linear.scatter [tilespmem:s25], [sflag:$0x3], $0x80, $0x38;
	[tilespmem:$0x12A00] =	vst v63  }
0x32c: {  	s30 =	simm.s32 $0x10B30;
	s31 =	sadd.s32 $0x60, s0;
	s23 =	simm.s32 $0x440  }
0x32d: {  	[hbm4b:s29+s3] =	stream.linear.scatter [tilespmem:s28], [sflag:$0x3], $0x80, $0x38;
	[tilespmem:$0x12A00] =	vst v63  }
0x32e: {  	s24 =	sadd.s32 $0x4000, s0;
	s25 =	simm.s32 $0x2200;
	s26 =	simm.s32 $0x10BB8  }
0x32f: {  	[hbm4b:s31+s3] =	stream.linear.scatter [tilespmem:s30], [sflag:$0x3], $0x80, $0x38;
	[tilespmem:$0x12A00] =	vst v63  }
.LBB2_19:
0x330: {  	[hbm4b:s1+s3] =	stream.linear.scatter [tilespmem:s26], [sflag:$0x3], $0x80, $0x38;
	[tilespmem:$0x12A00] =	vst v63  }
0x331: {  	s0 =	smov.u32 s23;
	s1 =	smov.u32 s25  }
0x332: {  	s28 =	sadd.s32 $0x1100, s25;
	s23 =	sshra.s32 s1, $0x2;
	s1 =	sadd.s32 $0x10800, s0  }
0x333: {  	[hbm4b:s24+s3] =	stream.linear.scatter [tilespmem:s1], [sflag:$0x3], $0x80, $0x38;
	[tilespmem:$0x12A00] =	vst v63  }
0x334: {  	p0 =	sne.s32 s25, $0x7700;
	s25 =	sadd.s32 $0x10, s24;
	s1 =	sadd.s32 $0x10888, s0  }
0x335: {  	[hbm4b:s25+s3] =	stream.linear.scatter [tilespmem:s1], [sflag:$0x3], $0x80, $0x38;
	[tilespmem:$0x12A00] =	vst v63  }
0x336: {  	s1 =	sadd.s32 $0x10910, s0;
	s25 =	sadd.s32 $0x20, s24  }
0x337: {  	[hbm4b:s25+s3] =	stream.linear.scatter [tilespmem:s1], [sflag:$0x3], $0x80, $0x38;
	[tilespmem:$0x12A00] =	vst v63  }
0x338: {  	s1 =	sadd.s32 $0x10998, s0;
	s25 =	sadd.s32 $0x30, s24  }
0x339: {  	[hbm4b:s25+s3] =	stream.linear.scatter [tilespmem:s1], [sflag:$0x3], $0x80, $0x38;
	[tilespmem:$0x12A00] =	vst v63  }
0x33a: {  	s1 =	sadd.s32 $0x10A20, s0;
	s25 =	sadd.s32 $0x40, s24  }
0x33b: {  	[hbm4b:s25+s3] =	stream.linear.scatter [tilespmem:s1], [sflag:$0x3], $0x80, $0x38;
	[tilespmem:$0x12A00] =	vst v63  }
.Ltmp8:
0x33c: {  	s1 =	sadd.s32 $0x10AA8, s0;
	s25 =	sadd.s32 $0x50, s24;
	(pc) =	sbr.rel @p0 .LBB2_19-.Ltmp8, $4  }
0x33d: {  	[hbm4b:s25+s3] =	stream.linear.scatter [tilespmem:s1], [sflag:$0x3], $0x80, $0x38;
	[tilespmem:$0x12A00] =	vst v63  }
0x33e: {  	s26 =	sadd.s32 $0x10BB8, s0;
	s1 =	sadd.s32 $0x10B30, s0;
	s25 =	sadd.s32 $0x60, s24  }
0x33f: {  	[hbm4b:s25+s3] =	stream.linear.scatter [tilespmem:s1], [sflag:$0x3], $0x80, $0x38;
	[tilespmem:$0x12A00] =	vst v63  }
0x340: {  	s1 =	sadd.s32 $0x70, s24;
	s24 =	sadd.s32 $0x4000, s24;
	s25 =	smov.u32 s28  }
0x341: {  	[hbm4b:s1+s3] =	stream.linear.scatter [tilespmem:s26], [sflag:$0x3], $0x80, $0x38;
	[tilespmem:$0x12A00] =	vst v63  }
0x342: {  	s0 =	sadd.s32 $0x10800, s23  }
0x343: {  	[hbm4b:s24+s3] =	stream.linear.scatter [tilespmem:s0], [sflag:$0x3], $0x80, $0x38;
	[tilespmem:$0x12A00] =	vst v63  }
0x344: {  	s30 =	sadd.s32 $0x10888, s23;
	s31 =	sadd.s32 $0x10, s24  }
0x345: {  	[hbm4b:s31+s3] =	stream.linear.scatter [tilespmem:s30], [sflag:$0x3], $0x80, $0x38;
	[tilespmem:$0x12A00] =	vst v63  }
0x346: {  	s25 =	sadd.s32 $0x10910, s23;
	s26 =	sadd.s32 $0x20, s24  }
0x347: {  	[hbm4b:s26+s3] =	stream.linear.scatter [tilespmem:s25], [sflag:$0x3], $0x80, $0x38;
	[tilespmem:$0x12A00] =	vst v63  }
0x348: {  	s28 =	sadd.s32 $0x10998, s23;
	s29 =	sadd.s32 $0x30, s24  }
0x349: {  	[hbm4b:s29+s3] =	stream.linear.scatter [tilespmem:s28], [sflag:$0x3], $0x80, $0x38;
	[tilespmem:$0x12A00] =	vst v63  }
0x34a: {  	s30 =	sadd.s32 $0x10A20, s23;
	s31 =	sadd.s32 $0x40, s24  }
0x34b: {  	[hbm4b:s31+s3] =	stream.linear.scatter [tilespmem:s30], [sflag:$0x3], $0x80, $0x38;
	[tilespmem:$0x12A00] =	vst v63  }
0x34c: {  	s22 =	sadd.s32 $0x1, s22;
	s25 =	sadd.s32 $0x10AA8, s23;
	s26 =	sadd.s32 $0x50, s24  }
0x34d: {  	[hbm4b:s26+s3] =	stream.linear.scatter [tilespmem:s25], [sflag:$0x3], $0x80, $0x38;
	[tilespmem:$0x12A00] =	vst v63  }
0x34e: {  	p0 =	sne.s32 s22, $0x32;
	s28 =	sadd.s32 $0x10B30, s23;
	s29 =	sadd.s32 $0x60, s24  }
0x34f: {  	[hbm4b:s29+s3] =	stream.linear.scatter [tilespmem:s28], [sflag:$0x3], $0x80, $0x38;
	[tilespmem:$0x12A00] =	vst v63  }
.Ltmp9:
0x350: {  	s30 =	sadd.s32 $0x10BB8, s23;
	s31 =	sadd.s32 $0x70, s24;
	(pc) =	sbr.rel @p0 .LBB2_2-.Ltmp9, $4  }
0x351: {  	[hbm4b:s31+s3] =	stream.linear.scatter [tilespmem:s30], [sflag:$0x3], $0x80, $0x38;
	[tilespmem:$0x12A00] =	vst v63  }
0x352: {  	_ =	swait.ge [sflag:s8], $0x2000  }
0x353: {  	[sflag:s8] =	ssyncset.done $0x0  }
0x354: {  	[sflag:s8] =	ssyncadd.s32 $0xFFFFE000  }
0x355: {  	s21 =	sadd.s32 $0x1, s21  }
0x356: {  	p0 =	sne.s32 s21, s7  }
.Ltmp10:
0x357: {  	_ = 	snop;
	(pc) =	sbr.rel @p0 .LBB2_1-.Ltmp10, $1  }
0x358: {  	_ =	sdelay $0x3  }
0x359: {  	_ =	sfence.sel $0x180000  }
0x35a: {  	[bflag:$0x0] =	sbarrier.arrive $0xFFFF  }
0x35b: {  	_ =	strace $0x90000047  }
0x35c: {  	s0 =	stileid.u32;
	[bflag:$0x2] =	sbarrier.arrive $0xFFFF  }
0x35d: {  	p0 =	sne.s32 s0, $0x0;
	s0 =	rddreg [dreg:$0x2]  }
0x35e: {  	s0 =	sadd.s32 @!p0 $0x100000, s0  }
0x35f: {  	[sflag:s0] =	ssyncadd.tile.s32 @!p0 $0x1;
	_ =	shalt  }
.Lfunc_end2:
_tile_overlayer_lowered:
.L_overlay_start_2:
0x360: {  	(tag) =	ssettag $0x2  }
0x361: {  	s0 =	rddreg [dreg:$0x0];
	s2 =	stileid.u32  }
0x362: {  	s1 =	rddreg [dreg:$0x1];
	p0 =	sne.s32 s2, $0x0  }
0x363: {  	s3 =	rddreg [dreg:$0x2];
	[bflag:$0x3] =	sbarrier.arrive $0xFFFF;
	s2 =	simm.s32 @!p0 $0x1C03  }
0x364: {  	[timem:s3], [sflag:s2] =	dma.local @!p0 [hbm:s0], s1  }
0x365: {  	s0 =	simm.s32 @!p0 $0x3  }
0x366: {  	_ =	swait.ge @!p0 [sflag:s0], s1  }
0x367: {  	s1 =	ssub.s32 @!p0 $0x0, s1;
	[sflag:s0] =	ssyncset.done @!p0 $0x0  }
0x368: {  	[sflag:s0] =	ssyncadd.s32 @!p0 s1  }
0x369: {  	[bflag:$0x3] =	sbarrier.arrive $0xFFFF  }
0x36a: {  	_ =	shalt  }

</sc_bundles>
